<compile_context>
chip_gen: v7x
topology: tpu7x:2x2x1
jax: 0.10.2.dev20260603
libtpu: 0.0.44.dev20260713+nightly
codegen_flags: <defaults>
</compile_context>

<pallas_src>
import functools

import jax
import jax.numpy as jnp
from jax import lax
from jax.experimental import pallas as pl
from jax.experimental.pallas import tpu as pltpu
from jax.experimental.pallas import tpu_sc as plsc

_LANES = 16
_C = 128


def _sc_partials(node_embedding, indices, nidx2d, pidx2d, neg_idx2d):
    n_nodes, d = node_embedding.shape
    s = nidx2d.shape[0] * nidx2d.shape[1]

    info = plsc.get_sparse_core_info()
    nc, ns = info.num_cores, info.num_subcores
    nw = nc * ns
    per_w = s // nw
    n_chunks = per_w // _C
    k8 = d // _LANES
    lag = 3
    nrow = _C * _LANES // 128

    mesh = plsc.VectorSubcoreMesh(core_axis_name="c", subcore_axis_name="s")

    @functools.partial(
        pl.kernel,
        mesh=mesh,
        out_type=(
            jax.ShapeDtypeStruct((s * _LANES // 128, 128), jnp.float32),
            jax.ShapeDtypeStruct((s * _LANES // 128, 128), jnp.float32),
        ),
        scratch_types=[
            pltpu.VMEM((n_chunks, _C), jnp.int32),
            pltpu.VMEM((n_chunks, _C), jnp.int32),
            pltpu.VMEM((n_chunks, _C), jnp.int32),
            pltpu.VMEM((n_chunks, _C), jnp.int32),
            pltpu.VMEM((_C, d), jnp.float32),
            pltpu.VMEM((_C, d), jnp.float32),
            pltpu.VMEM((_C, d), jnp.float32),
            pltpu.VMEM((_C, d), jnp.float32),
            pltpu.VMEM((_C * _LANES // 128, 128), jnp.float32),
            pltpu.VMEM((_C * _LANES // 128, 128), jnp.float32),
            pltpu.VMEM((_C * _LANES // 128, 128), jnp.float32),
            pltpu.VMEM((_C * _LANES // 128, 128), jnp.float32),
            pltpu.VMEM(neg_idx2d.shape, jnp.int32),
            pltpu.VMEM_SHARED((n_nodes,), jnp.int32),
            pltpu.SemaphoreType.DMA,
            pltpu.SemaphoreType.DMA,
            pltpu.SemaphoreType.DMA,
            pltpu.SemaphoreType.DMA,
            pltpu.SemaphoreType.DMA,
        ],
    )
    def k(emb_h, idx_h, nidx_h, pidx_h, negidx_h, pos_out, neg_out,
          sn_v, sp_v, cn_v, cp_v, en0, en1, ep0, ep1, pb0, pb1, nb0, nb1,
          negi_v, idx_sp, sem_p, sem_a, sem_b, sem_o0, sem_o1):
        wid = lax.axis_index("s") * nc + lax.axis_index("c")
        base0 = wid * per_w
        row0 = wid * n_chunks

        ens = (en0, en1)
        eps = (ep0, ep1)
        pbs = (pb0, pb1)
        nbs = (nb0, nb1)
        sem_g = (sem_a, sem_b)
        sem_o = (sem_o0, sem_o1)

        @pl.when(lax.axis_index("s") == 0)
        def _():
            pltpu.sync_copy(idx_h, idx_sp)

        plsc.subcore_barrier()

        pltpu.sync_copy(negidx_h, negi_v)
        v = tuple(jnp.zeros((_LANES,), jnp.float32) for _ in range(k8))
        for h in range(neg_idx2d.shape[0]):
            pltpu.async_copy(idx_sp.at[negi_v.at[h]], cn_v.at[0], sem_p).wait()
            pltpu.async_copy(emb_h.at[cn_v.at[0]], en0, sem_p).wait()

            def vacc(j, vs):
                return tuple(
                    vs[kk] + en0[j, pl.ds(kk * _LANES, _LANES)]
                    for kk in range(k8)
                )

            v = lax.fori_loop(0, _C, vacc, v)

        pltpu.sync_copy(nidx_h.at[pl.ds(row0, n_chunks)], sn_v)
        pltpu.sync_copy(pidx_h.at[pl.ds(row0, n_chunks)], sp_v)

        def compose(j, carry):
            pltpu.make_async_copy(idx_sp.at[sn_v.at[j]], cn_v.at[j], sem_p).start()
            pltpu.make_async_copy(idx_sp.at[sp_v.at[j]], cp_v.at[j], sem_p).start()

            @pl.when(j >= lag)
            def _():
                pltpu.make_async_copy(
                    idx_sp.at[sn_v.at[0]], cn_v.at[0], sem_p).wait()
                pltpu.make_async_copy(
                    idx_sp.at[sp_v.at[0]], cp_v.at[0], sem_p).wait()

            return carry

        lax.fori_loop(0, n_chunks, compose, 0)
        for _ in range(lag):
            pltpu.make_async_copy(idx_sp.at[sn_v.at[0]], cn_v.at[0], sem_p).wait()
            pltpu.make_async_copy(idx_sp.at[sp_v.at[0]], cp_v.at[0], sem_p).wait()

        def fire_rows(g, b):
            pltpu.make_async_copy(emb_h.at[cn_v.at[g]], ens[b], sem_g[b]).start()
            pltpu.make_async_copy(emb_h.at[cp_v.at[g]], eps[b], sem_g[b]).start()

        def wait_rows(b):
            pltpu.make_async_copy(emb_h.at[cn_v.at[0]], ens[b], sem_g[b]).wait()
            pltpu.make_async_copy(emb_h.at[cp_v.at[0]], eps[b], sem_g[b]).wait()

        def drain_stores(b):
            pltpu.make_async_copy(
                pbs[b], pos_out.at[pl.ds(0, nrow)], sem_o[b]).wait()
            pltpu.make_async_copy(
                nbs[b], neg_out.at[pl.ds(0, nrow)], sem_o[b]).wait()

        def compute(g, b):
            en_v, ep_v = ens[b], eps[b]
            pb_v, nb_v = pbs[b], nbs[b]

            @plsc.parallel_loop(0, _C, 1, unroll=16)
            def row(j):
                e0 = en_v[j, pl.ds(0, _LANES)]
                p0 = ep_v[j, pl.ds(0, _LANES)]
                pos = e0 * p0
                neg = e0 * v[0]
                for kk in range(1, k8):
                    ek = en_v[j, pl.ds(kk * _LANES, _LANES)]
                    pk = ep_v[j, pl.ds(kk * _LANES, _LANES)]
                    pos = pos + ek * pk
                    neg = neg + ek * v[kk]
                jr = lax.shift_right_logical(j, 3)
                jc = lax.bitwise_and(j, 7) * _LANES
                pb_v[jr, pl.ds(jc, _LANES)] = pos
                nb_v[jr, pl.ds(jc, _LANES)] = neg
            base = pl.multiple_of((base0 + g * _C) * _LANES // 128, nrow)
            pltpu.make_async_copy(
                pb_v, pos_out.at[pl.ds(base, nrow)], sem_o[b]).start()
            pltpu.make_async_copy(
                nb_v, neg_out.at[pl.ds(base, nrow)], sem_o[b]).start()

        fire_rows(0, 0)

        def body2(t, carry):
            g0 = 2 * t
            fire_rows(g0 + 1, 1)
            wait_rows(0)

            @pl.when(t > 0)
            def _():
                drain_stores(0)

            compute(g0, 0)

            @pl.when(g0 + 2 < n_chunks)
            def _():
                fire_rows(g0 + 2, 0)

            wait_rows(1)

            @pl.when(t > 0)
            def _():
                drain_stores(1)

            compute(g0 + 1, 1)
            return carry

        lax.fori_loop(0, n_chunks // 2, body2, 0)
        drain_stores(0)
        drain_stores(1)

    return k(node_embedding, indices, nidx2d, pidx2d, neg_idx2d)


def _tc_loss(pos_partial, neg_partial, s):
    rows = pos_partial.shape[0]
    blk = 5120
    grid = rows // blk
    groups = 128 // _LANES

    def body(pref, nref, oref):
        i = pl.program_id(0)

        @pl.when(i == 0)
        def _():
            oref[...] = jnp.zeros((1, 1), jnp.float32)

        lane = lax.broadcasted_iota(jnp.int32, (128, groups), 0)
        grp = lax.broadcasted_iota(jnp.int32, (128, groups), 1)
        gmat = jnp.where(lane // _LANES == grp, 1.0, 0.0).astype(jnp.float32)

        ps = jax.lax.dot_general(
            pref[...], gmat, (((1,), (0,)), ((), ())),
            preferred_element_type=jnp.float32)
        ns = jax.lax.dot_general(
            nref[...], gmat, (((1,), (0,)), ((), ())),
            preferred_element_type=jnp.float32)
        acc = (3.0 * jnp.sum(jax.nn.softplus(-ps))
               + jnp.sum(jax.nn.softplus(ns)))
        oref[...] += jnp.reshape(acc * (1.0 / s), (1, 1))

    return pl.pallas_call(
        body,
        grid=(grid,),
        in_specs=[
            pl.BlockSpec((blk, 128), lambda i: (i, 0)),
            pl.BlockSpec((blk, 128), lambda i: (i, 0)),
        ],
        out_specs=pl.BlockSpec((1, 1), lambda i: (0, 0)),
        out_shape=jax.ShapeDtypeStruct((1, 1), jnp.float32),
    )(pos_partial, neg_partial)


@jax.jit
def kernel(node_embedding, indices, node_indices, pos_indices, neg_indices):
    nidx2d = node_indices.reshape(-1, _C)
    pidx2d = pos_indices.reshape(-1, _C)
    neg_idx2d = neg_indices.reshape(-1, _C)
    pos_p, neg_p = _sc_partials(
        node_embedding, indices, nidx2d, pidx2d, neg_idx2d)
    s = node_indices.shape[0]
    return _tc_loss(pos_p, neg_p, s).reshape(1)

# --- scband reference (transcript-rebuilt; emitter-appended) ---
"""Pipeline reference for scband-negative-sampling-loss-83648783057026 (READ-ONLY COPY).

The authoritative reference and input builder live on the scoring server;
editing this copy changes nothing except your own understanding.
"""

import jax, jax.numpy as jnp
import numpy as np

N = 100000
D = 128
S = 163840
M = 256


def setup_inputs(seed: int = 0) -> dict:
    key = jax.random.key(seed)
    k1, k2, k3, k4, k5 = jax.random.split(key, 5)
    node_embedding = jax.random.normal(k1, (N, D), dtype=jnp.float32)
    indices = jax.random.randint(k2, (N,), 0, N)
    node_indices = jax.random.randint(k3, (S,), 0, N)
    pos_indices = jax.random.randint(k4, (S,), 0, N)
    neg_indices = jax.random.randint(k5, (M,), 0, N)
    return {
        'node_embedding': node_embedding,
        'indices': indices,
        'node_indices': node_indices,
        'pos_indices': pos_indices,
        'neg_indices': neg_indices,
    }


def reference(node_embedding, indices, node_indices, pos_indices, neg_indices):
    # single-timestamp deterministic version of NegativeSamplingLoss.forward:
    # the random neighbor / negative sampling (__get_node_indices) is hoisted out
    # and supplied as precomputed index tensors; the math is identical.
    embedding_mat = jnp.take(node_embedding, indices, axis=0)
    e_node = jnp.take(embedding_mat, node_indices, axis=0)
    e_pos = jnp.take(embedding_mat, pos_indices, axis=0)
    e_neg = jnp.take(embedding_mat, neg_indices, axis=0)
    pos_score = jnp.sum(e_node * e_pos, axis=1)
    neg_score = jnp.sum(jnp.matmul(e_node, e_neg.T), axis=1)
    # BCEWithLogitsLoss(pos_score, ones)  = mean(softplus(-x))
    # BCEWithLogitsLoss(neg_score, zeros) = mean(softplus(x))
    pos_loss = jnp.mean(jax.nn.softplus(-pos_score))
    neg_loss = jnp.mean(jax.nn.softplus(neg_score))
    loss_val = 3.0 * pos_loss + neg_loss
    neighbor_loss = jnp.zeros((1,), dtype=jnp.float32) + loss_val
    return neighbor_loss

if __name__ == "__main__":
    import jax
    _d = setup_inputs()
    print(jax.jit(kernel)(*tuple(_d.values())))

</pallas_src>

<mosaic_0001>
#map = affine_map<(d0, d1) -> (0, 0)>
#map1 = affine_map<(d0, d1) -> (0)>
module attributes {stable_mosaic.version = 14 : i64} {
  func.func @k(%arg0: i32, %arg1: i32, %arg2: memref<100000x128xf32, #tpu.memory_space<hbm>>, %arg3: memref<100000xi32, #tpu.memory_space<hbm>>, %arg4: memref<1280x128xi32, #tpu.memory_space<hbm>>, %arg5: memref<1280x128xi32, #tpu.memory_space<hbm>>, %arg6: memref<2x128xi32, #tpu.memory_space<hbm>>, %arg7: memref<20480x128xf32, #tpu.memory_space<hbm>>, %arg8: memref<20480x128xf32, #tpu.memory_space<hbm>>, %arg9: memref<40x128xi32, #tpu.memory_space<vmem>>, %arg10: memref<40x128xi32, #tpu.memory_space<vmem>>, %arg11: memref<40x128xi32, #tpu.memory_space<vmem>>, %arg12: memref<40x128xi32, #tpu.memory_space<vmem>>, %arg13: memref<128x128xf32, #tpu.memory_space<vmem>>, %arg14: memref<128x128xf32, #tpu.memory_space<vmem>>, %arg15: memref<128x128xf32, #tpu.memory_space<vmem>>, %arg16: memref<128x128xf32, #tpu.memory_space<vmem>>, %arg17: memref<16x128xf32, #tpu.memory_space<vmem>>, %arg18: memref<16x128xf32, #tpu.memory_space<vmem>>, %arg19: memref<16x128xf32, #tpu.memory_space<vmem>>, %arg20: memref<16x128xf32, #tpu.memory_space<vmem>>, %arg21: memref<2x128xi32, #tpu.memory_space<vmem>>, %arg22: memref<100000xi32, #tpu.memory_space<vmem_shared>>, %arg23: memref<!tpu.dma_semaphore, #tpu.memory_space<semaphore_mem>>, %arg24: memref<!tpu.dma_semaphore, #tpu.memory_space<semaphore_mem>>, %arg25: memref<!tpu.dma_semaphore, #tpu.memory_space<semaphore_mem>>, %arg26: memref<!tpu.dma_semaphore, #tpu.memory_space<semaphore_mem>>, %arg27: memref<!tpu.dma_semaphore, #tpu.memory_space<semaphore_mem>>) attributes {dimension_semantics = [#tpu.dimension_semantics<core_parallel>, #tpu.dimension_semantics<subcore_parallel>], iteration_bounds = array<i64: 2, 16>, scalar_prefetch = 0 : i64, scratch_operands = 19 : i64, tpu.core_type = #tpu.core_type<sc_vector_subcore>, window_params = [{transform_indices = #map}, {transform_indices = #map1}, {transform_indices = #map}, {transform_indices = #map}, {transform_indices = #map}, {transform_indices = #map}, {transform_indices = #map}]} {
    %mul3A = arith.constant 2 : i32
    %mul3A_0 = arith.muli %arg1, %mul3A : i32
    %add3A = arith.addi %mul3A_0, %arg0 : i32
    %mul3A_1 = arith.constant 5120 : i32
    %mul3A_2 = arith.muli %add3A, %mul3A_1 : i32
    %mul3A_3 = arith.constant 40 : i32
    %mul3A_4 = arith.muli %add3A, %mul3A_3 : i32
    %eq3A = arith.constant 0 : i32
    %eq3A_5 = arith.cmpi eq, %arg1, %eq3A : i32
    %convert_element_type3A = arith.extui %eq3A_5 : i1 to i32
    %cond3A = arith.constant 0 : i32
    %cond3A_6 = arith.cmpi ne, %convert_element_type3A, %cond3A : i32
    scf.if %cond3A_6 {
      "tpu.region"() ({
        %run_scoped3A = tpu.sem_alloc : memref<!tpu.dma_semaphore, #tpu.memory_space<semaphore_mem>>
        tpu.enqueue_dma source(%arg3 : memref<100000xi32, #tpu.memory_space<hbm>>) target(%arg22 : memref<100000xi32, #tpu.memory_space<vmem_shared>>) target_semaphore(%run_scoped3A : memref<!tpu.dma_semaphore, #tpu.memory_space<semaphore_mem>>)
        tpu.wait_dma2 semaphore(%run_scoped3A : memref<!tpu.dma_semaphore, #tpu.memory_space<semaphore_mem>>) src(%arg3 : memref<100000xi32, #tpu.memory_space<hbm>>) dst(%arg22 : memref<100000xi32, #tpu.memory_space<vmem_shared>>)
        tpu.yield
      }) : () -> ()
    } else {
    }
    %barrier3A = arith.constant 0 : index
    tpu.barrier barrier_id(%barrier3A)
    "tpu.region"() ({
      %run_scoped3A = tpu.sem_alloc : memref<!tpu.dma_semaphore, #tpu.memory_space<semaphore_mem>>
      tpu.enqueue_dma source(%arg6 : memref<2x128xi32, #tpu.memory_space<hbm>>) target(%arg21 : memref<2x128xi32, #tpu.memory_space<vmem>>) target_semaphore(%run_scoped3A : memref<!tpu.dma_semaphore, #tpu.memory_space<semaphore_mem>>)
      tpu.wait_dma2 semaphore(%run_scoped3A : memref<!tpu.dma_semaphore, #tpu.memory_space<semaphore_mem>>) src(%arg6 : memref<2x128xi32, #tpu.memory_space<hbm>>) dst(%arg21 : memref<2x128xi32, #tpu.memory_space<vmem>>)
      tpu.yield
    }) : () -> ()
    %broadcast_in_dim3A = arith.constant 0.000000e+00 : f32
    %broadcast_in_dim3A_7 = vector.broadcast %broadcast_in_dim3A : f32 to vector<16xf32>
    %broadcast_in_dim3A_8 = arith.constant 0.000000e+00 : f32
    %broadcast_in_dim3A_9 = vector.broadcast %broadcast_in_dim3A_8 : f32 to vector<16xf32>
    %broadcast_in_dim3A_10 = arith.constant 0.000000e+00 : f32
    %broadcast_in_dim3A_11 = vector.broadcast %broadcast_in_dim3A_10 : f32 to vector<16xf32>
    %broadcast_in_dim3A_12 = arith.constant 0.000000e+00 : f32
    %broadcast_in_dim3A_13 = vector.broadcast %broadcast_in_dim3A_12 : f32 to vector<16xf32>
    %broadcast_in_dim3A_14 = arith.constant 0.000000e+00 : f32
    %broadcast_in_dim3A_15 = vector.broadcast %broadcast_in_dim3A_14 : f32 to vector<16xf32>
    %broadcast_in_dim3A_16 = arith.constant 0.000000e+00 : f32
    %broadcast_in_dim3A_17 = vector.broadcast %broadcast_in_dim3A_16 : f32 to vector<16xf32>
    %broadcast_in_dim3A_18 = arith.constant 0.000000e+00 : f32
    %broadcast_in_dim3A_19 = vector.broadcast %broadcast_in_dim3A_18 : f32 to vector<16xf32>
    %broadcast_in_dim3A_20 = arith.constant 0.000000e+00 : f32
    %broadcast_in_dim3A_21 = vector.broadcast %broadcast_in_dim3A_20 : f32 to vector<16xf32>
    %dma_start3A = arith.constant 0 : i32
    %dma_start3A_22 = arith.constant 0 : i32
    %dma_start3A_23 = arith.constant 0 : i32
    %dma_start3A_24 = tpu.memref_slice %arg11[%dma_start3A_22, %dma_start3A_23] : memref<40x128xi32, #tpu.memory_space<vmem>> -> memref<1x128xi32, #tpu.memory_space<vmem>>
    %dma_start3A_25 = tpu.memref_squeeze %dma_start3A_24 : memref<1x128xi32, #tpu.memory_space<vmem>> -> memref<128xi32, #tpu.memory_space<vmem>>
    %dma_start3A_26 = arith.constant 0 : i32
    %dma_start3A_27 = tpu.memref_slice %arg21[%dma_start3A, %dma_start3A_26] : memref<2x128xi32, #tpu.memory_space<vmem>> -> memref<1x128xi32, #tpu.memory_space<vmem>>
    %dma_start3A_28 = tpu.memref_squeeze %dma_start3A_27 : memref<1x128xi32, #tpu.memory_space<vmem>> -> memref<128xi32, #tpu.memory_space<vmem>>
    %dma_start3A_29 = arith.constant 0 : i32
    %dma_start3A_30 = tpu.memref_slice %arg22[%dma_start3A_29] : memref<100000xi32, #tpu.memory_space<vmem_shared>> -> memref<100000xi32, #tpu.memory_space<vmem_shared>>
    tpu.enqueue_indirect_dma source(%dma_start3A_30 : memref<100000xi32, #tpu.memory_space<vmem_shared>>) target(%dma_start3A_25 : memref<128xi32, #tpu.memory_space<vmem>>) offsets(%dma_start3A_28 : memref<128xi32, #tpu.memory_space<vmem>>) semaphore(%arg23 : memref<!tpu.dma_semaphore, #tpu.memory_space<semaphore_mem>>)
    %dma_wait3A = arith.constant 0 : i32
    %dma_wait3A_31 = arith.constant 0 : i32
    %dma_wait3A_32 = arith.constant 0 : i32
    %dma_wait3A_33 = tpu.memref_slice %arg11[%dma_wait3A_31, %dma_wait3A_32] : memref<40x128xi32, #tpu.memory_space<vmem>> -> memref<1x128xi32, #tpu.memory_space<vmem>>
    %dma_wait3A_34 = tpu.memref_squeeze %dma_wait3A_33 : memref<1x128xi32, #tpu.memory_space<vmem>> -> memref<128xi32, #tpu.memory_space<vmem>>
    %dma_wait3A_35 = arith.constant 0 : i32
    %dma_wait3A_36 = tpu.memref_slice %arg21[%dma_wait3A, %dma_wait3A_35] : memref<2x128xi32, #tpu.memory_space<vmem>> -> memref<1x128xi32, #tpu.memory_space<vmem>>
    %dma_wait3A_37 = tpu.memref_squeeze %dma_wait3A_36 : memref<1x128xi32, #tpu.memory_space<vmem>> -> memref<128xi32, #tpu.memory_space<vmem>>
    %dma_wait3A_38 = arith.constant 0 : i32
    %dma_wait3A_39 = tpu.memref_slice %arg22[%dma_wait3A_38] : memref<100000xi32, #tpu.memory_space<vmem_shared>> -> memref<100000xi32, #tpu.memory_space<vmem_shared>>
    tpu.wait_indirect_dma semaphore(%arg23 : memref<!tpu.dma_semaphore, #tpu.memory_space<semaphore_mem>>) src(%dma_wait3A_39 : memref<100000xi32, #tpu.memory_space<vmem_shared>>) dst(%dma_wait3A_34 : memref<128xi32, #tpu.memory_space<vmem>>)
    %dma_start3A_40 = arith.constant 0 : i32
    %dma_start3A_41 = arith.constant 0 : i32
    %dma_start3A_42 = tpu.memref_slice %arg11[%dma_start3A_40, %dma_start3A_41] : memref<40x128xi32, #tpu.memory_space<vmem>> -> memref<1x128xi32, #tpu.memory_space<vmem>>
    %dma_start3A_43 = tpu.memref_squeeze %dma_start3A_42 : memref<1x128xi32, #tpu.memory_space<vmem>> -> memref<128xi32, #tpu.memory_space<vmem>>
    %dma_start3A_44 = arith.constant 0 : i32
    %dma_start3A_45 = arith.constant 0 : i32
    %dma_start3A_46 = tpu.memref_slice %arg2[%dma_start3A_44, %dma_start3A_45] : memref<100000x128xf32, #tpu.memory_space<hbm>> -> memref<100000x128xf32, #tpu.memory_space<hbm>>
    tpu.enqueue_indirect_dma source(%dma_start3A_46 : memref<100000x128xf32, #tpu.memory_space<hbm>>) target(%arg13 : memref<128x128xf32, #tpu.memory_space<vmem>>) offsets(%dma_start3A_43 : memref<128xi32, #tpu.memory_space<vmem>>) semaphore(%arg23 : memref<!tpu.dma_semaphore, #tpu.memory_space<semaphore_mem>>)
    %dma_wait3A_47 = arith.constant 0 : i32
    %dma_wait3A_48 = arith.constant 0 : i32
    %dma_wait3A_49 = tpu.memref_slice %arg11[%dma_wait3A_47, %dma_wait3A_48] : memref<40x128xi32, #tpu.memory_space<vmem>> -> memref<1x128xi32, #tpu.memory_space<vmem>>
    %dma_wait3A_50 = tpu.memref_squeeze %dma_wait3A_49 : memref<1x128xi32, #tpu.memory_space<vmem>> -> memref<128xi32, #tpu.memory_space<vmem>>
    %dma_wait3A_51 = arith.constant 0 : i32
    %dma_wait3A_52 = arith.constant 0 : i32
    %dma_wait3A_53 = tpu.memref_slice %arg2[%dma_wait3A_51, %dma_wait3A_52] : memref<100000x128xf32, #tpu.memory_space<hbm>> -> memref<100000x128xf32, #tpu.memory_space<hbm>>
    tpu.wait_indirect_dma semaphore(%arg23 : memref<!tpu.dma_semaphore, #tpu.memory_space<semaphore_mem>>) src(%dma_wait3A_53 : memref<100000x128xf32, #tpu.memory_space<hbm>>) dst(%arg13 : memref<128x128xf32, #tpu.memory_space<vmem>>)
    %scan3A = arith.constant 0 : i32
    %scan3A_54 = arith.constant 128 : i32
    %scan3A_55 = arith.addi %scan3A, %scan3A_54 : i32
    %scan3A_56 = arith.constant 1 : i32
    %scan3A_57:8 = scf.for %scan3A_209 = %scan3A to %scan3A_55 step %scan3A_56 iter_args(%scan3A_210 = %broadcast_in_dim3A_7, %scan3A_211 = %broadcast_in_dim3A_9, %scan3A_212 = %broadcast_in_dim3A_11, %scan3A_213 = %broadcast_in_dim3A_13, %scan3A_214 = %broadcast_in_dim3A_15, %scan3A_215 = %broadcast_in_dim3A_17, %scan3A_216 = %broadcast_in_dim3A_19, %scan3A_217 = %broadcast_in_dim3A_21) -> (vector<16xf32>, vector<16xf32>, vector<16xf32>, vector<16xf32>, vector<16xf32>, vector<16xf32>, vector<16xf32>, vector<16xf32>)  : i32 {
      %get3A = arith.index_cast %scan3A_209 : i32 to index
      %get3A_218 = arith.constant 0 : index
      %get3A_219 = tpu.vector_load %arg13[%get3A, %get3A_218] {strides = array<i32>} : memref<128x128xf32, #tpu.memory_space<vmem>>, vector<1x16xf32>,
      %get3A_220 = vector.shape_cast %get3A_219 : vector<1x16xf32> to vector<16xf32>
      %add3A_221 = arith.addf %scan3A_210, %get3A_220 : vector<16xf32>
      %get3A_222 = arith.index_cast %scan3A_209 : i32 to index
      %get3A_223 = arith.constant 16 : index
      %get3A_224 = tpu.vector_load %arg13[%get3A_222, %get3A_223] {strides = array<i32>} : memref<128x128xf32, #tpu.memory_space<vmem>>, vector<1x16xf32>,
      %get3A_225 = vector.shape_cast %get3A_224 : vector<1x16xf32> to vector<16xf32>
      %add3A_226 = arith.addf %scan3A_211, %get3A_225 : vector<16xf32>
      %get3A_227 = arith.index_cast %scan3A_209 : i32 to index
      %get3A_228 = arith.constant 32 : index
      %get3A_229 = tpu.vector_load %arg13[%get3A_227, %get3A_228] {strides = array<i32>} : memref<128x128xf32, #tpu.memory_space<vmem>>, vector<1x16xf32>,
      %get3A_230 = vector.shape_cast %get3A_229 : vector<1x16xf32> to vector<16xf32>
      %add3A_231 = arith.addf %scan3A_212, %get3A_230 : vector<16xf32>
      %get3A_232 = arith.index_cast %scan3A_209 : i32 to index
      %get3A_233 = arith.constant 48 : index
      %get3A_234 = tpu.vector_load %arg13[%get3A_232, %get3A_233] {strides = array<i32>} : memref<128x128xf32, #tpu.memory_space<vmem>>, vector<1x16xf32>,
      %get3A_235 = vector.shape_cast %get3A_234 : vector<1x16xf32> to vector<16xf32>
      %add3A_236 = arith.addf %scan3A_213, %get3A_235 : vector<16xf32>
      %get3A_237 = arith.index_cast %scan3A_209 : i32 to index
      %get3A_238 = arith.constant 64 : index
      %get3A_239 = tpu.vector_load %arg13[%get3A_237, %get3A_238] {strides = array<i32>} : memref<128x128xf32, #tpu.memory_space<vmem>>, vector<1x16xf32>,
      %get3A_240 = vector.shape_cast %get3A_239 : vector<1x16xf32> to vector<16xf32>
      %add3A_241 = arith.addf %scan3A_214, %get3A_240 : vector<16xf32>
      %get3A_242 = arith.index_cast %scan3A_209 : i32 to index
      %get3A_243 = arith.constant 80 : index
      %get3A_244 = tpu.vector_load %arg13[%get3A_242, %get3A_243] {strides = array<i32>} : memref<128x128xf32, #tpu.memory_space<vmem>>, vector<1x16xf32>,
      %get3A_245 = vector.shape_cast %get3A_244 : vector<1x16xf32> to vector<16xf32>
      %add3A_246 = arith.addf %scan3A_215, %get3A_245 : vector<16xf32>
      %get3A_247 = arith.index_cast %scan3A_209 : i32 to index
      %get3A_248 = arith.constant 96 : index
      %get3A_249 = tpu.vector_load %arg13[%get3A_247, %get3A_248] {strides = array<i32>} : memref<128x128xf32, #tpu.memory_space<vmem>>, vector<1x16xf32>,
      %get3A_250 = vector.shape_cast %get3A_249 : vector<1x16xf32> to vector<16xf32>
      %add3A_251 = arith.addf %scan3A_216, %get3A_250 : vector<16xf32>
      %get3A_252 = arith.index_cast %scan3A_209 : i32 to index
      %get3A_253 = arith.constant 112 : index
      %get3A_254 = tpu.vector_load %arg13[%get3A_252, %get3A_253] {strides = array<i32>} : memref<128x128xf32, #tpu.memory_space<vmem>>, vector<1x16xf32>,
      %get3A_255 = vector.shape_cast %get3A_254 : vector<1x16xf32> to vector<16xf32>
      %add3A_256 = arith.addf %scan3A_217, %get3A_255 : vector<16xf32>
      scf.yield %add3A_221, %add3A_226, %add3A_231, %add3A_236, %add3A_241, %add3A_246, %add3A_251, %add3A_256 : vector<16xf32>, vector<16xf32>, vector<16xf32>, vector<16xf32>, vector<16xf32>, vector<16xf32>, vector<16xf32>, vector<16xf32>
    }
    %scan3A_58 = arith.constant 128 : i32
    %dma_start3A_59 = arith.constant 1 : i32
    %dma_start3A_60 = arith.constant 0 : i32
    %dma_start3A_61 = arith.constant 0 : i32
    %dma_start3A_62 = tpu.memref_slice %arg11[%dma_start3A_60, %dma_start3A_61] : memref<40x128xi32, #tpu.memory_space<vmem>> -> memref<1x128xi32, #tpu.memory_space<vmem>>
    %dma_start3A_63 = tpu.memref_squeeze %dma_start3A_62 : memref<1x128xi32, #tpu.memory_space<vmem>> -> memref<128xi32, #tpu.memory_space<vmem>>
    %dma_start3A_64 = arith.constant 0 : i32
    %dma_start3A_65 = tpu.memref_slice %arg21[%dma_start3A_59, %dma_start3A_64] : memref<2x128xi32, #tpu.memory_space<vmem>> -> memref<1x128xi32, #tpu.memory_space<vmem>>
    %dma_start3A_66 = tpu.memref_squeeze %dma_start3A_65 : memref<1x128xi32, #tpu.memory_space<vmem>> -> memref<128xi32, #tpu.memory_space<vmem>>
    %dma_start3A_67 = arith.constant 0 : i32
    %dma_start3A_68 = tpu.memref_slice %arg22[%dma_start3A_67] : memref<100000xi32, #tpu.memory_space<vmem_shared>> -> memref<100000xi32, #tpu.memory_space<vmem_shared>>
    tpu.enqueue_indirect_dma source(%dma_start3A_68 : memref<100000xi32, #tpu.memory_space<vmem_shared>>) target(%dma_start3A_63 : memref<128xi32, #tpu.memory_space<vmem>>) offsets(%dma_start3A_66 : memref<128xi32, #tpu.memory_space<vmem>>) semaphore(%arg23 : memref<!tpu.dma_semaphore, #tpu.memory_space<semaphore_mem>>)
    %dma_wait3A_69 = arith.constant 1 : i32
    %dma_wait3A_70 = arith.constant 0 : i32
    %dma_wait3A_71 = arith.constant 0 : i32
    %dma_wait3A_72 = tpu.memref_slice %arg11[%dma_wait3A_70, %dma_wait3A_71] : memref<40x128xi32, #tpu.memory_space<vmem>> -> memref<1x128xi32, #tpu.memory_space<vmem>>
    %dma_wait3A_73 = tpu.memref_squeeze %dma_wait3A_72 : memref<1x128xi32, #tpu.memory_space<vmem>> -> memref<128xi32, #tpu.memory_space<vmem>>
    %dma_wait3A_74 = arith.constant 0 : i32
    %dma_wait3A_75 = tpu.memref_slice %arg21[%dma_wait3A_69, %dma_wait3A_74] : memref<2x128xi32, #tpu.memory_space<vmem>> -> memref<1x128xi32, #tpu.memory_space<vmem>>
    %dma_wait3A_76 = tpu.memref_squeeze %dma_wait3A_75 : memref<1x128xi32, #tpu.memory_space<vmem>> -> memref<128xi32, #tpu.memory_space<vmem>>
    %dma_wait3A_77 = arith.constant 0 : i32
    %dma_wait3A_78 = tpu.memref_slice %arg22[%dma_wait3A_77] : memref<100000xi32, #tpu.memory_space<vmem_shared>> -> memref<100000xi32, #tpu.memory_space<vmem_shared>>
    tpu.wait_indirect_dma semaphore(%arg23 : memref<!tpu.dma_semaphore, #tpu.memory_space<semaphore_mem>>) src(%dma_wait3A_78 : memref<100000xi32, #tpu.memory_space<vmem_shared>>) dst(%dma_wait3A_73 : memref<128xi32, #tpu.memory_space<vmem>>)
    %dma_start3A_79 = arith.constant 0 : i32
    %dma_start3A_80 = arith.constant 0 : i32
    %dma_start3A_81 = tpu.memref_slice %arg11[%dma_start3A_79, %dma_start3A_80] : memref<40x128xi32, #tpu.memory_space<vmem>> -> memref<1x128xi32, #tpu.memory_space<vmem>>
    %dma_start3A_82 = tpu.memref_squeeze %dma_start3A_81 : memref<1x128xi32, #tpu.memory_space<vmem>> -> memref<128xi32, #tpu.memory_space<vmem>>
    %dma_start3A_83 = arith.constant 0 : i32
    %dma_start3A_84 = arith.constant 0 : i32
    %dma_start3A_85 = tpu.memref_slice %arg2[%dma_start3A_83, %dma_start3A_84] : memref<100000x128xf32, #tpu.memory_space<hbm>> -> memref<100000x128xf32, #tpu.memory_space<hbm>>
    tpu.enqueue_indirect_dma source(%dma_start3A_85 : memref<100000x128xf32, #tpu.memory_space<hbm>>) target(%arg13 : memref<128x128xf32, #tpu.memory_space<vmem>>) offsets(%dma_start3A_82 : memref<128xi32, #tpu.memory_space<vmem>>) semaphore(%arg23 : memref<!tpu.dma_semaphore, #tpu.memory_space<semaphore_mem>>)
    %dma_wait3A_86 = arith.constant 0 : i32
    %dma_wait3A_87 = arith.constant 0 : i32
    %dma_wait3A_88 = tpu.memref_slice %arg11[%dma_wait3A_86, %dma_wait3A_87] : memref<40x128xi32, #tpu.memory_space<vmem>> -> memref<1x128xi32, #tpu.memory_space<vmem>>
    %dma_wait3A_89 = tpu.memref_squeeze %dma_wait3A_88 : memref<1x128xi32, #tpu.memory_space<vmem>> -> memref<128xi32, #tpu.memory_space<vmem>>
    %dma_wait3A_90 = arith.constant 0 : i32
    %dma_wait3A_91 = arith.constant 0 : i32
    %dma_wait3A_92 = tpu.memref_slice %arg2[%dma_wait3A_90, %dma_wait3A_91] : memref<100000x128xf32, #tpu.memory_space<hbm>> -> memref<100000x128xf32, #tpu.memory_space<hbm>>
    tpu.wait_indirect_dma semaphore(%arg23 : memref<!tpu.dma_semaphore, #tpu.memory_space<semaphore_mem>>) src(%dma_wait3A_92 : memref<100000x128xf32, #tpu.memory_space<hbm>>) dst(%arg13 : memref<128x128xf32, #tpu.memory_space<vmem>>)
    %scan3A_93 = arith.constant 0 : i32
    %scan3A_94 = arith.constant 128 : i32
    %scan3A_95 = arith.addi %scan3A_93, %scan3A_94 : i32
    %scan3A_96 = arith.constant 1 : i32
    %scan3A_97:8 = scf.for %scan3A_209 = %scan3A_93 to %scan3A_95 step %scan3A_96 iter_args(%scan3A_210 = %scan3A_57#0, %scan3A_211 = %scan3A_57#1, %scan3A_212 = %scan3A_57#2, %scan3A_213 = %scan3A_57#3, %scan3A_214 = %scan3A_57#4, %scan3A_215 = %scan3A_57#5, %scan3A_216 = %scan3A_57#6, %scan3A_217 = %scan3A_57#7) -> (vector<16xf32>, vector<16xf32>, vector<16xf32>, vector<16xf32>, vector<16xf32>, vector<16xf32>, vector<16xf32>, vector<16xf32>)  : i32 {
      %get3A = arith.index_cast %scan3A_209 : i32 to index
      %get3A_218 = arith.constant 0 : index
      %get3A_219 = tpu.vector_load %arg13[%get3A, %get3A_218] {strides = array<i32>} : memref<128x128xf32, #tpu.memory_space<vmem>>, vector<1x16xf32>,
      %get3A_220 = vector.shape_cast %get3A_219 : vector<1x16xf32> to vector<16xf32>
      %add3A_221 = arith.addf %scan3A_210, %get3A_220 : vector<16xf32>
      %get3A_222 = arith.index_cast %scan3A_209 : i32 to index
      %get3A_223 = arith.constant 16 : index
      %get3A_224 = tpu.vector_load %arg13[%get3A_222, %get3A_223] {strides = array<i32>} : memref<128x128xf32, #tpu.memory_space<vmem>>, vector<1x16xf32>,
      %get3A_225 = vector.shape_cast %get3A_224 : vector<1x16xf32> to vector<16xf32>
      %add3A_226 = arith.addf %scan3A_211, %get3A_225 : vector<16xf32>
      %get3A_227 = arith.index_cast %scan3A_209 : i32 to index
      %get3A_228 = arith.constant 32 : index
      %get3A_229 = tpu.vector_load %arg13[%get3A_227, %get3A_228] {strides = array<i32>} : memref<128x128xf32, #tpu.memory_space<vmem>>, vector<1x16xf32>,
      %get3A_230 = vector.shape_cast %get3A_229 : vector<1x16xf32> to vector<16xf32>
      %add3A_231 = arith.addf %scan3A_212, %get3A_230 : vector<16xf32>
      %get3A_232 = arith.index_cast %scan3A_209 : i32 to index
      %get3A_233 = arith.constant 48 : index
      %get3A_234 = tpu.vector_load %arg13[%get3A_232, %get3A_233] {strides = array<i32>} : memref<128x128xf32, #tpu.memory_space<vmem>>, vector<1x16xf32>,
      %get3A_235 = vector.shape_cast %get3A_234 : vector<1x16xf32> to vector<16xf32>
      %add3A_236 = arith.addf %scan3A_213, %get3A_235 : vector<16xf32>
      %get3A_237 = arith.index_cast %scan3A_209 : i32 to index
      %get3A_238 = arith.constant 64 : index
      %get3A_239 = tpu.vector_load %arg13[%get3A_237, %get3A_238] {strides = array<i32>} : memref<128x128xf32, #tpu.memory_space<vmem>>, vector<1x16xf32>,
      %get3A_240 = vector.shape_cast %get3A_239 : vector<1x16xf32> to vector<16xf32>
      %add3A_241 = arith.addf %scan3A_214, %get3A_240 : vector<16xf32>
      %get3A_242 = arith.index_cast %scan3A_209 : i32 to index
      %get3A_243 = arith.constant 80 : index
      %get3A_244 = tpu.vector_load %arg13[%get3A_242, %get3A_243] {strides = array<i32>} : memref<128x128xf32, #tpu.memory_space<vmem>>, vector<1x16xf32>,
      %get3A_245 = vector.shape_cast %get3A_244 : vector<1x16xf32> to vector<16xf32>
      %add3A_246 = arith.addf %scan3A_215, %get3A_245 : vector<16xf32>
      %get3A_247 = arith.index_cast %scan3A_209 : i32 to index
      %get3A_248 = arith.constant 96 : index
      %get3A_249 = tpu.vector_load %arg13[%get3A_247, %get3A_248] {strides = array<i32>} : memref<128x128xf32, #tpu.memory_space<vmem>>, vector<1x16xf32>,
      %get3A_250 = vector.shape_cast %get3A_249 : vector<1x16xf32> to vector<16xf32>
      %add3A_251 = arith.addf %scan3A_216, %get3A_250 : vector<16xf32>
      %get3A_252 = arith.index_cast %scan3A_209 : i32 to index
      %get3A_253 = arith.constant 112 : index
      %get3A_254 = tpu.vector_load %arg13[%get3A_252, %get3A_253] {strides = array<i32>} : memref<128x128xf32, #tpu.memory_space<vmem>>, vector<1x16xf32>,
      %get3A_255 = vector.shape_cast %get3A_254 : vector<1x16xf32> to vector<16xf32>
      %add3A_256 = arith.addf %scan3A_217, %get3A_255 : vector<16xf32>
      scf.yield %add3A_221, %add3A_226, %add3A_231, %add3A_236, %add3A_241, %add3A_246, %add3A_251, %add3A_256 : vector<16xf32>, vector<16xf32>, vector<16xf32>, vector<16xf32>, vector<16xf32>, vector<16xf32>, vector<16xf32>, vector<16xf32>
    }
    %scan3A_98 = arith.constant 128 : i32
    "tpu.region"() ({
      %run_scoped3A = tpu.sem_alloc : memref<!tpu.dma_semaphore, #tpu.memory_space<semaphore_mem>>
      %dma_start3A_209 = arith.constant 0 : i32
      %dma_start3A_210 = tpu.memref_slice %arg4[%mul3A_4, %dma_start3A_209] : memref<1280x128xi32, #tpu.memory_space<hbm>> -> memref<40x128xi32, #tpu.memory_space<hbm>>
      %dma_start3A_211 = arith.constant 0 : i32
      %dma_start3A_212 = tpu.memref_slice %arg4[%mul3A_4, %dma_start3A_211] : memref<1280x128xi32, #tpu.memory_space<hbm>> -> memref<40x128xi32, #tpu.memory_space<hbm>>
      tpu.enqueue_dma source(%dma_start3A_212 : memref<40x128xi32, #tpu.memory_space<hbm>>) target(%arg9 : memref<40x128xi32, #tpu.memory_space<vmem>>) target_semaphore(%run_scoped3A : memref<!tpu.dma_semaphore, #tpu.memory_space<semaphore_mem>>)
      %dma_wait3A_213 = arith.constant 0 : i32
      %dma_wait3A_214 = tpu.memref_slice %arg4[%mul3A_4, %dma_wait3A_213] : memref<1280x128xi32, #tpu.memory_space<hbm>> -> memref<40x128xi32, #tpu.memory_space<hbm>>
      %dma_wait3A_215 = arith.constant 0 : i32
      %dma_wait3A_216 = tpu.memref_slice %arg4[%mul3A_4, %dma_wait3A_215] : memref<1280x128xi32, #tpu.memory_space<hbm>> -> memref<40x128xi32, #tpu.memory_space<hbm>>
      tpu.wait_dma2 semaphore(%run_scoped3A : memref<!tpu.dma_semaphore, #tpu.memory_space<semaphore_mem>>) src(%dma_wait3A_216 : memref<40x128xi32, #tpu.memory_space<hbm>>) dst(%arg9 : memref<40x128xi32, #tpu.memory_space<vmem>>)
      tpu.yield
    }) : () -> ()
    "tpu.region"() ({
      %run_scoped3A = tpu.sem_alloc : memref<!tpu.dma_semaphore, #tpu.memory_space<semaphore_mem>>
      %dma_start3A_209 = arith.constant 0 : i32
      %dma_start3A_210 = tpu.memref_slice %arg5[%mul3A_4, %dma_start3A_209] : memref<1280x128xi32, #tpu.memory_space<hbm>> -> memref<40x128xi32, #tpu.memory_space<hbm>>
      %dma_start3A_211 = arith.constant 0 : i32
      %dma_start3A_212 = tpu.memref_slice %arg5[%mul3A_4, %dma_start3A_211] : memref<1280x128xi32, #tpu.memory_space<hbm>> -> memref<40x128xi32, #tpu.memory_space<hbm>>
      tpu.enqueue_dma source(%dma_start3A_212 : memref<40x128xi32, #tpu.memory_space<hbm>>) target(%arg10 : memref<40x128xi32, #tpu.memory_space<vmem>>) target_semaphore(%run_scoped3A : memref<!tpu.dma_semaphore, #tpu.memory_space<semaphore_mem>>)
      %dma_wait3A_213 = arith.constant 0 : i32
      %dma_wait3A_214 = tpu.memref_slice %arg5[%mul3A_4, %dma_wait3A_213] : memref<1280x128xi32, #tpu.memory_space<hbm>> -> memref<40x128xi32, #tpu.memory_space<hbm>>
      %dma_wait3A_215 = arith.constant 0 : i32
      %dma_wait3A_216 = tpu.memref_slice %arg5[%mul3A_4, %dma_wait3A_215] : memref<1280x128xi32, #tpu.memory_space<hbm>> -> memref<40x128xi32, #tpu.memory_space<hbm>>
      tpu.wait_dma2 semaphore(%run_scoped3A : memref<!tpu.dma_semaphore, #tpu.memory_space<semaphore_mem>>) src(%dma_wait3A_216 : memref<40x128xi32, #tpu.memory_space<hbm>>) dst(%arg10 : memref<40x128xi32, #tpu.memory_space<vmem>>)
      tpu.yield
    }) : () -> ()
    %scan3A_99 = arith.constant 0 : i32
    %scan3A_100 = arith.constant 0 : i32
    %scan3A_101 = arith.constant 40 : i32
    %scan3A_102 = arith.addi %scan3A_100, %scan3A_101 : i32
    %scan3A_103 = arith.constant 1 : i32
    scf.for %scan3A_209 = %scan3A_100 to %scan3A_102 step %scan3A_103  : i32 {
      %dma_start3A_210 = arith.constant 0 : i32
      %dma_start3A_211 = tpu.memref_slice %arg11[%scan3A_209, %dma_start3A_210] : memref<40x128xi32, #tpu.memory_space<vmem>> -> memref<1x128xi32, #tpu.memory_space<vmem>>
      %dma_start3A_212 = tpu.memref_squeeze %dma_start3A_211 : memref<1x128xi32, #tpu.memory_space<vmem>> -> memref<128xi32, #tpu.memory_space<vmem>>
      %dma_start3A_213 = arith.constant 0 : i32
      %dma_start3A_214 = tpu.memref_slice %arg9[%scan3A_209, %dma_start3A_213] : memref<40x128xi32, #tpu.memory_space<vmem>> -> memref<1x128xi32, #tpu.memory_space<vmem>>
      %dma_start3A_215 = tpu.memref_squeeze %dma_start3A_214 : memref<1x128xi32, #tpu.memory_space<vmem>> -> memref<128xi32, #tpu.memory_space<vmem>>
      %dma_start3A_216 = arith.constant 0 : i32
      %dma_start3A_217 = tpu.memref_slice %arg22[%dma_start3A_216] : memref<100000xi32, #tpu.memory_space<vmem_shared>> -> memref<100000xi32, #tpu.memory_space<vmem_shared>>
      tpu.enqueue_indirect_dma source(%dma_start3A_217 : memref<100000xi32, #tpu.memory_space<vmem_shared>>) target(%dma_start3A_212 : memref<128xi32, #tpu.memory_space<vmem>>) offsets(%dma_start3A_215 : memref<128xi32, #tpu.memory_space<vmem>>) semaphore(%arg23 : memref<!tpu.dma_semaphore, #tpu.memory_space<semaphore_mem>>)
      %dma_start3A_218 = arith.constant 0 : i32
      %dma_start3A_219 = tpu.memref_slice %arg12[%scan3A_209, %dma_start3A_218] : memref<40x128xi32, #tpu.memory_space<vmem>> -> memref<1x128xi32, #tpu.memory_space<vmem>>
      %dma_start3A_220 = tpu.memref_squeeze %dma_start3A_219 : memref<1x128xi32, #tpu.memory_space<vmem>> -> memref<128xi32, #tpu.memory_space<vmem>>
      %dma_start3A_221 = arith.constant 0 : i32
      %dma_start3A_222 = tpu.memref_slice %arg10[%scan3A_209, %dma_start3A_221] : memref<40x128xi32, #tpu.memory_space<vmem>> -> memref<1x128xi32, #tpu.memory_space<vmem>>
      %dma_start3A_223 = tpu.memref_squeeze %dma_start3A_222 : memref<1x128xi32, #tpu.memory_space<vmem>> -> memref<128xi32, #tpu.memory_space<vmem>>
      %dma_start3A_224 = arith.constant 0 : i32
      %dma_start3A_225 = tpu.memref_slice %arg22[%dma_start3A_224] : memref<100000xi32, #tpu.memory_space<vmem_shared>> -> memref<100000xi32, #tpu.memory_space<vmem_shared>>
      tpu.enqueue_indirect_dma source(%dma_start3A_225 : memref<100000xi32, #tpu.memory_space<vmem_shared>>) target(%dma_start3A_220 : memref<128xi32, #tpu.memory_space<vmem>>) offsets(%dma_start3A_223 : memref<128xi32, #tpu.memory_space<vmem>>) semaphore(%arg23 : memref<!tpu.dma_semaphore, #tpu.memory_space<semaphore_mem>>)
      %ge3A = arith.constant 3 : i32
      %ge3A_226 = arith.cmpi sge, %scan3A_209, %ge3A : i32
      %convert_element_type3A_227 = arith.extui %ge3A_226 : i1 to i32
      %cond3A_228 = arith.constant 0 : i32
      %cond3A_229 = arith.cmpi ne, %convert_element_type3A_227, %cond3A_228 : i32
      scf.if %cond3A_229 {
        %dma_wait3A_230 = arith.constant 0 : i32
        %dma_wait3A_231 = arith.constant 0 : i32
        %dma_wait3A_232 = arith.constant 0 : i32
        %dma_wait3A_233 = tpu.memref_slice %arg11[%dma_wait3A_231, %dma_wait3A_232] : memref<40x128xi32, #tpu.memory_space<vmem>> -> memref<1x128xi32, #tpu.memory_space<vmem>>
        %dma_wait3A_234 = tpu.memref_squeeze %dma_wait3A_233 : memref<1x128xi32, #tpu.memory_space<vmem>> -> memref<128xi32, #tpu.memory_space<vmem>>
        %dma_wait3A_235 = arith.constant 0 : i32
        %dma_wait3A_236 = tpu.memref_slice %arg9[%dma_wait3A_230, %dma_wait3A_235] : memref<40x128xi32, #tpu.memory_space<vmem>> -> memref<1x128xi32, #tpu.memory_space<vmem>>
        %dma_wait3A_237 = tpu.memref_squeeze %dma_wait3A_236 : memref<1x128xi32, #tpu.memory_space<vmem>> -> memref<128xi32, #tpu.memory_space<vmem>>
        %dma_wait3A_238 = arith.constant 0 : i32
        %dma_wait3A_239 = tpu.memref_slice %arg22[%dma_wait3A_238] : memref<100000xi32, #tpu.memory_space<vmem_shared>> -> memref<100000xi32, #tpu.memory_space<vmem_shared>>
        tpu.wait_indirect_dma semaphore(%arg23 : memref<!tpu.dma_semaphore, #tpu.memory_space<semaphore_mem>>) src(%dma_wait3A_239 : memref<100000xi32, #tpu.memory_space<vmem_shared>>) dst(%dma_wait3A_234 : memref<128xi32, #tpu.memory_space<vmem>>)
        %dma_wait3A_240 = arith.constant 0 : i32
        %dma_wait3A_241 = arith.constant 0 : i32
        %dma_wait3A_242 = arith.constant 0 : i32
        %dma_wait3A_243 = tpu.memref_slice %arg12[%dma_wait3A_241, %dma_wait3A_242] : memref<40x128xi32, #tpu.memory_space<vmem>> -> memref<1x128xi32, #tpu.memory_space<vmem>>
        %dma_wait3A_244 = tpu.memref_squeeze %dma_wait3A_243 : memref<1x128xi32, #tpu.memory_space<vmem>> -> memref<128xi32, #tpu.memory_space<vmem>>
        %dma_wait3A_245 = arith.constant 0 : i32
        %dma_wait3A_246 = tpu.memref_slice %arg10[%dma_wait3A_240, %dma_wait3A_245] : memref<40x128xi32, #tpu.memory_space<vmem>> -> memref<1x128xi32, #tpu.memory_space<vmem>>
        %dma_wait3A_247 = tpu.memref_squeeze %dma_wait3A_246 : memref<1x128xi32, #tpu.memory_space<vmem>> -> memref<128xi32, #tpu.memory_space<vmem>>
        %dma_wait3A_248 = arith.constant 0 : i32
        %dma_wait3A_249 = tpu.memref_slice %arg22[%dma_wait3A_248] : memref<100000xi32, #tpu.memory_space<vmem_shared>> -> memref<100000xi32, #tpu.memory_space<vmem_shared>>
        tpu.wait_indirect_dma semaphore(%arg23 : memref<!tpu.dma_semaphore, #tpu.memory_space<semaphore_mem>>) src(%dma_wait3A_249 : memref<100000xi32, #tpu.memory_space<vmem_shared>>) dst(%dma_wait3A_244 : memref<128xi32, #tpu.memory_space<vmem>>)
      } else {
      }
    }
    %scan3A_104 = arith.constant 40 : i32
    %dma_wait3A_105 = arith.constant 0 : i32
    %dma_wait3A_106 = arith.constant 0 : i32
    %dma_wait3A_107 = arith.constant 0 : i32
    %dma_wait3A_108 = tpu.memref_slice %arg11[%dma_wait3A_106, %dma_wait3A_107] : memref<40x128xi32, #tpu.memory_space<vmem>> -> memref<1x128xi32, #tpu.memory_space<vmem>>
    %dma_wait3A_109 = tpu.memref_squeeze %dma_wait3A_108 : memref<1x128xi32, #tpu.memory_space<vmem>> -> memref<128xi32, #tpu.memory_space<vmem>>
    %dma_wait3A_110 = arith.constant 0 : i32
    %dma_wait3A_111 = tpu.memref_slice %arg9[%dma_wait3A_105, %dma_wait3A_110] : memref<40x128xi32, #tpu.memory_space<vmem>> -> memref<1x128xi32, #tpu.memory_space<vmem>>
    %dma_wait3A_112 = tpu.memref_squeeze %dma_wait3A_111 : memref<1x128xi32, #tpu.memory_space<vmem>> -> memref<128xi32, #tpu.memory_space<vmem>>
    %dma_wait3A_113 = arith.constant 0 : i32
    %dma_wait3A_114 = tpu.memref_slice %arg22[%dma_wait3A_113] : memref<100000xi32, #tpu.memory_space<vmem_shared>> -> memref<100000xi32, #tpu.memory_space<vmem_shared>>
    tpu.wait_indirect_dma semaphore(%arg23 : memref<!tpu.dma_semaphore, #tpu.memory_space<semaphore_mem>>) src(%dma_wait3A_114 : memref<100000xi32, #tpu.memory_space<vmem_shared>>) dst(%dma_wait3A_109 : memref<128xi32, #tpu.memory_space<vmem>>)
    %dma_wait3A_115 = arith.constant 0 : i32
    %dma_wait3A_116 = arith.constant 0 : i32
    %dma_wait3A_117 = arith.constant 0 : i32
    %dma_wait3A_118 = tpu.memref_slice %arg12[%dma_wait3A_116, %dma_wait3A_117] : memref<40x128xi32, #tpu.memory_space<vmem>> -> memref<1x128xi32, #tpu.memory_space<vmem>>
    %dma_wait3A_119 = tpu.memref_squeeze %dma_wait3A_118 : memref<1x128xi32, #tpu.memory_space<vmem>> -> memref<128xi32, #tpu.memory_space<vmem>>
    %dma_wait3A_120 = arith.constant 0 : i32
    %dma_wait3A_121 = tpu.memref_slice %arg10[%dma_wait3A_115, %dma_wait3A_120] : memref<40x128xi32, #tpu.memory_space<vmem>> -> memref<1x128xi32, #tpu.memory_space<vmem>>
    %dma_wait3A_122 = tpu.memref_squeeze %dma_wait3A_121 : memref<1x128xi32, #tpu.memory_space<vmem>> -> memref<128xi32, #tpu.memory_space<vmem>>
    %dma_wait3A_123 = arith.constant 0 : i32
    %dma_wait3A_124 = tpu.memref_slice %arg22[%dma_wait3A_123] : memref<100000xi32, #tpu.memory_space<vmem_shared>> -> memref<100000xi32, #tpu.memory_space<vmem_shared>>
    tpu.wait_indirect_dma semaphore(%arg23 : memref<!tpu.dma_semaphore, #tpu.memory_space<semaphore_mem>>) src(%dma_wait3A_124 : memref<100000xi32, #tpu.memory_space<vmem_shared>>) dst(%dma_wait3A_119 : memref<128xi32, #tpu.memory_space<vmem>>)
    %dma_wait3A_125 = arith.constant 0 : i32
    %dma_wait3A_126 = arith.constant 0 : i32
    %dma_wait3A_127 = arith.constant 0 : i32
    %dma_wait3A_128 = tpu.memref_slice %arg11[%dma_wait3A_126, %dma_wait3A_127] : memref<40x128xi32, #tpu.memory_space<vmem>> -> memref<1x128xi32, #tpu.memory_space<vmem>>
    %dma_wait3A_129 = tpu.memref_squeeze %dma_wait3A_128 : memref<1x128xi32, #tpu.memory_space<vmem>> -> memref<128xi32, #tpu.memory_space<vmem>>
    %dma_wait3A_130 = arith.constant 0 : i32
    %dma_wait3A_131 = tpu.memref_slice %arg9[%dma_wait3A_125, %dma_wait3A_130] : memref<40x128xi32, #tpu.memory_space<vmem>> -> memref<1x128xi32, #tpu.memory_space<vmem>>
    %dma_wait3A_132 = tpu.memref_squeeze %dma_wait3A_131 : memref<1x128xi32, #tpu.memory_space<vmem>> -> memref<128xi32, #tpu.memory_space<vmem>>
    %dma_wait3A_133 = arith.constant 0 : i32
    %dma_wait3A_134 = tpu.memref_slice %arg22[%dma_wait3A_133] : memref<100000xi32, #tpu.memory_space<vmem_shared>> -> memref<100000xi32, #tpu.memory_space<vmem_shared>>
    tpu.wait_indirect_dma semaphore(%arg23 : memref<!tpu.dma_semaphore, #tpu.memory_space<semaphore_mem>>) src(%dma_wait3A_134 : memref<100000xi32, #tpu.memory_space<vmem_shared>>) dst(%dma_wait3A_129 : memref<128xi32, #tpu.memory_space<vmem>>)
    %dma_wait3A_135 = arith.constant 0 : i32
    %dma_wait3A_136 = arith.constant 0 : i32
    %dma_wait3A_137 = arith.constant 0 : i32
    %dma_wait3A_138 = tpu.memref_slice %arg12[%dma_wait3A_136, %dma_wait3A_137] : memref<40x128xi32, #tpu.memory_space<vmem>> -> memref<1x128xi32, #tpu.memory_space<vmem>>
    %dma_wait3A_139 = tpu.memref_squeeze %dma_wait3A_138 : memref<1x128xi32, #tpu.memory_space<vmem>> -> memref<128xi32, #tpu.memory_space<vmem>>
    %dma_wait3A_140 = arith.constant 0 : i32
    %dma_wait3A_141 = tpu.memref_slice %arg10[%dma_wait3A_135, %dma_wait3A_140] : memref<40x128xi32, #tpu.memory_space<vmem>> -> memref<1x128xi32, #tpu.memory_space<vmem>>
    %dma_wait3A_142 = tpu.memref_squeeze %dma_wait3A_141 : memref<1x128xi32, #tpu.memory_space<vmem>> -> memref<128xi32, #tpu.memory_space<vmem>>
    %dma_wait3A_143 = arith.constant 0 : i32
    %dma_wait3A_144 = tpu.memref_slice %arg22[%dma_wait3A_143] : memref<100000xi32, #tpu.memory_space<vmem_shared>> -> memref<100000xi32, #tpu.memory_space<vmem_shared>>
    tpu.wait_indirect_dma semaphore(%arg23 : memref<!tpu.dma_semaphore, #tpu.memory_space<semaphore_mem>>) src(%dma_wait3A_144 : memref<100000xi32, #tpu.memory_space<vmem_shared>>) dst(%dma_wait3A_139 : memref<128xi32, #tpu.memory_space<vmem>>)
    %dma_wait3A_145 = arith.constant 0 : i32
    %dma_wait3A_146 = arith.constant 0 : i32
    %dma_wait3A_147 = arith.constant 0 : i32
    %dma_wait3A_148 = tpu.memref_slice %arg11[%dma_wait3A_146, %dma_wait3A_147] : memref<40x128xi32, #tpu.memory_space<vmem>> -> memref<1x128xi32, #tpu.memory_space<vmem>>
    %dma_wait3A_149 = tpu.memref_squeeze %dma_wait3A_148 : memref<1x128xi32, #tpu.memory_space<vmem>> -> memref<128xi32, #tpu.memory_space<vmem>>
    %dma_wait3A_150 = arith.constant 0 : i32
    %dma_wait3A_151 = tpu.memref_slice %arg9[%dma_wait3A_145, %dma_wait3A_150] : memref<40x128xi32, #tpu.memory_space<vmem>> -> memref<1x128xi32, #tpu.memory_space<vmem>>
    %dma_wait3A_152 = tpu.memref_squeeze %dma_wait3A_151 : memref<1x128xi32, #tpu.memory_space<vmem>> -> memref<128xi32, #tpu.memory_space<vmem>>
    %dma_wait3A_153 = arith.constant 0 : i32
    %dma_wait3A_154 = tpu.memref_slice %arg22[%dma_wait3A_153] : memref<100000xi32, #tpu.memory_space<vmem_shared>> -> memref<100000xi32, #tpu.memory_space<vmem_shared>>
    tpu.wait_indirect_dma semaphore(%arg23 : memref<!tpu.dma_semaphore, #tpu.memory_space<semaphore_mem>>) src(%dma_wait3A_154 : memref<100000xi32, #tpu.memory_space<vmem_shared>>) dst(%dma_wait3A_149 : memref<128xi32, #tpu.memory_space<vmem>>)
    %dma_wait3A_155 = arith.constant 0 : i32
    %dma_wait3A_156 = arith.constant 0 : i32
    %dma_wait3A_157 = arith.constant 0 : i32
    %dma_wait3A_158 = tpu.memref_slice %arg12[%dma_wait3A_156, %dma_wait3A_157] : memref<40x128xi32, #tpu.memory_space<vmem>> -> memref<1x128xi32, #tpu.memory_space<vmem>>
    %dma_wait3A_159 = tpu.memref_squeeze %dma_wait3A_158 : memref<1x128xi32, #tpu.memory_space<vmem>> -> memref<128xi32, #tpu.memory_space<vmem>>
    %dma_wait3A_160 = arith.constant 0 : i32
    %dma_wait3A_161 = tpu.memref_slice %arg10[%dma_wait3A_155, %dma_wait3A_160] : memref<40x128xi32, #tpu.memory_space<vmem>> -> memref<1x128xi32, #tpu.memory_space<vmem>>
    %dma_wait3A_162 = tpu.memref_squeeze %dma_wait3A_161 : memref<1x128xi32, #tpu.memory_space<vmem>> -> memref<128xi32, #tpu.memory_space<vmem>>
    %dma_wait3A_163 = arith.constant 0 : i32
    %dma_wait3A_164 = tpu.memref_slice %arg22[%dma_wait3A_163] : memref<100000xi32, #tpu.memory_space<vmem_shared>> -> memref<100000xi32, #tpu.memory_space<vmem_shared>>
    tpu.wait_indirect_dma semaphore(%arg23 : memref<!tpu.dma_semaphore, #tpu.memory_space<semaphore_mem>>) src(%dma_wait3A_164 : memref<100000xi32, #tpu.memory_space<vmem_shared>>) dst(%dma_wait3A_159 : memref<128xi32, #tpu.memory_space<vmem>>)
    %dma_start3A_165 = arith.constant 0 : i32
    %dma_start3A_166 = arith.constant 0 : i32
    %dma_start3A_167 = tpu.memref_slice %arg11[%dma_start3A_165, %dma_start3A_166] : memref<40x128xi32, #tpu.memory_space<vmem>> -> memref<1x128xi32, #tpu.memory_space<vmem>>
    %dma_start3A_168 = tpu.memref_squeeze %dma_start3A_167 : memref<1x128xi32, #tpu.memory_space<vmem>> -> memref<128xi32, #tpu.memory_space<vmem>>
    %dma_start3A_169 = arith.constant 0 : i32
    %dma_start3A_170 = arith.constant 0 : i32
    %dma_start3A_171 = tpu.memref_slice %arg2[%dma_start3A_169, %dma_start3A_170] : memref<100000x128xf32, #tpu.memory_space<hbm>> -> memref<100000x128xf32, #tpu.memory_space<hbm>>
    tpu.enqueue_indirect_dma source(%dma_start3A_171 : memref<100000x128xf32, #tpu.memory_space<hbm>>) target(%arg13 : memref<128x128xf32, #tpu.memory_space<vmem>>) offsets(%dma_start3A_168 : memref<128xi32, #tpu.memory_space<vmem>>) semaphore(%arg24 : memref<!tpu.dma_semaphore, #tpu.memory_space<semaphore_mem>>)
    %dma_start3A_172 = arith.constant 0 : i32
    %dma_start3A_173 = arith.constant 0 : i32
    %dma_start3A_174 = tpu.memref_slice %arg12[%dma_start3A_172, %dma_start3A_173] : memref<40x128xi32, #tpu.memory_space<vmem>> -> memref<1x128xi32, #tpu.memory_space<vmem>>
    %dma_start3A_175 = tpu.memref_squeeze %dma_start3A_174 : memref<1x128xi32, #tpu.memory_space<vmem>> -> memref<128xi32, #tpu.memory_space<vmem>>
    %dma_start3A_176 = arith.constant 0 : i32
    %dma_start3A_177 = arith.constant 0 : i32
    %dma_start3A_178 = tpu.memref_slice %arg2[%dma_start3A_176, %dma_start3A_177] : memref<100000x128xf32, #tpu.memory_space<hbm>> -> memref<100000x128xf32, #tpu.memory_space<hbm>>
    tpu.enqueue_indirect_dma source(%dma_start3A_178 : memref<100000x128xf32, #tpu.memory_space<hbm>>) target(%arg15 : memref<128x128xf32, #tpu.memory_space<vmem>>) offsets(%dma_start3A_175 : memref<128xi32, #tpu.memory_space<vmem>>) semaphore(%arg24 : memref<!tpu.dma_semaphore, #tpu.memory_space<semaphore_mem>>)
    %scan3A_179 = arith.constant 0 : i32
    %scan3A_180 = arith.constant 0 : i32
    %scan3A_181 = arith.constant 20 : i32
    %scan3A_182 = arith.addi %scan3A_180, %scan3A_181 : i32
    %scan3A_183 = arith.constant 1 : i32
    scf.for %scan3A_209 = %scan3A_180 to %scan3A_182 step %scan3A_183  : i32 {
      %mul3A_210 = arith.constant 2 : i32
      %mul3A_211 = arith.muli %mul3A_210, %scan3A_209 : i32
      %add3A_212 = arith.constant 1 : i32
      %add3A_213 = arith.addi %mul3A_211, %add3A_212 : i32
      %dma_start3A_214 = arith.constant 0 : i32
      %dma_start3A_215 = tpu.memref_slice %arg11[%add3A_213, %dma_start3A_214] : memref<40x128xi32, #tpu.memory_space<vmem>> -> memref<1x128xi32, #tpu.memory_space<vmem>>
      %dma_start3A_216 = tpu.memref_squeeze %dma_start3A_215 : memref<1x128xi32, #tpu.memory_space<vmem>> -> memref<128xi32, #tpu.memory_space<vmem>>
      %dma_start3A_217 = arith.constant 0 : i32
      %dma_start3A_218 = arith.constant 0 : i32
      %dma_start3A_219 = tpu.memref_slice %arg2[%dma_start3A_217, %dma_start3A_218] : memref<100000x128xf32, #tpu.memory_space<hbm>> -> memref<100000x128xf32, #tpu.memory_space<hbm>>
      tpu.enqueue_indirect_dma source(%dma_start3A_219 : memref<100000x128xf32, #tpu.memory_space<hbm>>) target(%arg14 : memref<128x128xf32, #tpu.memory_space<vmem>>) offsets(%dma_start3A_216 : memref<128xi32, #tpu.memory_space<vmem>>) semaphore(%arg25 : memref<!tpu.dma_semaphore, #tpu.memory_space<semaphore_mem>>)
      %dma_start3A_220 = arith.constant 0 : i32
      %dma_start3A_221 = tpu.memref_slice %arg12[%add3A_213, %dma_start3A_220] : memref<40x128xi32, #tpu.memory_space<vmem>> -> memref<1x128xi32, #tpu.memory_space<vmem>>
      %dma_start3A_222 = tpu.memref_squeeze %dma_start3A_221 : memref<1x128xi32, #tpu.memory_space<vmem>> -> memref<128xi32, #tpu.memory_space<vmem>>
      %dma_start3A_223 = arith.constant 0 : i32
      %dma_start3A_224 = arith.constant 0 : i32
      %dma_start3A_225 = tpu.memref_slice %arg2[%dma_start3A_223, %dma_start3A_224] : memref<100000x128xf32, #tpu.memory_space<hbm>> -> memref<100000x128xf32, #tpu.memory_space<hbm>>
      tpu.enqueue_indirect_dma source(%dma_start3A_225 : memref<100000x128xf32, #tpu.memory_space<hbm>>) target(%arg16 : memref<128x128xf32, #tpu.memory_space<vmem>>) offsets(%dma_start3A_222 : memref<128xi32, #tpu.memory_space<vmem>>) semaphore(%arg25 : memref<!tpu.dma_semaphore, #tpu.memory_space<semaphore_mem>>)
      %dma_wait3A_226 = arith.constant 0 : i32
      %dma_wait3A_227 = arith.constant 0 : i32
      %dma_wait3A_228 = tpu.memref_slice %arg11[%dma_wait3A_226, %dma_wait3A_227] : memref<40x128xi32, #tpu.memory_space<vmem>> -> memref<1x128xi32, #tpu.memory_space<vmem>>
      %dma_wait3A_229 = tpu.memref_squeeze %dma_wait3A_228 : memref<1x128xi32, #tpu.memory_space<vmem>> -> memref<128xi32, #tpu.memory_space<vmem>>
      %dma_wait3A_230 = arith.constant 0 : i32
      %dma_wait3A_231 = arith.constant 0 : i32
      %dma_wait3A_232 = tpu.memref_slice %arg2[%dma_wait3A_230, %dma_wait3A_231] : memref<100000x128xf32, #tpu.memory_space<hbm>> -> memref<100000x128xf32, #tpu.memory_space<hbm>>
      tpu.wait_indirect_dma semaphore(%arg24 : memref<!tpu.dma_semaphore, #tpu.memory_space<semaphore_mem>>) src(%dma_wait3A_232 : memref<100000x128xf32, #tpu.memory_space<hbm>>) dst(%arg13 : memref<128x128xf32, #tpu.memory_space<vmem>>)
      %dma_wait3A_233 = arith.constant 0 : i32
      %dma_wait3A_234 = arith.constant 0 : i32
      %dma_wait3A_235 = tpu.memref_slice %arg12[%dma_wait3A_233, %dma_wait3A_234] : memref<40x128xi32, #tpu.memory_space<vmem>> -> memref<1x128xi32, #tpu.memory_space<vmem>>
      %dma_wait3A_236 = tpu.memref_squeeze %dma_wait3A_235 : memref<1x128xi32, #tpu.memory_space<vmem>> -> memref<128xi32, #tpu.memory_space<vmem>>
      %dma_wait3A_237 = arith.constant 0 : i32
      %dma_wait3A_238 = arith.constant 0 : i32
      %dma_wait3A_239 = tpu.memref_slice %arg2[%dma_wait3A_237, %dma_wait3A_238] : memref<100000x128xf32, #tpu.memory_space<hbm>> -> memref<100000x128xf32, #tpu.memory_space<hbm>>
      tpu.wait_indirect_dma semaphore(%arg24 : memref<!tpu.dma_semaphore, #tpu.memory_space<semaphore_mem>>) src(%dma_wait3A_239 : memref<100000x128xf32, #tpu.memory_space<hbm>>) dst(%arg15 : memref<128x128xf32, #tpu.memory_space<vmem>>)
      %gt3A = arith.constant 0 : i32
      %gt3A_240 = arith.cmpi sgt, %scan3A_209, %gt3A : i32
      %convert_element_type3A_241 = arith.extui %gt3A_240 : i1 to i32
      %cond3A_242 = arith.constant 0 : i32
      %cond3A_243 = arith.cmpi ne, %convert_element_type3A_241, %cond3A_242 : i32
      scf.if %cond3A_243 {
        %dma_wait3A_343 = arith.constant 0 : i32
        %dma_wait3A_344 = arith.constant 0 : i32
        %dma_wait3A_345 = tpu.memref_slice %arg7[%dma_wait3A_343, %dma_wait3A_344] : memref<20480x128xf32, #tpu.memory_space<hbm>> -> memref<16x128xf32, #tpu.memory_space<hbm>>
        %dma_wait3A_346 = arith.constant 0 : i32
        %dma_wait3A_347 = arith.constant 0 : i32
        %dma_wait3A_348 = tpu.memref_slice %arg7[%dma_wait3A_346, %dma_wait3A_347] : memref<20480x128xf32, #tpu.memory_space<hbm>> -> memref<16x128xf32, #tpu.memory_space<hbm>>
        tpu.wait_dma2 semaphore(%arg26 : memref<!tpu.dma_semaphore, #tpu.memory_space<semaphore_mem>>) src(%arg17 : memref<16x128xf32, #tpu.memory_space<vmem>>) dst(%dma_wait3A_348 : memref<16x128xf32, #tpu.memory_space<hbm>>)
        %dma_wait3A_349 = arith.constant 0 : i32
        %dma_wait3A_350 = arith.constant 0 : i32
        %dma_wait3A_351 = tpu.memref_slice %arg8[%dma_wait3A_349, %dma_wait3A_350] : memref<20480x128xf32, #tpu.memory_space<hbm>> -> memref<16x128xf32, #tpu.memory_space<hbm>>
        %dma_wait3A_352 = arith.constant 0 : i32
        %dma_wait3A_353 = arith.constant 0 : i32
        %dma_wait3A_354 = tpu.memref_slice %arg8[%dma_wait3A_352, %dma_wait3A_353] : memref<20480x128xf32, #tpu.memory_space<hbm>> -> memref<16x128xf32, #tpu.memory_space<hbm>>
        tpu.wait_dma2 semaphore(%arg26 : memref<!tpu.dma_semaphore, #tpu.memory_space<semaphore_mem>>) src(%arg19 : memref<16x128xf32, #tpu.memory_space<vmem>>) dst(%dma_wait3A_354 : memref<16x128xf32, #tpu.memory_space<hbm>>)
      } else {
      }
      %parallel_loop3A = arith.constant 0 : i32
      %parallel_loop3A_244 = arith.constant 128 : i32
      %parallel_loop3A_245 = arith.constant 1 : i32
      scf.for %parallel_loop3A_343 = %parallel_loop3A to %parallel_loop3A_244 step %parallel_loop3A_245  : i32 {
        %parallel_loop3A_344 = arith.index_cast %parallel_loop3A_343 : i32 to index
        %parallel_loop3A_345 = arith.constant 0 : index
        %parallel_loop3A_346 = tpu.vector_load %arg13[%parallel_loop3A_344, %parallel_loop3A_345] {strides = array<i32>} : memref<128x128xf32, #tpu.memory_space<vmem>>, vector<1x16xf32>,
        %parallel_loop3A_347 = vector.shape_cast %parallel_loop3A_346 : vector<1x16xf32> to vector<16xf32>
        %parallel_loop3A_348 = arith.index_cast %parallel_loop3A_343 : i32 to index
        %parallel_loop3A_349 = arith.constant 0 : index
        %parallel_loop3A_350 = tpu.vector_load %arg15[%parallel_loop3A_348, %parallel_loop3A_349] {strides = array<i32>} : memref<128x128xf32, #tpu.memory_space<vmem>>, vector<1x16xf32>,
        %parallel_loop3A_351 = vector.shape_cast %parallel_loop3A_350 : vector<1x16xf32> to vector<16xf32>
        %parallel_loop3A_352 = arith.mulf %parallel_loop3A_347, %parallel_loop3A_351 : vector<16xf32>
        %parallel_loop3A_353 = arith.mulf %parallel_loop3A_347, %scan3A_97#0 : vector<16xf32>
        %parallel_loop3A_354 = arith.index_cast %parallel_loop3A_343 : i32 to index
        %parallel_loop3A_355 = arith.constant 16 : index
        %parallel_loop3A_356 = tpu.vector_load %arg13[%parallel_loop3A_354, %parallel_loop3A_355] {strides = array<i32>} : memref<128x128xf32, #tpu.memory_space<vmem>>, vector<1x16xf32>,
        %parallel_loop3A_357 = vector.shape_cast %parallel_loop3A_356 : vector<1x16xf32> to vector<16xf32>
        %parallel_loop3A_358 = arith.index_cast %parallel_loop3A_343 : i32 to index
        %parallel_loop3A_359 = arith.constant 16 : index
        %parallel_loop3A_360 = tpu.vector_load %arg15[%parallel_loop3A_358, %parallel_loop3A_359] {strides = array<i32>} : memref<128x128xf32, #tpu.memory_space<vmem>>, vector<1x16xf32>,
        %parallel_loop3A_361 = vector.shape_cast %parallel_loop3A_360 : vector<1x16xf32> to vector<16xf32>
        %parallel_loop3A_362 = arith.mulf %parallel_loop3A_357, %parallel_loop3A_361 : vector<16xf32>
        %parallel_loop3A_363 = arith.addf %parallel_loop3A_352, %parallel_loop3A_362 : vector<16xf32>
        %parallel_loop3A_364 = arith.mulf %parallel_loop3A_357, %scan3A_97#1 : vector<16xf32>
        %parallel_loop3A_365 = arith.addf %parallel_loop3A_353, %parallel_loop3A_364 : vector<16xf32>
        %parallel_loop3A_366 = arith.index_cast %parallel_loop3A_343 : i32 to index
        %parallel_loop3A_367 = arith.constant 32 : index
        %parallel_loop3A_368 = tpu.vector_load %arg13[%parallel_loop3A_366, %parallel_loop3A_367] {strides = array<i32>} : memref<128x128xf32, #tpu.memory_space<vmem>>, vector<1x16xf32>,
        %parallel_loop3A_369 = vector.shape_cast %parallel_loop3A_368 : vector<1x16xf32> to vector<16xf32>
        %parallel_loop3A_370 = arith.index_cast %parallel_loop3A_343 : i32 to index
        %parallel_loop3A_371 = arith.constant 32 : index
        %parallel_loop3A_372 = tpu.vector_load %arg15[%parallel_loop3A_370, %parallel_loop3A_371] {strides = array<i32>} : memref<128x128xf32, #tpu.memory_space<vmem>>, vector<1x16xf32>,
        %parallel_loop3A_373 = vector.shape_cast %parallel_loop3A_372 : vector<1x16xf32> to vector<16xf32>
        %parallel_loop3A_374 = arith.mulf %parallel_loop3A_369, %parallel_loop3A_373 : vector<16xf32>
        %parallel_loop3A_375 = arith.addf %parallel_loop3A_363, %parallel_loop3A_374 : vector<16xf32>
        %parallel_loop3A_376 = arith.mulf %parallel_loop3A_369, %scan3A_97#2 : vector<16xf32>
        %parallel_loop3A_377 = arith.addf %parallel_loop3A_365, %parallel_loop3A_376 : vector<16xf32>
        %parallel_loop3A_378 = arith.index_cast %parallel_loop3A_343 : i32 to index
        %parallel_loop3A_379 = arith.constant 48 : index
        %parallel_loop3A_380 = tpu.vector_load %arg13[%parallel_loop3A_378, %parallel_loop3A_379] {strides = array<i32>} : memref<128x128xf32, #tpu.memory_space<vmem>>, vector<1x16xf32>,
        %parallel_loop3A_381 = vector.shape_cast %parallel_loop3A_380 : vector<1x16xf32> to vector<16xf32>
        %parallel_loop3A_382 = arith.index_cast %parallel_loop3A_343 : i32 to index
        %parallel_loop3A_383 = arith.constant 48 : index
        %parallel_loop3A_384 = tpu.vector_load %arg15[%parallel_loop3A_382, %parallel_loop3A_383] {strides = array<i32>} : memref<128x128xf32, #tpu.memory_space<vmem>>, vector<1x16xf32>,
        %parallel_loop3A_385 = vector.shape_cast %parallel_loop3A_384 : vector<1x16xf32> to vector<16xf32>
        %parallel_loop3A_386 = arith.mulf %parallel_loop3A_381, %parallel_loop3A_385 : vector<16xf32>
        %parallel_loop3A_387 = arith.addf %parallel_loop3A_375, %parallel_loop3A_386 : vector<16xf32>
        %parallel_loop3A_388 = arith.mulf %parallel_loop3A_381, %scan3A_97#3 : vector<16xf32>
        %parallel_loop3A_389 = arith.addf %parallel_loop3A_377, %parallel_loop3A_388 : vector<16xf32>
        %parallel_loop3A_390 = arith.index_cast %parallel_loop3A_343 : i32 to index
        %parallel_loop3A_391 = arith.constant 64 : index
        %parallel_loop3A_392 = tpu.vector_load %arg13[%parallel_loop3A_390, %parallel_loop3A_391] {strides = array<i32>} : memref<128x128xf32, #tpu.memory_space<vmem>>, vector<1x16xf32>,
        %parallel_loop3A_393 = vector.shape_cast %parallel_loop3A_392 : vector<1x16xf32> to vector<16xf32>
        %parallel_loop3A_394 = arith.index_cast %parallel_loop3A_343 : i32 to index
        %parallel_loop3A_395 = arith.constant 64 : index
        %parallel_loop3A_396 = tpu.vector_load %arg15[%parallel_loop3A_394, %parallel_loop3A_395] {strides = array<i32>} : memref<128x128xf32, #tpu.memory_space<vmem>>, vector<1x16xf32>,
        %parallel_loop3A_397 = vector.shape_cast %parallel_loop3A_396 : vector<1x16xf32> to vector<16xf32>
        %parallel_loop3A_398 = arith.mulf %parallel_loop3A_393, %parallel_loop3A_397 : vector<16xf32>
        %parallel_loop3A_399 = arith.addf %parallel_loop3A_387, %parallel_loop3A_398 : vector<16xf32>
        %parallel_loop3A_400 = arith.mulf %parallel_loop3A_393, %scan3A_97#4 : vector<16xf32>
        %parallel_loop3A_401 = arith.addf %parallel_loop3A_389, %parallel_loop3A_400 : vector<16xf32>
        %parallel_loop3A_402 = arith.index_cast %parallel_loop3A_343 : i32 to index
        %parallel_loop3A_403 = arith.constant 80 : index
        %parallel_loop3A_404 = tpu.vector_load %arg13[%parallel_loop3A_402, %parallel_loop3A_403] {strides = array<i32>} : memref<128x128xf32, #tpu.memory_space<vmem>>, vector<1x16xf32>,
        %parallel_loop3A_405 = vector.shape_cast %parallel_loop3A_404 : vector<1x16xf32> to vector<16xf32>
        %parallel_loop3A_406 = arith.index_cast %parallel_loop3A_343 : i32 to index
        %parallel_loop3A_407 = arith.constant 80 : index
        %parallel_loop3A_408 = tpu.vector_load %arg15[%parallel_loop3A_406, %parallel_loop3A_407] {strides = array<i32>} : memref<128x128xf32, #tpu.memory_space<vmem>>, vector<1x16xf32>,
        %parallel_loop3A_409 = vector.shape_cast %parallel_loop3A_408 : vector<1x16xf32> to vector<16xf32>
        %parallel_loop3A_410 = arith.mulf %parallel_loop3A_405, %parallel_loop3A_409 : vector<16xf32>
        %parallel_loop3A_411 = arith.addf %parallel_loop3A_399, %parallel_loop3A_410 : vector<16xf32>
        %parallel_loop3A_412 = arith.mulf %parallel_loop3A_405, %scan3A_97#5 : vector<16xf32>
        %parallel_loop3A_413 = arith.addf %parallel_loop3A_401, %parallel_loop3A_412 : vector<16xf32>
        %parallel_loop3A_414 = arith.index_cast %parallel_loop3A_343 : i32 to index
        %parallel_loop3A_415 = arith.constant 96 : index
        %parallel_loop3A_416 = tpu.vector_load %arg13[%parallel_loop3A_414, %parallel_loop3A_415] {strides = array<i32>} : memref<128x128xf32, #tpu.memory_space<vmem>>, vector<1x16xf32>,
        %parallel_loop3A_417 = vector.shape_cast %parallel_loop3A_416 : vector<1x16xf32> to vector<16xf32>
        %parallel_loop3A_418 = arith.index_cast %parallel_loop3A_343 : i32 to index
        %parallel_loop3A_419 = arith.constant 96 : index
        %parallel_loop3A_420 = tpu.vector_load %arg15[%parallel_loop3A_418, %parallel_loop3A_419] {strides = array<i32>} : memref<128x128xf32, #tpu.memory_space<vmem>>, vector<1x16xf32>,
        %parallel_loop3A_421 = vector.shape_cast %parallel_loop3A_420 : vector<1x16xf32> to vector<16xf32>
        %parallel_loop3A_422 = arith.mulf %parallel_loop3A_417, %parallel_loop3A_421 : vector<16xf32>
        %parallel_loop3A_423 = arith.addf %parallel_loop3A_411, %parallel_loop3A_422 : vector<16xf32>
        %parallel_loop3A_424 = arith.mulf %parallel_loop3A_417, %scan3A_97#6 : vector<16xf32>
        %parallel_loop3A_425 = arith.addf %parallel_loop3A_413, %parallel_loop3A_424 : vector<16xf32>
        %parallel_loop3A_426 = arith.index_cast %parallel_loop3A_343 : i32 to index
        %parallel_loop3A_427 = arith.constant 112 : index
        %parallel_loop3A_428 = tpu.vector_load %arg13[%parallel_loop3A_426, %parallel_loop3A_427] {strides = array<i32>} : memref<128x128xf32, #tpu.memory_space<vmem>>, vector<1x16xf32>,
        %parallel_loop3A_429 = vector.shape_cast %parallel_loop3A_428 : vector<1x16xf32> to vector<16xf32>
        %parallel_loop3A_430 = arith.index_cast %parallel_loop3A_343 : i32 to index
        %parallel_loop3A_431 = arith.constant 112 : index
        %parallel_loop3A_432 = tpu.vector_load %arg15[%parallel_loop3A_430, %parallel_loop3A_431] {strides = array<i32>} : memref<128x128xf32, #tpu.memory_space<vmem>>, vector<1x16xf32>,
        %parallel_loop3A_433 = vector.shape_cast %parallel_loop3A_432 : vector<1x16xf32> to vector<16xf32>
        %parallel_loop3A_434 = arith.mulf %parallel_loop3A_429, %parallel_loop3A_433 : vector<16xf32>
        %parallel_loop3A_435 = arith.addf %parallel_loop3A_423, %parallel_loop3A_434 : vector<16xf32>
        %parallel_loop3A_436 = arith.mulf %parallel_loop3A_429, %scan3A_97#7 : vector<16xf32>
        %parallel_loop3A_437 = arith.addf %parallel_loop3A_425, %parallel_loop3A_436 : vector<16xf32>
        %parallel_loop3A_438 = arith.constant 3 : i32
        %parallel_loop3A_439 = arith.shrui %parallel_loop3A_343, %parallel_loop3A_438 : i32
        %parallel_loop3A_440 = arith.constant 7 : i32
        %parallel_loop3A_441 = arith.andi %parallel_loop3A_343, %parallel_loop3A_440 : i32
        %parallel_loop3A_442 = arith.constant 16 : i32
        %parallel_loop3A_443 = arith.muli %parallel_loop3A_441, %parallel_loop3A_442 : i32
        %parallel_loop3A_444 = arith.index_cast %parallel_loop3A_439 : i32 to index
        %parallel_loop3A_445 = arith.index_cast %parallel_loop3A_443 : i32 to index
        %parallel_loop3A_446 = tpu.vector_load %arg17[%parallel_loop3A_444, %parallel_loop3A_445] {strides = array<i32>} : memref<16x128xf32, #tpu.memory_space<vmem>>, vector<1x16xf32>,
        %parallel_loop3A_447 = vector.shape_cast %parallel_loop3A_446 : vector<1x16xf32> to vector<16xf32>
        %parallel_loop3A_448 = vector.shape_cast %parallel_loop3A_435 : vector<16xf32> to vector<1x16xf32>
        tpu.vector_store %arg17[%parallel_loop3A_444, %parallel_loop3A_445], %parallel_loop3A_448 {strides = array<i32>} : memref<16x128xf32, #tpu.memory_space<vmem>>, vector<1x16xf32>,
        %parallel_loop3A_449 = arith.index_cast %parallel_loop3A_439 : i32 to index
        %parallel_loop3A_450 = arith.index_cast %parallel_loop3A_443 : i32 to index
        %parallel_loop3A_451 = tpu.vector_load %arg19[%parallel_loop3A_449, %parallel_loop3A_450] {strides = array<i32>} : memref<16x128xf32, #tpu.memory_space<vmem>>, vector<1x16xf32>,
        %parallel_loop3A_452 = vector.shape_cast %parallel_loop3A_451 : vector<1x16xf32> to vector<16xf32>
        %parallel_loop3A_453 = vector.shape_cast %parallel_loop3A_437 : vector<16xf32> to vector<1x16xf32>
        tpu.vector_store %arg19[%parallel_loop3A_449, %parallel_loop3A_450], %parallel_loop3A_453 {strides = array<i32>} : memref<16x128xf32, #tpu.memory_space<vmem>>, vector<1x16xf32>,
      } {sc.loop_unroll_factor = 16 : i64, sc.parallel_access}
      %mul3A_246 = arith.constant 128 : i32
      %mul3A_247 = arith.muli %mul3A_211, %mul3A_246 : i32
      %add3A_248 = arith.addi %mul3A_2, %mul3A_247 : i32
      %mul3A_249 = arith.constant 16 : i32
      %mul3A_250 = arith.muli %add3A_248, %mul3A_249 : i32
      %jit3A = arith.constant 128 : i32
      %div3A = arith.divsi %mul3A_250, %jit3A : i32
      %sign3A = arith.constant 0 : i32
      %sign3A_251 = arith.cmpi sgt, %mul3A_250, %sign3A : i32
      %sign3A_252 = arith.extui %sign3A_251 : i1 to i32
      %sign3A_253 = arith.constant 0 : i32
      %sign3A_254 = arith.cmpi slt, %mul3A_250, %sign3A_253 : i32
      %sign3A_255 = arith.extui %sign3A_254 : i1 to i32
      %sign3A_256 = arith.subi %sign3A_252, %sign3A_255 : i32
      %sign3A_257 = arith.constant 0 : i32
      %sign3A_258 = arith.cmpi sgt, %jit3A, %sign3A_257 : i32
      %sign3A_259 = arith.extui %sign3A_258 : i1 to i32
      %sign3A_260 = arith.constant 0 : i32
      %sign3A_261 = arith.cmpi slt, %jit3A, %sign3A_260 : i32
      %sign3A_262 = arith.extui %sign3A_261 : i1 to i32
      %sign3A_263 = arith.subi %sign3A_259, %sign3A_262 : i32
      %ne3A = arith.cmpi ne, %sign3A_256, %sign3A_263 : i32
      %rem3A = arith.remsi %mul3A_250, %jit3A : i32
      %ne3A_264 = arith.constant 0 : i32
      %ne3A_265 = arith.cmpi ne, %rem3A, %ne3A_264 : i32
      %and3A = arith.andi %ne3A, %ne3A_265 : i1
      %sub3A = arith.constant 1 : i32
      %sub3A_266 = arith.subi %div3A, %sub3A : i32
      %select_n3A = arith.select %and3A, %sub3A_266, %div3A : i32
      %multiple_of3A = tpu.assume_multiple %select_n3A, 16 : i32
      %dma_start3A_267 = arith.constant 0 : i32
      %dma_start3A_268 = tpu.memref_slice %arg7[%multiple_of3A, %dma_start3A_267] : memref<20480x128xf32, #tpu.memory_space<hbm>> -> memref<16x128xf32, #tpu.memory_space<hbm>>
      %dma_start3A_269 = arith.constant 0 : i32
      %dma_start3A_270 = tpu.memref_slice %arg7[%multiple_of3A, %dma_start3A_269] : memref<20480x128xf32, #tpu.memory_space<hbm>> -> memref<16x128xf32, #tpu.memory_space<hbm>>
      tpu.enqueue_dma source(%arg17 : memref<16x128xf32, #tpu.memory_space<vmem>>) target(%dma_start3A_270 : memref<16x128xf32, #tpu.memory_space<hbm>>) target_semaphore(%arg26 : memref<!tpu.dma_semaphore, #tpu.memory_space<semaphore_mem>>)
      %dma_start3A_271 = arith.constant 0 : i32
      %dma_start3A_272 = tpu.memref_slice %arg8[%multiple_of3A, %dma_start3A_271] : memref<20480x128xf32, #tpu.memory_space<hbm>> -> memref<16x128xf32, #tpu.memory_space<hbm>>
      %dma_start3A_273 = arith.constant 0 : i32
      %dma_start3A_274 = tpu.memref_slice %arg8[%multiple_of3A, %dma_start3A_273] : memref<20480x128xf32, #tpu.memory_space<hbm>> -> memref<16x128xf32, #tpu.memory_space<hbm>>
      tpu.enqueue_dma source(%arg19 : memref<16x128xf32, #tpu.memory_space<vmem>>) target(%dma_start3A_274 : memref<16x128xf32, #tpu.memory_space<hbm>>) target_semaphore(%arg26 : memref<!tpu.dma_semaphore, #tpu.memory_space<semaphore_mem>>)
      %add3A_275 = arith.constant 2 : i32
      %add3A_276 = arith.addi %mul3A_211, %add3A_275 : i32
      %lt3A = arith.constant 40 : i32
      %lt3A_277 = arith.cmpi slt, %add3A_276, %lt3A : i32
      %convert_element_type3A_278 = arith.extui %lt3A_277 : i1 to i32
      %cond3A_279 = arith.constant 0 : i32
      %cond3A_280 = arith.cmpi ne, %convert_element_type3A_278, %cond3A_279 : i32
      scf.if %cond3A_280 {
        %add3A_343 = arith.constant 2 : i32
        %add3A_344 = arith.addi %mul3A_211, %add3A_343 : i32
        %dma_start3A_345 = arith.constant 0 : i32
        %dma_start3A_346 = tpu.memref_slice %arg11[%add3A_344, %dma_start3A_345] : memref<40x128xi32, #tpu.memory_space<vmem>> -> memref<1x128xi32, #tpu.memory_space<vmem>>
        %dma_start3A_347 = tpu.memref_squeeze %dma_start3A_346 : memref<1x128xi32, #tpu.memory_space<vmem>> -> memref<128xi32, #tpu.memory_space<vmem>>
        %dma_start3A_348 = arith.constant 0 : i32
        %dma_start3A_349 = arith.constant 0 : i32
        %dma_start3A_350 = tpu.memref_slice %arg2[%dma_start3A_348, %dma_start3A_349] : memref<100000x128xf32, #tpu.memory_space<hbm>> -> memref<100000x128xf32, #tpu.memory_space<hbm>>
        tpu.enqueue_indirect_dma source(%dma_start3A_350 : memref<100000x128xf32, #tpu.memory_space<hbm>>) target(%arg13 : memref<128x128xf32, #tpu.memory_space<vmem>>) offsets(%dma_start3A_347 : memref<128xi32, #tpu.memory_space<vmem>>) semaphore(%arg24 : memref<!tpu.dma_semaphore, #tpu.memory_space<semaphore_mem>>)
        %dma_start3A_351 = arith.constant 0 : i32
        %dma_start3A_352 = tpu.memref_slice %arg12[%add3A_344, %dma_start3A_351] : memref<40x128xi32, #tpu.memory_space<vmem>> -> memref<1x128xi32, #tpu.memory_space<vmem>>
        %dma_start3A_353 = tpu.memref_squeeze %dma_start3A_352 : memref<1x128xi32, #tpu.memory_space<vmem>> -> memref<128xi32, #tpu.memory_space<vmem>>
        %dma_start3A_354 = arith.constant 0 : i32
        %dma_start3A_355 = arith.constant 0 : i32
        %dma_start3A_356 = tpu.memref_slice %arg2[%dma_start3A_354, %dma_start3A_355] : memref<100000x128xf32, #tpu.memory_space<hbm>> -> memref<100000x128xf32, #tpu.memory_space<hbm>>
        tpu.enqueue_indirect_dma source(%dma_start3A_356 : memref<100000x128xf32, #tpu.memory_space<hbm>>) target(%arg15 : memref<128x128xf32, #tpu.memory_space<vmem>>) offsets(%dma_start3A_353 : memref<128xi32, #tpu.memory_space<vmem>>) semaphore(%arg24 : memref<!tpu.dma_semaphore, #tpu.memory_space<semaphore_mem>>)
      } else {
      }
      %dma_wait3A_281 = arith.constant 0 : i32
      %dma_wait3A_282 = arith.constant 0 : i32
      %dma_wait3A_283 = tpu.memref_slice %arg11[%dma_wait3A_281, %dma_wait3A_282] : memref<40x128xi32, #tpu.memory_space<vmem>> -> memref<1x128xi32, #tpu.memory_space<vmem>>
      %dma_wait3A_284 = tpu.memref_squeeze %dma_wait3A_283 : memref<1x128xi32, #tpu.memory_space<vmem>> -> memref<128xi32, #tpu.memory_space<vmem>>
      %dma_wait3A_285 = arith.constant 0 : i32
      %dma_wait3A_286 = arith.constant 0 : i32
      %dma_wait3A_287 = tpu.memref_slice %arg2[%dma_wait3A_285, %dma_wait3A_286] : memref<100000x128xf32, #tpu.memory_space<hbm>> -> memref<100000x128xf32, #tpu.memory_space<hbm>>
      tpu.wait_indirect_dma semaphore(%arg25 : memref<!tpu.dma_semaphore, #tpu.memory_space<semaphore_mem>>) src(%dma_wait3A_287 : memref<100000x128xf32, #tpu.memory_space<hbm>>) dst(%arg14 : memref<128x128xf32, #tpu.memory_space<vmem>>)
      %dma_wait3A_288 = arith.constant 0 : i32
      %dma_wait3A_289 = arith.constant 0 : i32
      %dma_wait3A_290 = tpu.memref_slice %arg12[%dma_wait3A_288, %dma_wait3A_289] : memref<40x128xi32, #tpu.memory_space<vmem>> -> memref<1x128xi32, #tpu.memory_space<vmem>>
      %dma_wait3A_291 = tpu.memref_squeeze %dma_wait3A_290 : memref<1x128xi32, #tpu.memory_space<vmem>> -> memref<128xi32, #tpu.memory_space<vmem>>
      %dma_wait3A_292 = arith.constant 0 : i32
      %dma_wait3A_293 = arith.constant 0 : i32
      %dma_wait3A_294 = tpu.memref_slice %arg2[%dma_wait3A_292, %dma_wait3A_293] : memref<100000x128xf32, #tpu.memory_space<hbm>> -> memref<100000x128xf32, #tpu.memory_space<hbm>>
      tpu.wait_indirect_dma semaphore(%arg25 : memref<!tpu.dma_semaphore, #tpu.memory_space<semaphore_mem>>) src(%dma_wait3A_294 : memref<100000x128xf32, #tpu.memory_space<hbm>>) dst(%arg16 : memref<128x128xf32, #tpu.memory_space<vmem>>)
      %gt3A_295 = arith.constant 0 : i32
      %gt3A_296 = arith.cmpi sgt, %scan3A_209, %gt3A_295 : i32
      %convert_element_type3A_297 = arith.extui %gt3A_296 : i1 to i32
      %cond3A_298 = arith.constant 0 : i32
      %cond3A_299 = arith.cmpi ne, %convert_element_type3A_297, %cond3A_298 : i32
      scf.if %cond3A_299 {
        %dma_wait3A_343 = arith.constant 0 : i32
        %dma_wait3A_344 = arith.constant 0 : i32
        %dma_wait3A_345 = tpu.memref_slice %arg7[%dma_wait3A_343, %dma_wait3A_344] : memref<20480x128xf32, #tpu.memory_space<hbm>> -> memref<16x128xf32, #tpu.memory_space<hbm>>
        %dma_wait3A_346 = arith.constant 0 : i32
        %dma_wait3A_347 = arith.constant 0 : i32
        %dma_wait3A_348 = tpu.memref_slice %arg7[%dma_wait3A_346, %dma_wait3A_347] : memref<20480x128xf32, #tpu.memory_space<hbm>> -> memref<16x128xf32, #tpu.memory_space<hbm>>
        tpu.wait_dma2 semaphore(%arg27 : memref<!tpu.dma_semaphore, #tpu.memory_space<semaphore_mem>>) src(%arg18 : memref<16x128xf32, #tpu.memory_space<vmem>>) dst(%dma_wait3A_348 : memref<16x128xf32, #tpu.memory_space<hbm>>)
        %dma_wait3A_349 = arith.constant 0 : i32
        %dma_wait3A_350 = arith.constant 0 : i32
        %dma_wait3A_351 = tpu.memref_slice %arg8[%dma_wait3A_349, %dma_wait3A_350] : memref<20480x128xf32, #tpu.memory_space<hbm>> -> memref<16x128xf32, #tpu.memory_space<hbm>>
        %dma_wait3A_352 = arith.constant 0 : i32
        %dma_wait3A_353 = arith.constant 0 : i32
        %dma_wait3A_354 = tpu.memref_slice %arg8[%dma_wait3A_352, %dma_wait3A_353] : memref<20480x128xf32, #tpu.memory_space<hbm>> -> memref<16x128xf32, #tpu.memory_space<hbm>>
        tpu.wait_dma2 semaphore(%arg27 : memref<!tpu.dma_semaphore, #tpu.memory_space<semaphore_mem>>) src(%arg20 : memref<16x128xf32, #tpu.memory_space<vmem>>) dst(%dma_wait3A_354 : memref<16x128xf32, #tpu.memory_space<hbm>>)
      } else {
      }
      %add3A_300 = arith.constant 1 : i32
      %add3A_301 = arith.addi %mul3A_211, %add3A_300 : i32
      %parallel_loop3A_302 = arith.constant 0 : i32
      %parallel_loop3A_303 = arith.constant 128 : i32
      %parallel_loop3A_304 = arith.constant 1 : i32
      scf.for %parallel_loop3A_343 = %parallel_loop3A_302 to %parallel_loop3A_303 step %parallel_loop3A_304  : i32 {
        %parallel_loop3A_344 = arith.index_cast %parallel_loop3A_343 : i32 to index
        %parallel_loop3A_345 = arith.constant 0 : index
        %parallel_loop3A_346 = tpu.vector_load %arg14[%parallel_loop3A_344, %parallel_loop3A_345] {strides = array<i32>} : memref<128x128xf32, #tpu.memory_space<vmem>>, vector<1x16xf32>,
        %parallel_loop3A_347 = vector.shape_cast %parallel_loop3A_346 : vector<1x16xf32> to vector<16xf32>
        %parallel_loop3A_348 = arith.index_cast %parallel_loop3A_343 : i32 to index
        %parallel_loop3A_349 = arith.constant 0 : index
        %parallel_loop3A_350 = tpu.vector_load %arg16[%parallel_loop3A_348, %parallel_loop3A_349] {strides = array<i32>} : memref<128x128xf32, #tpu.memory_space<vmem>>, vector<1x16xf32>,
        %parallel_loop3A_351 = vector.shape_cast %parallel_loop3A_350 : vector<1x16xf32> to vector<16xf32>
        %parallel_loop3A_352 = arith.mulf %parallel_loop3A_347, %parallel_loop3A_351 : vector<16xf32>
        %parallel_loop3A_353 = arith.mulf %parallel_loop3A_347, %scan3A_97#0 : vector<16xf32>
        %parallel_loop3A_354 = arith.index_cast %parallel_loop3A_343 : i32 to index
        %parallel_loop3A_355 = arith.constant 16 : index
        %parallel_loop3A_356 = tpu.vector_load %arg14[%parallel_loop3A_354, %parallel_loop3A_355] {strides = array<i32>} : memref<128x128xf32, #tpu.memory_space<vmem>>, vector<1x16xf32>,
        %parallel_loop3A_357 = vector.shape_cast %parallel_loop3A_356 : vector<1x16xf32> to vector<16xf32>
        %parallel_loop3A_358 = arith.index_cast %parallel_loop3A_343 : i32 to index
        %parallel_loop3A_359 = arith.constant 16 : index
        %parallel_loop3A_360 = tpu.vector_load %arg16[%parallel_loop3A_358, %parallel_loop3A_359] {strides = array<i32>} : memref<128x128xf32, #tpu.memory_space<vmem>>, vector<1x16xf32>,
        %parallel_loop3A_361 = vector.shape_cast %parallel_loop3A_360 : vector<1x16xf32> to vector<16xf32>
        %parallel_loop3A_362 = arith.mulf %parallel_loop3A_357, %parallel_loop3A_361 : vector<16xf32>
        %parallel_loop3A_363 = arith.addf %parallel_loop3A_352, %parallel_loop3A_362 : vector<16xf32>
        %parallel_loop3A_364 = arith.mulf %parallel_loop3A_357, %scan3A_97#1 : vector<16xf32>
        %parallel_loop3A_365 = arith.addf %parallel_loop3A_353, %parallel_loop3A_364 : vector<16xf32>
        %parallel_loop3A_366 = arith.index_cast %parallel_loop3A_343 : i32 to index
        %parallel_loop3A_367 = arith.constant 32 : index
        %parallel_loop3A_368 = tpu.vector_load %arg14[%parallel_loop3A_366, %parallel_loop3A_367] {strides = array<i32>} : memref<128x128xf32, #tpu.memory_space<vmem>>, vector<1x16xf32>,
        %parallel_loop3A_369 = vector.shape_cast %parallel_loop3A_368 : vector<1x16xf32> to vector<16xf32>
        %parallel_loop3A_370 = arith.index_cast %parallel_loop3A_343 : i32 to index
        %parallel_loop3A_371 = arith.constant 32 : index
        %parallel_loop3A_372 = tpu.vector_load %arg16[%parallel_loop3A_370, %parallel_loop3A_371] {strides = array<i32>} : memref<128x128xf32, #tpu.memory_space<vmem>>, vector<1x16xf32>,
        %parallel_loop3A_373 = vector.shape_cast %parallel_loop3A_372 : vector<1x16xf32> to vector<16xf32>
        %parallel_loop3A_374 = arith.mulf %parallel_loop3A_369, %parallel_loop3A_373 : vector<16xf32>
        %parallel_loop3A_375 = arith.addf %parallel_loop3A_363, %parallel_loop3A_374 : vector<16xf32>
        %parallel_loop3A_376 = arith.mulf %parallel_loop3A_369, %scan3A_97#2 : vector<16xf32>
        %parallel_loop3A_377 = arith.addf %parallel_loop3A_365, %parallel_loop3A_376 : vector<16xf32>
        %parallel_loop3A_378 = arith.index_cast %parallel_loop3A_343 : i32 to index
        %parallel_loop3A_379 = arith.constant 48 : index
        %parallel_loop3A_380 = tpu.vector_load %arg14[%parallel_loop3A_378, %parallel_loop3A_379] {strides = array<i32>} : memref<128x128xf32, #tpu.memory_space<vmem>>, vector<1x16xf32>,
        %parallel_loop3A_381 = vector.shape_cast %parallel_loop3A_380 : vector<1x16xf32> to vector<16xf32>
        %parallel_loop3A_382 = arith.index_cast %parallel_loop3A_343 : i32 to index
        %parallel_loop3A_383 = arith.constant 48 : index
        %parallel_loop3A_384 = tpu.vector_load %arg16[%parallel_loop3A_382, %parallel_loop3A_383] {strides = array<i32>} : memref<128x128xf32, #tpu.memory_space<vmem>>, vector<1x16xf32>,
        %parallel_loop3A_385 = vector.shape_cast %parallel_loop3A_384 : vector<1x16xf32> to vector<16xf32>
        %parallel_loop3A_386 = arith.mulf %parallel_loop3A_381, %parallel_loop3A_385 : vector<16xf32>
        %parallel_loop3A_387 = arith.addf %parallel_loop3A_375, %parallel_loop3A_386 : vector<16xf32>
        %parallel_loop3A_388 = arith.mulf %parallel_loop3A_381, %scan3A_97#3 : vector<16xf32>
        %parallel_loop3A_389 = arith.addf %parallel_loop3A_377, %parallel_loop3A_388 : vector<16xf32>
        %parallel_loop3A_390 = arith.index_cast %parallel_loop3A_343 : i32 to index
        %parallel_loop3A_391 = arith.constant 64 : index
        %parallel_loop3A_392 = tpu.vector_load %arg14[%parallel_loop3A_390, %parallel_loop3A_391] {strides = array<i32>} : memref<128x128xf32, #tpu.memory_space<vmem>>, vector<1x16xf32>,
        %parallel_loop3A_393 = vector.shape_cast %parallel_loop3A_392 : vector<1x16xf32> to vector<16xf32>
        %parallel_loop3A_394 = arith.index_cast %parallel_loop3A_343 : i32 to index
        %parallel_loop3A_395 = arith.constant 64 : index
        %parallel_loop3A_396 = tpu.vector_load %arg16[%parallel_loop3A_394, %parallel_loop3A_395] {strides = array<i32>} : memref<128x128xf32, #tpu.memory_space<vmem>>, vector<1x16xf32>,
        %parallel_loop3A_397 = vector.shape_cast %parallel_loop3A_396 : vector<1x16xf32> to vector<16xf32>
        %parallel_loop3A_398 = arith.mulf %parallel_loop3A_393, %parallel_loop3A_397 : vector<16xf32>
        %parallel_loop3A_399 = arith.addf %parallel_loop3A_387, %parallel_loop3A_398 : vector<16xf32>
        %parallel_loop3A_400 = arith.mulf %parallel_loop3A_393, %scan3A_97#4 : vector<16xf32>
        %parallel_loop3A_401 = arith.addf %parallel_loop3A_389, %parallel_loop3A_400 : vector<16xf32>
        %parallel_loop3A_402 = arith.index_cast %parallel_loop3A_343 : i32 to index
        %parallel_loop3A_403 = arith.constant 80 : index
        %parallel_loop3A_404 = tpu.vector_load %arg14[%parallel_loop3A_402, %parallel_loop3A_403] {strides = array<i32>} : memref<128x128xf32, #tpu.memory_space<vmem>>, vector<1x16xf32>,
        %parallel_loop3A_405 = vector.shape_cast %parallel_loop3A_404 : vector<1x16xf32> to vector<16xf32>
        %parallel_loop3A_406 = arith.index_cast %parallel_loop3A_343 : i32 to index
        %parallel_loop3A_407 = arith.constant 80 : index
        %parallel_loop3A_408 = tpu.vector_load %arg16[%parallel_loop3A_406, %parallel_loop3A_407] {strides = array<i32>} : memref<128x128xf32, #tpu.memory_space<vmem>>, vector<1x16xf32>,
        %parallel_loop3A_409 = vector.shape_cast %parallel_loop3A_408 : vector<1x16xf32> to vector<16xf32>
        %parallel_loop3A_410 = arith.mulf %parallel_loop3A_405, %parallel_loop3A_409 : vector<16xf32>
        %parallel_loop3A_411 = arith.addf %parallel_loop3A_399, %parallel_loop3A_410 : vector<16xf32>
        %parallel_loop3A_412 = arith.mulf %parallel_loop3A_405, %scan3A_97#5 : vector<16xf32>
        %parallel_loop3A_413 = arith.addf %parallel_loop3A_401, %parallel_loop3A_412 : vector<16xf32>
        %parallel_loop3A_414 = arith.index_cast %parallel_loop3A_343 : i32 to index
        %parallel_loop3A_415 = arith.constant 96 : index
        %parallel_loop3A_416 = tpu.vector_load %arg14[%parallel_loop3A_414, %parallel_loop3A_415] {strides = array<i32>} : memref<128x128xf32, #tpu.memory_space<vmem>>, vector<1x16xf32>,
        %parallel_loop3A_417 = vector.shape_cast %parallel_loop3A_416 : vector<1x16xf32> to vector<16xf32>
        %parallel_loop3A_418 = arith.index_cast %parallel_loop3A_343 : i32 to index
        %parallel_loop3A_419 = arith.constant 96 : index
        %parallel_loop3A_420 = tpu.vector_load %arg16[%parallel_loop3A_418, %parallel_loop3A_419] {strides = array<i32>} : memref<128x128xf32, #tpu.memory_space<vmem>>, vector<1x16xf32>,
        %parallel_loop3A_421 = vector.shape_cast %parallel_loop3A_420 : vector<1x16xf32> to vector<16xf32>
        %parallel_loop3A_422 = arith.mulf %parallel_loop3A_417, %parallel_loop3A_421 : vector<16xf32>
        %parallel_loop3A_423 = arith.addf %parallel_loop3A_411, %parallel_loop3A_422 : vector<16xf32>
        %parallel_loop3A_424 = arith.mulf %parallel_loop3A_417, %scan3A_97#6 : vector<16xf32>
        %parallel_loop3A_425 = arith.addf %parallel_loop3A_413, %parallel_loop3A_424 : vector<16xf32>
        %parallel_loop3A_426 = arith.index_cast %parallel_loop3A_343 : i32 to index
        %parallel_loop3A_427 = arith.constant 112 : index
        %parallel_loop3A_428 = tpu.vector_load %arg14[%parallel_loop3A_426, %parallel_loop3A_427] {strides = array<i32>} : memref<128x128xf32, #tpu.memory_space<vmem>>, vector<1x16xf32>,
        %parallel_loop3A_429 = vector.shape_cast %parallel_loop3A_428 : vector<1x16xf32> to vector<16xf32>
        %parallel_loop3A_430 = arith.index_cast %parallel_loop3A_343 : i32 to index
        %parallel_loop3A_431 = arith.constant 112 : index
        %parallel_loop3A_432 = tpu.vector_load %arg16[%parallel_loop3A_430, %parallel_loop3A_431] {strides = array<i32>} : memref<128x128xf32, #tpu.memory_space<vmem>>, vector<1x16xf32>,
        %parallel_loop3A_433 = vector.shape_cast %parallel_loop3A_432 : vector<1x16xf32> to vector<16xf32>
        %parallel_loop3A_434 = arith.mulf %parallel_loop3A_429, %parallel_loop3A_433 : vector<16xf32>
        %parallel_loop3A_435 = arith.addf %parallel_loop3A_423, %parallel_loop3A_434 : vector<16xf32>
        %parallel_loop3A_436 = arith.mulf %parallel_loop3A_429, %scan3A_97#7 : vector<16xf32>
        %parallel_loop3A_437 = arith.addf %parallel_loop3A_425, %parallel_loop3A_436 : vector<16xf32>
        %parallel_loop3A_438 = arith.constant 3 : i32
        %parallel_loop3A_439 = arith.shrui %parallel_loop3A_343, %parallel_loop3A_438 : i32
        %parallel_loop3A_440 = arith.constant 7 : i32
        %parallel_loop3A_441 = arith.andi %parallel_loop3A_343, %parallel_loop3A_440 : i32
        %parallel_loop3A_442 = arith.constant 16 : i32
        %parallel_loop3A_443 = arith.muli %parallel_loop3A_441, %parallel_loop3A_442 : i32
        %parallel_loop3A_444 = arith.index_cast %parallel_loop3A_439 : i32 to index
        %parallel_loop3A_445 = arith.index_cast %parallel_loop3A_443 : i32 to index
        %parallel_loop3A_446 = tpu.vector_load %arg18[%parallel_loop3A_444, %parallel_loop3A_445] {strides = array<i32>} : memref<16x128xf32, #tpu.memory_space<vmem>>, vector<1x16xf32>,
        %parallel_loop3A_447 = vector.shape_cast %parallel_loop3A_446 : vector<1x16xf32> to vector<16xf32>
        %parallel_loop3A_448 = vector.shape_cast %parallel_loop3A_435 : vector<16xf32> to vector<1x16xf32>
        tpu.vector_store %arg18[%parallel_loop3A_444, %parallel_loop3A_445], %parallel_loop3A_448 {strides = array<i32>} : memref<16x128xf32, #tpu.memory_space<vmem>>, vector<1x16xf32>,
        %parallel_loop3A_449 = arith.index_cast %parallel_loop3A_439 : i32 to index
        %parallel_loop3A_450 = arith.index_cast %parallel_loop3A_443 : i32 to index
        %parallel_loop3A_451 = tpu.vector_load %arg20[%parallel_loop3A_449, %parallel_loop3A_450] {strides = array<i32>} : memref<16x128xf32, #tpu.memory_space<vmem>>, vector<1x16xf32>,
        %parallel_loop3A_452 = vector.shape_cast %parallel_loop3A_451 : vector<1x16xf32> to vector<16xf32>
        %parallel_loop3A_453 = vector.shape_cast %parallel_loop3A_437 : vector<16xf32> to vector<1x16xf32>
        tpu.vector_store %arg20[%parallel_loop3A_449, %parallel_loop3A_450], %parallel_loop3A_453 {strides = array<i32>} : memref<16x128xf32, #tpu.memory_space<vmem>>, vector<1x16xf32>,
      } {sc.loop_unroll_factor = 16 : i64, sc.parallel_access}
      %mul3A_305 = arith.constant 128 : i32
      %mul3A_306 = arith.muli %add3A_301, %mul3A_305 : i32
      %add3A_307 = arith.addi %mul3A_2, %mul3A_306 : i32
      %mul3A_308 = arith.constant 16 : i32
      %mul3A_309 = arith.muli %add3A_307, %mul3A_308 : i32
      %jit3A_310 = arith.constant 128 : i32
      %div3A_311 = arith.divsi %mul3A_309, %jit3A_310 : i32
      %sign3A_312 = arith.constant 0 : i32
      %sign3A_313 = arith.cmpi sgt, %mul3A_309, %sign3A_312 : i32
      %sign3A_314 = arith.extui %sign3A_313 : i1 to i32
      %sign3A_315 = arith.constant 0 : i32
      %sign3A_316 = arith.cmpi slt, %mul3A_309, %sign3A_315 : i32
      %sign3A_317 = arith.extui %sign3A_316 : i1 to i32
      %sign3A_318 = arith.subi %sign3A_314, %sign3A_317 : i32
      %sign3A_319 = arith.constant 0 : i32
      %sign3A_320 = arith.cmpi sgt, %jit3A_310, %sign3A_319 : i32
      %sign3A_321 = arith.extui %sign3A_320 : i1 to i32
      %sign3A_322 = arith.constant 0 : i32
      %sign3A_323 = arith.cmpi slt, %jit3A_310, %sign3A_322 : i32
      %sign3A_324 = arith.extui %sign3A_323 : i1 to i32
      %sign3A_325 = arith.subi %sign3A_321, %sign3A_324 : i32
      %ne3A_326 = arith.cmpi ne, %sign3A_318, %sign3A_325 : i32
      %rem3A_327 = arith.remsi %mul3A_309, %jit3A_310 : i32
      %ne3A_328 = arith.constant 0 : i32
      %ne3A_329 = arith.cmpi ne, %rem3A_327, %ne3A_328 : i32
      %and3A_330 = arith.andi %ne3A_326, %ne3A_329 : i1
      %sub3A_331 = arith.constant 1 : i32
      %sub3A_332 = arith.subi %div3A_311, %sub3A_331 : i32
      %select_n3A_333 = arith.select %and3A_330, %sub3A_332, %div3A_311 : i32
      %multiple_of3A_334 = tpu.assume_multiple %select_n3A_333, 16 : i32
      %dma_start3A_335 = arith.constant 0 : i32
      %dma_start3A_336 = tpu.memref_slice %arg7[%multiple_of3A_334, %dma_start3A_335] : memref<20480x128xf32, #tpu.memory_space<hbm>> -> memref<16x128xf32, #tpu.memory_space<hbm>>
      %dma_start3A_337 = arith.constant 0 : i32
      %dma_start3A_338 = tpu.memref_slice %arg7[%multiple_of3A_334, %dma_start3A_337] : memref<20480x128xf32, #tpu.memory_space<hbm>> -> memref<16x128xf32, #tpu.memory_space<hbm>>
      tpu.enqueue_dma source(%arg18 : memref<16x128xf32, #tpu.memory_space<vmem>>) target(%dma_start3A_338 : memref<16x128xf32, #tpu.memory_space<hbm>>) target_semaphore(%arg27 : memref<!tpu.dma_semaphore, #tpu.memory_space<semaphore_mem>>)
      %dma_start3A_339 = arith.constant 0 : i32
      %dma_start3A_340 = tpu.memref_slice %arg8[%multiple_of3A_334, %dma_start3A_339] : memref<20480x128xf32, #tpu.memory_space<hbm>> -> memref<16x128xf32, #tpu.memory_space<hbm>>
      %dma_start3A_341 = arith.constant 0 : i32
      %dma_start3A_342 = tpu.memref_slice %arg8[%multiple_of3A_334, %dma_start3A_341] : memref<20480x128xf32, #tpu.memory_space<hbm>> -> memref<16x128xf32, #tpu.memory_space<hbm>>
      tpu.enqueue_dma source(%arg20 : memref<16x128xf32, #tpu.memory_space<vmem>>) target(%dma_start3A_342 : memref<16x128xf32, #tpu.memory_space<hbm>>) target_semaphore(%arg27 : memref<!tpu.dma_semaphore, #tpu.memory_space<semaphore_mem>>)
    }
    %scan3A_184 = arith.constant 20 : i32
    %dma_wait3A_185 = arith.constant 0 : i32
    %dma_wait3A_186 = arith.constant 0 : i32
    %dma_wait3A_187 = tpu.memref_slice %arg7[%dma_wait3A_185, %dma_wait3A_186] : memref<20480x128xf32, #tpu.memory_space<hbm>> -> memref<16x128xf32, #tpu.memory_space<hbm>>
    %dma_wait3A_188 = arith.constant 0 : i32
    %dma_wait3A_189 = arith.constant 0 : i32
    %dma_wait3A_190 = tpu.memref_slice %arg7[%dma_wait3A_188, %dma_wait3A_189] : memref<20480x128xf32, #tpu.memory_space<hbm>> -> memref<16x128xf32, #tpu.memory_space<hbm>>
    tpu.wait_dma2 semaphore(%arg26 : memref<!tpu.dma_semaphore, #tpu.memory_space<semaphore_mem>>) src(%arg17 : memref<16x128xf32, #tpu.memory_space<vmem>>) dst(%dma_wait3A_190 : memref<16x128xf32, #tpu.memory_space<hbm>>)
    %dma_wait3A_191 = arith.constant 0 : i32
    %dma_wait3A_192 = arith.constant 0 : i32
    %dma_wait3A_193 = tpu.memref_slice %arg8[%dma_wait3A_191, %dma_wait3A_192] : memref<20480x128xf32, #tpu.memory_space<hbm>> -> memref<16x128xf32, #tpu.memory_space<hbm>>
    %dma_wait3A_194 = arith.constant 0 : i32
    %dma_wait3A_195 = arith.constant 0 : i32
    %dma_wait3A_196 = tpu.memref_slice %arg8[%dma_wait3A_194, %dma_wait3A_195] : memref<20480x128xf32, #tpu.memory_space<hbm>> -> memref<16x128xf32, #tpu.memory_space<hbm>>
    tpu.wait_dma2 semaphore(%arg26 : memref<!tpu.dma_semaphore, #tpu.memory_space<semaphore_mem>>) src(%arg19 : memref<16x128xf32, #tpu.memory_space<vmem>>) dst(%dma_wait3A_196 : memref<16x128xf32, #tpu.memory_space<hbm>>)
    %dma_wait3A_197 = arith.constant 0 : i32
    %dma_wait3A_198 = arith.constant 0 : i32
    %dma_wait3A_199 = tpu.memref_slice %arg7[%dma_wait3A_197, %dma_wait3A_198] : memref<20480x128xf32, #tpu.memory_space<hbm>> -> memref<16x128xf32, #tpu.memory_space<hbm>>
    %dma_wait3A_200 = arith.constant 0 : i32
    %dma_wait3A_201 = arith.constant 0 : i32
    %dma_wait3A_202 = tpu.memref_slice %arg7[%dma_wait3A_200, %dma_wait3A_201] : memref<20480x128xf32, #tpu.memory_space<hbm>> -> memref<16x128xf32, #tpu.memory_space<hbm>>
    tpu.wait_dma2 semaphore(%arg27 : memref<!tpu.dma_semaphore, #tpu.memory_space<semaphore_mem>>) src(%arg18 : memref<16x128xf32, #tpu.memory_space<vmem>>) dst(%dma_wait3A_202 : memref<16x128xf32, #tpu.memory_space<hbm>>)
    %dma_wait3A_203 = arith.constant 0 : i32
    %dma_wait3A_204 = arith.constant 0 : i32
    %dma_wait3A_205 = tpu.memref_slice %arg8[%dma_wait3A_203, %dma_wait3A_204] : memref<20480x128xf32, #tpu.memory_space<hbm>> -> memref<16x128xf32, #tpu.memory_space<hbm>>
    %dma_wait3A_206 = arith.constant 0 : i32
    %dma_wait3A_207 = arith.constant 0 : i32
    %dma_wait3A_208 = tpu.memref_slice %arg8[%dma_wait3A_206, %dma_wait3A_207] : memref<20480x128xf32, #tpu.memory_space<hbm>> -> memref<16x128xf32, #tpu.memory_space<hbm>>
    tpu.wait_dma2 semaphore(%arg27 : memref<!tpu.dma_semaphore, #tpu.memory_space<semaphore_mem>>) src(%arg20 : memref<16x128xf32, #tpu.memory_space<vmem>>) dst(%dma_wait3A_208 : memref<16x128xf32, #tpu.memory_space<hbm>>)
    return
  }
}

module attributes {stable_mosaic.version = 14 : i64} {
  func.func @body(%arg0: i32, %arg1: memref<5120x128xf32, #tpu.memory_space<vmem>>, %arg2: memref<5120x128xf32, #tpu.memory_space<vmem>>, %arg3: memref<1x1xf32, #tpu.memory_space<vmem>>) attributes {dimension_semantics = [#tpu.dimension_semantics<arbitrary>], iteration_bounds = array<i64: 4>, scalar_prefetch = 0 : i64, scratch_operands = 0 : i64, tpu.core_type = #tpu.core_type<tc>, window_params = [{transform_indices = @transform_0, window_bounds = array<i64: 5120, 128>}, {transform_indices = @transform_1, window_bounds = array<i64: 5120, 128>}, {pipeline_mode = #tpu.pipeline_mode<synchronous>, transform_indices = @transform_2, window_bounds = array<i64: 1, 1>}]} {
    %eq3A = arith.constant 0 : i32
    %eq3A_0 = arith.cmpi eq, %arg0, %eq3A : i32
    %convert_element_type3A = arith.extui %eq3A_0 : i1 to i32
    %cond3A = arith.constant 0 : i32
    %cond3A_1 = arith.cmpi ne, %convert_element_type3A, %cond3A : i32
    scf.if %cond3A_1 {
      %broadcast_in_dim3A_86 = arith.constant 0.000000e+00 : f32
      %broadcast_in_dim3A_87 = vector.broadcast %broadcast_in_dim3A_86 : f32 to vector<1x1xf32>
      %swap3A_88 = arith.constant 0 : index
      %swap3A_89 = arith.constant 0 : index
      %swap3A_90 = vector.load %arg3[%swap3A_88, %swap3A_89] : memref<1x1xf32, #tpu.memory_space<vmem>>, vector<1x1xf32>
      tpu.vector_store %arg3[%swap3A_88, %swap3A_89], %broadcast_in_dim3A_87 {strides = array<i32>} : memref<1x1xf32, #tpu.memory_space<vmem>>, vector<1x1xf32>,
    } else {
    }
    %iota3A = tpu.iota {dimensions = array<i32: 0>} : vector<128x8xi32>
    %iota3A_2 = tpu.iota {dimensions = array<i32: 1>} : vector<128x8xi32>
    %jit3A = arith.constant 16 : i32
    %div3A = vector.broadcast %jit3A : i32 to vector<128x8xi32>
    %div3A_3 = arith.divsi %iota3A, %div3A : vector<128x8xi32>
    %sign3A = arith.constant 0 : i32
    %sign3A_4 = vector.broadcast %sign3A : i32 to vector<128x8xi32>
    %sign3A_5 = arith.cmpi sgt, %iota3A, %sign3A_4 : vector<128x8xi32>
    %sign3A_6 = arith.extui %sign3A_5 : vector<128x8xi1> to vector<128x8xi32>
    %sign3A_7 = arith.constant 0 : i32
    %sign3A_8 = vector.broadcast %sign3A_7 : i32 to vector<128x8xi32>
    %sign3A_9 = arith.cmpi slt, %iota3A, %sign3A_8 : vector<128x8xi32>
    %sign3A_10 = arith.extui %sign3A_9 : vector<128x8xi1> to vector<128x8xi32>
    %sign3A_11 = arith.subi %sign3A_6, %sign3A_10 : vector<128x8xi32>
    %sign3A_12 = arith.constant 0 : i32
    %sign3A_13 = arith.cmpi sgt, %jit3A, %sign3A_12 : i32
    %sign3A_14 = arith.extui %sign3A_13 : i1 to i32
    %sign3A_15 = arith.constant 0 : i32
    %sign3A_16 = arith.cmpi slt, %jit3A, %sign3A_15 : i32
    %sign3A_17 = arith.extui %sign3A_16 : i1 to i32
    %sign3A_18 = arith.subi %sign3A_14, %sign3A_17 : i32
    %ne3A = vector.broadcast %sign3A_18 : i32 to vector<128x8xi32>
    %ne3A_19 = arith.cmpi ne, %sign3A_11, %ne3A : vector<128x8xi32>
    %rem3A = vector.broadcast %jit3A : i32 to vector<128x8xi32>
    %rem3A_20 = arith.remsi %iota3A, %rem3A : vector<128x8xi32>
    %ne3A_21 = arith.constant 0 : i32
    %ne3A_22 = vector.broadcast %ne3A_21 : i32 to vector<128x8xi32>
    %ne3A_23 = arith.cmpi ne, %rem3A_20, %ne3A_22 : vector<128x8xi32>
    %and3A = arith.andi %ne3A_19, %ne3A_23 : vector<128x8xi1>
    %sub3A = arith.constant 1 : i32
    %sub3A_24 = vector.broadcast %sub3A : i32 to vector<128x8xi32>
    %sub3A_25 = arith.subi %div3A_3, %sub3A_24 : vector<128x8xi32>
    %select_n3A = arith.select %and3A, %sub3A_25, %div3A_3 : vector<128x8xi1>, vector<128x8xi32>
    %eq3A_26 = arith.cmpi eq, %select_n3A, %iota3A_2 : vector<128x8xi32>
    %jit3A_27 = arith.constant 1.000000e+00 : f32
    %jit3A_28 = arith.constant 0.000000e+00 : f32
    %broadcast_in_dim3A = vector.broadcast %jit3A_27 : f32 to vector<128x8xf32>
    %broadcast_in_dim3A_29 = vector.broadcast %jit3A_28 : f32 to vector<128x8xf32>
    %select_n3A_30 = arith.select %eq3A_26, %broadcast_in_dim3A, %broadcast_in_dim3A_29 : vector<128x8xi1>, vector<128x8xf32>
    %get3A = arith.constant 0 : index
    %get3A_31 = arith.constant 0 : index
    %get3A_32 = vector.load %arg1[%get3A, %get3A_31] : memref<5120x128xf32, #tpu.memory_space<vmem>>, vector<5120x128xf32>
    %dot_general3A = arith.constant dense<0.000000e+00> : vector<5120x8xf32>
    %dot_general3A_33 = tpu.matmul %get3A_32, %select_n3A_30, %dot_general3A {dimension_numbers = #tpu.dot_dimension_numbers<[1], [0], [0], [1], [0, 0, 1, 1], [], []>, transpose_lhs_hint = false} : vector<5120x128xf32>, vector<128x8xf32>, vector<5120x8xf32> -> vector<5120x8xf32>
    %get3A_34 = arith.constant 0 : index
    %get3A_35 = arith.constant 0 : index
    %get3A_36 = vector.load %arg2[%get3A_34, %get3A_35] : memref<5120x128xf32, #tpu.memory_space<vmem>>, vector<5120x128xf32>
    %dot_general3A_37 = arith.constant dense<0.000000e+00> : vector<5120x8xf32>
    %dot_general3A_38 = tpu.matmul %get3A_36, %select_n3A_30, %dot_general3A_37 {dimension_numbers = #tpu.dot_dimension_numbers<[1], [0], [0], [1], [0, 0, 1, 1], [], []>, transpose_lhs_hint = false} : vector<5120x128xf32>, vector<128x8xf32>, vector<5120x8xf32> -> vector<5120x8xf32>
    %neg3A = arith.constant 0.000000e+00 : f32
    %neg3A_39 = vector.broadcast %neg3A : f32 to vector<5120x8xf32>
    %neg3A_40 = arith.subf %neg3A_39, %dot_general3A_33 : vector<5120x8xf32>
    %custom_jvp_call3A = arith.constant 0.000000e+00 : f32
    %max3A = vector.broadcast %custom_jvp_call3A : f32 to vector<5120x8xf32>
    %max3A_41 = arith.maximumf %neg3A_40, %max3A : vector<5120x8xf32>
    %sub3A_42 = vector.broadcast %custom_jvp_call3A : f32 to vector<5120x8xf32>
    %sub3A_43 = arith.subf %neg3A_40, %sub3A_42 : vector<5120x8xf32>
    %ne3A_44 = arith.cmpf one, %sub3A_43, %sub3A_43 : vector<5120x8xf32>
    %add3A = vector.broadcast %custom_jvp_call3A : f32 to vector<5120x8xf32>
    %add3A_45 = arith.addf %neg3A_40, %add3A : vector<5120x8xf32>
    %abs3A = math.absf %sub3A_43 : vector<5120x8xf32>
    %neg3A_46 = arith.constant 0.000000e+00 : f32
    %neg3A_47 = vector.broadcast %neg3A_46 : f32 to vector<5120x8xf32>
    %neg3A_48 = arith.subf %neg3A_47, %abs3A : vector<5120x8xf32>
    %exp3A = math.exp %neg3A_48 : vector<5120x8xf32>
    %log1p3A = math.log1p %exp3A : vector<5120x8xf32>
    %add3A_49 = arith.addf %max3A_41, %log1p3A : vector<5120x8xf32>
    %select_n3A_50 = arith.select %ne3A_44, %add3A_45, %add3A_49 : vector<5120x8xi1>, vector<5120x8xf32>
    %reduce_sum3A = vector.shape_cast %select_n3A_50 : vector<5120x8xf32> to vector<1x5120x8xf32>
    %reduce_sum3A_51 = arith.constant dense<0.000000e+00> : vector<1xf32>
    %reduce_sum3A_52 = vector.multi_reduction <add>, %reduce_sum3A, %reduce_sum3A_51 [1, 2] : vector<1x5120x8xf32> to vector<1xf32>
    %reduce_sum3A_53 = vector.shape_cast %reduce_sum3A_52 : vector<1xf32> to vector<1x1x1xf32>
    %reduce_sum3A_54 = vector.extract %reduce_sum3A_53[0, 0, 0] : f32 from vector<1x1x1xf32>
    %mul3A = arith.constant 3.000000e+00 : f32
    %mul3A_55 = arith.mulf %mul3A, %reduce_sum3A_54 : f32
    %custom_jvp_call3A_56 = arith.constant 0.000000e+00 : f32
    %max3A_57 = vector.broadcast %custom_jvp_call3A_56 : f32 to vector<5120x8xf32>
    %max3A_58 = arith.maximumf %dot_general3A_38, %max3A_57 : vector<5120x8xf32>
    %sub3A_59 = vector.broadcast %custom_jvp_call3A_56 : f32 to vector<5120x8xf32>
    %sub3A_60 = arith.subf %dot_general3A_38, %sub3A_59 : vector<5120x8xf32>
    %ne3A_61 = arith.cmpf one, %sub3A_60, %sub3A_60 : vector<5120x8xf32>
    %add3A_62 = vector.broadcast %custom_jvp_call3A_56 : f32 to vector<5120x8xf32>
    %add3A_63 = arith.addf %dot_general3A_38, %add3A_62 : vector<5120x8xf32>
    %abs3A_64 = math.absf %sub3A_60 : vector<5120x8xf32>
    %neg3A_65 = arith.constant 0.000000e+00 : f32
    %neg3A_66 = vector.broadcast %neg3A_65 : f32 to vector<5120x8xf32>
    %neg3A_67 = arith.subf %neg3A_66, %abs3A_64 : vector<5120x8xf32>
    %exp3A_68 = math.exp %neg3A_67 : vector<5120x8xf32>
    %log1p3A_69 = math.log1p %exp3A_68 : vector<5120x8xf32>
    %add3A_70 = arith.addf %max3A_58, %log1p3A_69 : vector<5120x8xf32>
    %select_n3A_71 = arith.select %ne3A_61, %add3A_63, %add3A_70 : vector<5120x8xi1>, vector<5120x8xf32>
    %reduce_sum3A_72 = vector.shape_cast %select_n3A_71 : vector<5120x8xf32> to vector<1x5120x8xf32>
    %reduce_sum3A_73 = arith.constant dense<0.000000e+00> : vector<1xf32>
    %reduce_sum3A_74 = vector.multi_reduction <add>, %reduce_sum3A_72, %reduce_sum3A_73 [1, 2] : vector<1x5120x8xf32> to vector<1xf32>
    %reduce_sum3A_75 = vector.shape_cast %reduce_sum3A_74 : vector<1xf32> to vector<1x1x1xf32>
    %reduce_sum3A_76 = vector.extract %reduce_sum3A_75[0, 0, 0] : f32 from vector<1x1x1xf32>
    %add3A_77 = arith.addf %mul3A_55, %reduce_sum3A_76 : f32
    %get3A_78 = arith.constant 0 : index
    %get3A_79 = arith.constant 0 : index
    %get3A_80 = vector.load %arg3[%get3A_78, %get3A_79] : memref<1x1xf32, #tpu.memory_space<vmem>>, vector<1x1xf32>
    %mul3A_81 = arith.constant 6.10351572E-6 : f32
    %mul3A_82 = arith.mulf %add3A_77, %mul3A_81 : f32
    %reshape3A = vector.broadcast %mul3A_82 : f32 to vector<1x1xf32>
    %add3A_83 = arith.addf %get3A_80, %reshape3A : vector<1x1xf32>
    %swap3A = arith.constant 0 : index
    %swap3A_84 = arith.constant 0 : index
    %swap3A_85 = vector.load %arg3[%swap3A, %swap3A_84] : memref<1x1xf32, #tpu.memory_space<vmem>>, vector<1x1xf32>
    tpu.vector_store %arg3[%swap3A, %swap3A_84], %add3A_83 {strides = array<i32>} : memref<1x1xf32, #tpu.memory_space<vmem>>, vector<1x1xf32>,
    return
  }
  func.func @transform_0(%arg0: i32) -> (i32, i32) {
    %c0_i32 = arith.constant 0 : i32
    %c0_i32_0 = arith.constant 0 : i32
    return %arg0, %c0_i32 : i32, i32
  }
  func.func @transform_1(%arg0: i32) -> (i32, i32) {
    %c0_i32 = arith.constant 0 : i32
    %c0_i32_0 = arith.constant 0 : i32
    return %arg0, %c0_i32 : i32, i32
  }
  func.func @transform_2(%arg0: i32) -> (i32, i32) {
    %c0_i32 = arith.constant 0 : i32
    %c0_i32_0 = arith.constant 0 : i32
    %c0_i32_1 = arith.constant 0 : i32
    return %c0_i32, %c0_i32_0 : i32, i32
  }
}

</mosaic_0001>

<sc_bundles>
// kernel: kernel.4.cloned.1.call-start
scs
__scs_entry_jumppad:
0x0: {  	(pc) =	sbr.rel $0x88, $3  }
0x1: {  	(tag) =	ssettag $0x0;
	lr =	simm.s32 $0x1  }
0x2: {  	[smem:$0x3F9C] =	sst lr;
	_ =	strace $0xD0000000  }
0x3: {  	_ = 	snop  }
0x4: {  	_ = 	snop  }
0x5: {  	_ = 	snop  }
0x6: {  	_ = 	snop  }
0x7: {  	_ = 	snop  }
__scs_overlays_trampoline_lowered:
0x8: {  	[smem:$0x3FAB] =	sst s0  }
0x9: {  	[smem:$0x3FAC] =	sst s1  }
0xa: {  	[smem:$0x3FAD] =	sst s2  }
0xb: {  	[smem:$0x3FAE] =	sst s3  }
0xc: {  	[smem:$0x3FAF] =	sst s4  }
0xd: {  	[smem:$0x3FB0] =	sst s5  }
0xe: {  	[smem:$0x3FB1] =	sst s6  }
0xf: {  	[smem:$0x3FB2] =	sst s7  }
0x10: {  	[smem:$0x3FB3] =	sst s8  }
0x11: {  	[smem:$0x3FB4] =	sst s9;
	s0 =	simm.s32 @!p0 $0x0  }
0x12: {  	s1 =	sld [smem:$0x3F9A];
	s0 =	simm.s32 @p0 $0x1  }
0x13: {  	[smem:$0x3FB5] =	sst s0;
	s0 =	simm.s32 @!p1 $0x0  }
0x14: {  	s2 =	sld [smem:$0x3F99];
	s0 =	simm.s32 @p1 $0x1  }
0x15: {  	[smem:$0x3FB6] =	sst s0;
	s0 =	simm.s32 @!p2 $0x0  }
0x16: {  	s3 =	sld [smem:$0x3FDB];
	s0 =	simm.s32 @p2 $0x1  }
0x17: {  	s4 =	simm.s32 $0x1BF5;
	[smem:$0x3FB8] =	sst s0  }
0x18: {  	s0 =	sld [smem:$0x3F9B];
	_ =	swait.ge [sflag:s4], $0x0  }
0x19: {  	s7 =	sld [smem:$0x3F9C]  }
0x1a: {  	s8 =	sadd.s32 $0xFFFFE003, lr  }
0x1b: {  	s9 =	sadd.s32 $0xFFFFFEF7, lr;
	s5 =	simm.s32 $0xFFFFFFFF;
	p2 =	slt.u32 s8, $0xFFFFF086  }
0x1c: {  	p1 =	slt.u32 s9, $0xF7A;
	s5 =	simm.s32 @!p2 $0x0  }
0x1d: {  	s5 =	simm.s32 @p1 $0x1;
	p0 =	seq.s32 s7, s2  }
0x1e: {  	s7 =	smul.u32 @!p0 $0xF7A, s2;
	p2 =	seq.s32 @!p0 s5, $0x0  }
0x1f: {  	s9 =	smul.u32 $0xF7A, s1;
	s8 =	simm.s32 @!p0 $0x1BF5;
	p2 =	por !p2, p0  }
0x20: {  	[sflag:s8] =	ssyncset.s32 @!p0 $0xFFFFF086;
	s6 =	sadd.s32 @!p0 s3, s7;
	s7 =	simm.s32 @!p0 $0x108  }
0x21: {  	s3 =	sadd.s32 s3, s9;
	s6 =	sadd.s32 @!p0 $0x88, s6;
	s7 =	simm.s32 @p2 $0x1082  }
0x22: {  	[simem:s7], [sflag:s8] =	dma.local @!p0 [hbm:s6], $0xF7A  }
0x23: {  	s9 =	sor.u32 $0xD0000000, s2;
	s6 =	simm.s32 $0x108;
	_ =	swait.ge @!p0 [sflag:s8], $0x0  }
0x24: {  	s3 =	sadd.s32 $0x88, s3;
	s6 =	simm.s32 @!p1 $0x1082;
	[sflag:s4] =	ssyncset.s32 $0xFFFFF086  }
0x25: {  	[simem:s6], [sflag:s4] =	dma.local [hbm:s3], $0xF7A  }
0x26: {  	[smem:$0x3F9C] =	sst s1;
	(tag) =	ssettag s2;
	_ =	strace s9  }
0x27: {  	s1 =	sld [smem:$0x3FAC]  }
0x28: {  	s2 =	sld [smem:$0x3FAD]  }
0x29: {  	s4 =	sld [smem:$0x3FAF]  }
0x2a: {  	p0 =	seq.s32 s5, $0x0;
	s5 =	sld [smem:$0x3FB0]  }
0x2b: {  	s6 =	sld [smem:$0x3FB1]  }
0x2c: {  	s7 =	sld [smem:$0x3FB2]  }
0x2d: {  	s3 =	simm.s32 $0x108;
	s8 =	sld [smem:$0x3FB3]  }
0x2e: {  	s3 =	simm.s32 @!p0 $0x1082;
	s9 =	sld [smem:$0x3FB4]  }
0x2f: {  	lr =	sadd.s32 s0, s3;
	s0 =	sld [smem:$0x3FAB]  }
0x30: {  	s3 =	sld [smem:$0x3FAE]  }
0x31: {  	[smem:$0x3FB7] =	sst s10  }
0x32: {  	s10 =	sld [smem:$0x3FB5];
	_ =	sdelay $0x3  }
0x33: {  	p0 =	seq.s32 s10, $0x1;
	s10 =	sld [smem:$0x3FB7];
	_ =	sdelay $0x3  }
0x34: {  	[smem:$0x3FB7] =	sst s10  }
0x35: {  	s10 =	sld [smem:$0x3FB6];
	_ =	sdelay $0x3  }
0x36: {  	p1 =	seq.s32 s10, $0x1;
	s10 =	sld [smem:$0x3FB7];
	_ =	sdelay $0x3  }
0x37: {  	[smem:$0x3FB7] =	sst s10  }
0x38: {  	s10 =	sld [smem:$0x3FB8]  }
0x39: {  	_ = 	snop;
	(pc) =	sbr.ind lr, $3  }
0x3a: {  	_ = 	snop  }
0x3b: {  	_ = 	snop  }
0x3c: {  	p2 =	seq.s32 s10, $0x1;
	s10 =	sld [smem:$0x3FB7]  }
0x3d: {  	_ =	shalt  }
0x3e: {  	_ =	shalt  }
0x3f: {  	_ =	shalt  }
0x40: {  	_ =	shalt  }
0x41: {  	_ =	shalt  }
0x42: {  	_ =	shalt  }
0x43: {  	_ =	shalt  }
0x44: {  	_ =	shalt  }
0x45: {  	_ =	shalt  }
0x46: {  	_ =	shalt  }
0x47: {  	_ =	shalt  }
0x48: {  	_ =	shalt  }
0x49: {  	_ =	shalt  }
0x4a: {  	_ =	shalt  }
0x4b: {  	_ =	shalt  }
0x4c: {  	_ =	shalt  }
0x4d: {  	_ =	shalt  }
0x4e: {  	_ =	shalt  }
0x4f: {  	_ =	shalt  }
0x50: {  	_ =	shalt  }
0x51: {  	_ =	shalt  }
0x52: {  	_ =	shalt  }
0x53: {  	_ =	shalt  }
0x54: {  	_ =	shalt  }
0x55: {  	_ =	shalt  }
0x56: {  	_ =	shalt  }
0x57: {  	_ =	shalt  }
0x58: {  	_ =	shalt  }
0x59: {  	_ =	shalt  }
0x5a: {  	_ =	shalt  }
0x5b: {  	_ =	shalt  }
0x5c: {  	_ =	shalt  }
0x5d: {  	_ =	shalt  }
0x5e: {  	_ =	shalt  }
0x5f: {  	_ =	shalt  }
0x60: {  	_ =	shalt  }
0x61: {  	_ =	shalt  }
0x62: {  	_ =	shalt  }
0x63: {  	_ =	shalt  }
0x64: {  	_ =	shalt  }
0x65: {  	_ =	shalt  }
0x66: {  	_ =	shalt  }
0x67: {  	_ =	shalt  }
0x68: {  	_ =	shalt  }
0x69: {  	_ =	shalt  }
0x6a: {  	_ =	shalt  }
0x6b: {  	_ =	shalt  }
0x6c: {  	_ =	shalt  }
0x6d: {  	_ =	shalt  }
0x6e: {  	_ =	shalt  }
0x6f: {  	_ =	shalt  }
0x70: {  	_ =	shalt  }
0x71: {  	_ =	shalt  }
0x72: {  	_ =	shalt  }
0x73: {  	_ =	shalt  }
0x74: {  	_ =	shalt  }
0x75: {  	_ =	shalt  }
0x76: {  	_ =	shalt  }
0x77: {  	_ =	shalt  }
0x78: {  	_ =	shalt  }
0x79: {  	_ =	shalt  }
0x7a: {  	_ =	shalt  }
0x7b: {  	_ =	shalt  }
0x7c: {  	_ =	shalt  }
0x7d: {  	_ =	shalt  }
0x7e: {  	_ =	shalt  }
0x7f: {  	_ =	shalt  }
0x80: {  	_ =	shalt  }
0x81: {  	_ =	shalt  }
0x82: {  	_ =	shalt  }
0x83: {  	_ =	shalt  }
0x84: {  	_ =	shalt  }
0x85: {  	_ =	shalt  }
0x86: {  	_ =	shalt  }
0x87: {  	_ =	shalt  }
.Lfunc_end0:
.L_simem_size_0:
called_computation_lowered:
.L_overlay_start_0:
0x88: {  	s2 =	sld [smem:$0x3FD9]  }
0x89: {  	s3 =	sld [smem:$0x3FFE];
	_ =	sdelay $0x1  }
0x8a: {  	s1 =	srdreg.scid  }
0x8b: {  	s0 =	sand.u32 $0x1, s1  }
0x8c: {  	s17 =	sshll.u32 s0, $0xA;
	s2 =	sadd.s32 s3, s2  }
0x8d: {  	s2 =	sadd.s32 s2, s17  }
0x8e: {  	[smem:$0x3FC3] =	sst s2  }
0x8f: {  	_ = 	snop  }
0x90: {  	s2 =	sld [smem:$0x3FC9]  }
0x91: {  	s18 =	sld [smem:$0x3FC8]  }
0x92: {  	s4 =	sld [smem:$0x3FC7]  }
0x93: {  	s5 =	sld [smem:$0x3FC6]  }
0x94: {  	s6 =	sld [smem:$0x3FC5];
	(tm) =	ssettm $0x1  }
0x95: {  	s7 =	sld [smem:$0x3FFB];
	_ =	sdelay $0x3  }
0x96: {  	_ =	strace s7  }
0x97: {  	s7 =	sld [smem:$0x3FFC];
	_ =	sdelay $0x3  }
0x98: {  	_ =	strace s7  }
0x99: {  	s7 =	sld [smem:$0x3FFD];
	_ =	sdelay $0x3  }
0x9a: {  	_ =	strace s7  }
0x9b: {  	_ =	strace $0x8FFFFFFF  }
0x9c: {  	s19 =	sld [smem:$0x3FDB];
	_ =	sdelay $0x1  }
0x9d: {  	s8 =	simm.s32 $_scs_section_size  }
0x9e: {  	s9 =	simm.s32 $_size__tile_overlayer_lowered;
	s10 =	simm.s32 $_tile_overlayer_lowered  }
0x9f: {  	s22 =	simm.s32 $0x1BFF;
	s21 =	sshll.u32 s10, $0x1;
	s7 =	sadd.s32 s8, s19  }
0xa0: {  	s11 =	simm.s32 $0x0;
	s20 =	sshll.u32 s9, $0x1;
	s9 =	sadd.s32 s21, s7  }
0xa1: {  	[timem:s11], [sflag:s22] =	dma.local [hbm:s9], s20  }
0xa2: {  	_ =	swait.ge [sflag:s22], s20  }
0xa3: {  	s8 =	ssub.s32 $0x0, s20;
	[sflag:s22] =	ssyncset.done $0x0  }
0xa4: {  	[sflag:s22] =	ssyncadd.s32 s8;
	_ =	sdelay $0x1  }
0xa5: {  	s23 =	simm.s32 $0x1B8B  }
0xa6: {  	_ =	swait.ge [sflag:s23], $0x1  }
0xa7: {  	[sflag:s23] =	ssyncset.done $0x0  }
0xa8: {  	s25 =	simm.s32 $0x1B8E;
	s24 =	sld [smem:$0x3FFE];
	[sflag:s23] =	ssyncadd.s32 $0xFFFFFFFF  }
0xa9: {  	s26 =	simm.s32 $execute0_lowered;
	[smem:$0x3FD2] =	sst s25  }
0xaa: {  	s9 =	sshll.u32 s26, $0x1;
	_ =	strace $0x80000046;
	[dreg:$0x1] =	wrdreg $0xFFFFFFFF  }
0xab: {  	s28 =	simm.s32 $_size_execute0_lowered;
	s7 =	sadd.s32 s7, s9;
	[dreg:$0x0] =	wrdreg $0x0  }
0xac: {  	s9 =	sshll.u32 s28, $0x1;
	[dreg:$0x2] =	wrdreg s7  }
0xad: {  	[dreg:$0x3] =	wrdreg s9  }
0xae: {  	[dreg:$0x4] =	wrdreg $0xC0  }
0xaf: {  	_ =	task [dreg:s11], $0x5FFFF  }
0xb0: {  	[dreg:$0x1] =	wrdreg $0xFFFFFFFF  }
0xb1: {  	[dreg:$0x0] =	wrdreg $0x60  }
0xb2: {  	[dreg:$0x2] =	wrdreg s2  }
0xb3: {  	[dreg:$0x3] =	wrdreg s18  }
0xb4: {  	[dreg:$0x4] =	wrdreg s4  }
0xb5: {  	[dreg:$0x5] =	wrdreg s5  }
0xb6: {  	[dreg:$0x6] =	wrdreg s6  }
0xb7: {  	[dreg:$0x7] =	wrdreg s24  }
0xb8: {  	[dreg:$0x8] =	wrdreg $0x171000  }
0xb9: {  	[dreg:$0x9] =	wrdreg $0x9  }
0xba: {  	_ =	task.clear_ibuf [dreg:s11], $0xAFFFF;
	_ =	strace $0x90000046  }
0xbb: {  	s29 =	simm.s32 $0x9;
	_ =	strace $0x80000048  }
0xbc: {  	_ =	swait.ge [sflag:s29], $0x1  }
0xbd: {  	[sflag:s29] =	ssyncadd.s32 $0xFFFFFFFF  }
0xbe: {  	_ =	strace $0x90000048  }
0xbf: {  	_ =	sfence  }
0xc0: {  	s30 =	sld [smem:$0x0];
	_ =	sdelay $0x2  }
0xc1: {  	s31 =	sshll.u32 s1, $0xD;
	s1 =	sshrl.u32 s1, $0x2  }
0xc2: {  	s3 =	sand.u32 $0x4000, s31;
	s1 =	sadd.s32 s1, s30  }
0xc3: {  	s0 =	sor.u32 s3, s0;
	s1 =	sshll.u32 s1, $0x11  }
0xc4: {  	s0 =	sor.u32 s1, s0  }
0xc5: {  	s0 =	sadd.s32 $0x8F2B, s0  }
0xc6: {  	[sflag:s0] =	ssyncadd.remote.s32 $0x1  }
0xc7: {  	_ =	sfence.sel $0xFFFF  }
0xc8: {  	[dreg:$0x0] =	wrdreg $0xFFFFFFFF;
	(pc) =	sbr.abs _section_cstart, $3  }
0xc9: {  	[dreg:$0x1] =	wrdreg $0xFFFFFFFF  }
0xca: {  	_ =	task.clear_ibuf [dreg:s11], $0x2FFFF;
	_ =	strace $0x9FFFFFFF  }
0xcb: {  	(tm) =	ssettm $0x7FFFFFFF  }
tec
execute0_lowered:
.L_overlay_start_1:
0x0: {  	(tag) =	ssettag $0x1  }
0x1: {  	s0 =	rddreg [dreg:$0x0]  }
0x2: {  	s1 =	rddreg [dreg:$0x2]  }
0x3: {  	s2 =	rddreg [dreg:$0x3]  }
0x4: {  	s3 =	rddreg [dreg:$0x5]  }
0x5: {  	s4 =	rddreg [dreg:$0x6];
	s6 =	srdreg.scid  }
0x6: {  	s9 =	stileid.u32;
	s5 =	simm.s32 $0x0;
	s13 =	simm.s32 $0x6  }
0x7: {  	s16 =	simm.s32 $0x80;
	s15 =	simm.s32 $0x2800;
	s18 =	simm.s32 $0x1  }
0x8: {  	s17 =	simm.s32 $0x5000;
	s19 =	simm.s32 $0x3C00;
	s20 =	simm.s32 $0x15000  }
0x9: {  	s23 =	simm.s32 $0x16000;
	s24 =	simm.s32 $0x3;
	s25 =	simm.s32 $0x15800  }
0xa: {  	s26 =	simm.s32 $0x16800;
	s6 =	sand.u32 $0x1, s6;
	s7 =	sshll.u32 s9, $0x1  }
0xb: {  	s12 =	simm.s32 $0x0;
	[smem:$0x7FF] =	sst s5;
	s10 =	sor.u32 s6, s7  }
0xc: {  	p0 =	sne.s32 s9, $0x0;
	s8 =	ssub.s32 $0x2, s6;
	s11 =	smul.u32 $0x280, s10  }
0xd: {  	_ =	strace $0x80000047;
	s6 =	sadd.s32 $0xC00, s3;
	s29 =	sshrl.u32 s8, $0x1  }
0xe: {  	s7 =	sadd.s32 $0x50C00, s3;
	s3 =	ssub.s32 s8, s29;
	s1 =	sadd.s32 s1, s11  }
0xf: {  	s8 =	smul.u32 $0x1400, s10;
	s30 =	sadd.s32 s2, s11;
	[dreg:$0x8] =	wrdreg s1  }
0x10: {  	s11 =	smul.u32 $0x14000, s10;
	s31 =	smax.u32 s3, $0x1;
	[dreg:$0x9] =	wrdreg s30  }
0x11: {  	s2 =	simm.s32 $0x9000;
	[dreg:$0xa] =	wrdreg s31;
	s1 =	sshrl.u32 @!p0 s4, $0x3  }
0x12: {  	s3 =	simm.s32 $0x2;
	[dreg:$0xb] =	wrdreg s1;
	s1 =	simm.s32 $0x11000  }
.LBB2_1:
0x13: {  	[dreg:$0xc] =	wrdreg s12  }
0x14: {  	s10 =	rddreg [dreg:$0x1]  }
0x15: {  	s9 =	simm.s32 @!p0 $0x1C06;
	s12 =	rddreg [dreg:$0xb]  }
0x16: {  	[spmem:s12], [sflag:s9] =	dma.local @!p0 [hbm:s10], $0x30E0  }
0x17: {  	s9 =	simm.s32 @!p0 $0x6  }
0x18: {  	_ =	swait.ge @!p0 [sflag:s9], $0x30E0  }
0x19: {  	[sflag:s9] =	ssyncset.done @!p0 $0x0  }
0x1a: {  	[sflag:s9] =	ssyncadd.s32 @!p0 $0xFFFFCF20  }
0x1b: {  	[bflag:$0x0] =	sbarrier.arrive $0xFFFF  }
0x1c: {  	s30 =	simm.s32 $0x17000;
	s29 =	rddreg [dreg:$0x4]  }
0x1d: {  	[tilespmem:s30], [sflag:$0x6] =	stream.linear.gather [hbm4b:s29+s5], $0x100, $0x38;
	[tilespmem:$0x18970] =	vst v63  }
0x1e: {  	_ =	swait.ge [sflag:s13], $0x100  }
0x1f: {  	[sflag:s13] =	ssyncset.done $0x0  }
0x20: {  	[sflag:s13] =	ssyncadd.s32 $0xFFFFFF00  }
0x21: {  	[tilespmem:s15], [sflag:$0x1] =	stream.indirect.gather [spmem:s4], $0x1, s30, s16, $0xb8;
	[tilespmem:$0x18970] =	vst v63  }
0x22: {  	_ =	swait.ge [sflag:s18], $0x80  }
0x23: {  	[sflag:s18] =	ssyncset.done $0x0  }
0x24: {  	[sflag:s18] =	ssyncadd.s32 $0xFFFFFF80  }
0x25: {  	[tilespmem:s17], [sflag:$0x1] =	stream.indirect.gather [hbm4b:s0+s16], $0x80, s15, s16, $0xb8;
	[tilespmem:$0x18970] =	vst v63  }
0x26: {  	_ =	swait.ge [sflag:s18], $0x4000  }
0x27: {  	[sflag:s18] =	ssyncset.done $0x0  }
0x28: {  	s31 =	simm.s32 $0x0;
	[sflag:s18] =	ssyncadd.s32 $0xFFFFC000  }
0x29: {  	v0 =	vld [tilespmem:s31+$0x5070]  }
0x2a: {  	v2 =	vld [tilespmem:s31+$0x5000]  }
0x2b: {  	v4 =	vld [tilespmem:s31+$0x5010]  }
0x2c: {  	v5 =	vld [tilespmem:s31+$0x5020]  }
0x2d: {  	v8 =	vld [tilespmem:s31+$0x5030]  }
0x2e: {  	v3 =	vimm.f32 $0.0e+00;
	v9 =	vimm.f32 $0.0e+00;
	v6 =	vld [tilespmem:s31+$0x5040]  }
0x2f: {  	v10 =	vimm.f32 $0.0e+00;
	v7 =	vimm.f32 $0.0e+00;
	v11 =	vld [tilespmem:s31+$0x5050];
	v1 =	vadd.f32 v0, v3  }
0x30: {  	s10 =	simm.s32 $0x400;
	s9 =	simm.s32 $0x80;
	v12 =	vld [tilespmem:s31+$0x5060];
	v0 =	vadd.f32 v2, v3;
	v2 =	vadd.f32 v4, v3;
	v4 =	vimm.f32 $0.0e+00  }
.LBB2_2:
0x31: {  	p1 =	sne.s32 s10, $0xFE00;
	v13 =	vld [tilespmem:s9+$0x5070];
	v3 =	vadd.f32 v5, v3  }
0x32: {  	v14 =	vld [tilespmem:s9+$0x5000];
	v4 =	vadd.f32 v8, v4  }
0x33: {  	v15 =	vld [tilespmem:s9+$0x5010];
	v9 =	vadd.f32 v6, v9  }
.Ltmp0:
0x34: {  	v5 =	vld [tilespmem:s9+$0x5020];
	v10 =	vadd.f32 v11, v10;
	(pc) =	sbr.rel @p1 .LBB2_2-.Ltmp0, $4  }
0x35: {  	v8 =	vld [tilespmem:s9+$0x5030];
	v7 =	vadd.f32 v12, v7  }
0x36: {  	v6 =	vld [tilespmem:s9+$0x5040];
	v1 =	vadd.f32 v13, v1  }
0x37: {  	v0 =	vadd.f32 v14, v0;
	v11 =	vld [tilespmem:s9+$0x5050]  }
0x38: {  	v2 =	vadd.f32 v15, v2;
	v12 =	vld [tilespmem:s9+$0x5060];
	s9 =	sshra.s32 s10, $0x2;
	s10 =	sadd.s32 $0x200, s10  }
0x39: {  	v13 =	vld [tilespmem:s9+$0x5070]  }
0x3a: {  	v14 =	vld [tilespmem:s9+$0x5000]  }
0x3b: {  	v15 =	vld [tilespmem:s9+$0x5010]  }
0x3c: {  	v16 =	vld [tilespmem:s9+$0x5020]  }
0x3d: {  	v17 =	vld [tilespmem:s9+$0x5030]  }
0x3e: {  	v18 =	vld [tilespmem:s9+$0x5040]  }
0x3f: {  	v19 =	vld [tilespmem:s9+$0x5050];
	s31 =	simm.s32 $0x17080  }
0x40: {  	v20 =	vld [tilespmem:s9+$0x5060];
	[tilespmem:s15], [sflag:$0x1] =	stream.indirect.gather [spmem:s4], $0x1, s31, s16, $0xb8  }
0x41: {  	_ =	swait.ge [sflag:s18], $0x80  }
0x42: {  	[sflag:s18] =	ssyncset.done $0x0  }
0x43: {  	[sflag:s18] =	ssyncadd.s32 $0xFFFFFF80  }
0x44: {  	[tilespmem:s17], [sflag:$0x1] =	stream.indirect.gather [hbm4b:s0+s16], $0x80, s15, s16, $0xb8;
	[tilespmem:$0x18970] =	vst v63  }
0x45: {  	_ =	swait.ge [sflag:s18], $0x4000  }
0x46: {  	[sflag:s18] =	ssyncset.done $0x0  }
0x47: {  	s12 =	simm.s32 $0x0;
	[sflag:s18] =	ssyncadd.s32 $0xFFFFC000  }
0x48: {  	v3 =	vadd.f32 v5, v3;
	v4 =	vadd.f32 v8, v4;
	v5 =	vld [tilespmem:s12+$0x5070]  }
0x49: {  	v21 =	vadd.f32 v6, v9;
	v10 =	vadd.f32 v11, v10;
	v22 =	vld [tilespmem:s12+$0x5000]  }
0x4a: {  	v7 =	vadd.f32 v12, v7;
	v11 =	vadd.f32 v13, v1;
	v12 =	vld [tilespmem:s12+$0x5010]  }
0x4b: {  	v13 =	vadd.f32 v14, v0;
	v14 =	vadd.f32 v15, v2;
	v8 =	vld [tilespmem:s12+$0x5020]  }
0x4c: {  	v6 =	vadd.f32 v16, v3;
	v0 =	vadd.f32 v17, v4;
	v9 =	vld [tilespmem:s12+$0x5030]  }
0x4d: {  	v3 =	vadd.f32 v18, v21;
	v1 =	vadd.f32 v19, v10;
	v10 =	vld [tilespmem:s12+$0x5040]  }
0x4e: {  	v4 =	vadd.f32 v20, v7;
	v2 =	vadd.f32 v5, v11;
	v11 =	vld [tilespmem:s12+$0x5050]  }
0x4f: {  	s9 =	simm.s32 $0x80;
	s10 =	simm.s32 $0x400;
	v5 =	vadd.f32 v22, v13;
	v7 =	vadd.f32 v12, v14;
	v12 =	vld [tilespmem:s12+$0x5060]  }
.LBB2_4:
0x50: {  	p1 =	sne.s32 s10, $0xFE00;
	v13 =	vld [tilespmem:s9+$0x5070];
	v6 =	vadd.f32 v8, v6  }
0x51: {  	v14 =	vld [tilespmem:s9+$0x5000];
	v0 =	vadd.f32 v9, v0  }
0x52: {  	v15 =	vld [tilespmem:s9+$0x5010];
	v3 =	vadd.f32 v10, v3  }
.Ltmp1:
0x53: {  	v8 =	vld [tilespmem:s9+$0x5020];
	v1 =	vadd.f32 v11, v1;
	(pc) =	sbr.rel @p1 .LBB2_4-.Ltmp1, $4  }
0x54: {  	v9 =	vld [tilespmem:s9+$0x5030];
	v4 =	vadd.f32 v12, v4  }
0x55: {  	v10 =	vld [tilespmem:s9+$0x5040];
	v2 =	vadd.f32 v13, v2  }
0x56: {  	v5 =	vadd.f32 v14, v5;
	v11 =	vld [tilespmem:s9+$0x5050]  }
0x57: {  	v7 =	vadd.f32 v15, v7;
	v12 =	vld [tilespmem:s9+$0x5060];
	s9 =	sshra.s32 s10, $0x2;
	s10 =	sadd.s32 $0x200, s10  }
0x58: {  	v13 =	vld [tilespmem:s9+$0x5070]  }
0x59: {  	v14 =	vld [tilespmem:s9+$0x5000]  }
0x5a: {  	v15 =	vld [tilespmem:s9+$0x5010]  }
0x5b: {  	v16 =	vld [tilespmem:s9+$0x5020]  }
0x5c: {  	v17 =	vld [tilespmem:s9+$0x5030]  }
0x5d: {  	v18 =	vld [tilespmem:s9+$0x5040]  }
0x5e: {  	v19 =	vld [tilespmem:s9+$0x5050];
	s29 =	rddreg [dreg:$0x8]  }
0x5f: {  	v20 =	vld [tilespmem:s9+$0x5060];
	[tilespmem:s5], [sflag:$0x6] =	stream.linear.gather [hbm4b:s29+s5], $0x1400, $0x38  }
0x60: {  	_ =	swait.ge [sflag:s13], $0x1400  }
0x61: {  	[sflag:s13] =	ssyncset.done $0x0  }
0x62: {  	s10 =	simm.s32 $0x1400;
	s30 =	rddreg [dreg:$0x9];
	[sflag:s13] =	ssyncadd.s32 $0xFFFFEC00  }
0x63: {  	[tilespmem:s10], [sflag:$0x6] =	stream.linear.gather [hbm4b:s30+s5], $0x1400, $0x38;
	[tilespmem:$0x18970] =	vst v63  }
0x64: {  	_ =	swait.ge [sflag:s13], $0x1400  }
0x65: {  	[sflag:s13] =	ssyncset.done $0x0  }
0x66: {  	[sflag:s13] =	ssyncadd.s32 $0xFFFFEC00  }
0x67: {  	[tilespmem:s15], [sflag:$0x1] =	stream.indirect.gather [spmem:s4], $0x1, s5, s16, $0xb8;
	[tilespmem:$0x18970] =	vst v63  }
0x68: {  	_ = 	snop  }
0x69: {  	[tilespmem:s19], [sflag:$0x1] =	stream.indirect.gather [spmem:s4], $0x1, s10, s16, $0xb8;
	[tilespmem:$0x18970] =	vst v63  }
0x6a: {  	s31 =	simm.s32 $0x2880  }
0x6b: {  	[tilespmem:s31], [sflag:$0x1] =	stream.indirect.gather [spmem:s4], $0x1, s16, s16, $0xb8;
	[tilespmem:$0x18970] =	vst v63  }
0x6c: {  	s12 =	simm.s32 $0x3C80;
	s10 =	simm.s32 $0x1480  }
0x6d: {  	[tilespmem:s12], [sflag:$0x1] =	stream.indirect.gather [spmem:s4], $0x1, s10, s16, $0xb8;
	[tilespmem:$0x18970] =	vst v63  }
0x6e: {  	s14 =	simm.s32 $0x2900;
	s13 =	simm.s32 $0x100  }
0x6f: {  	[tilespmem:s14], [sflag:$0x1] =	stream.indirect.gather [spmem:s4], $0x1, s13, s16, $0xb8;
	[tilespmem:$0x18970] =	vst v63  }
0x70: {  	s21 =	simm.s32 $0x1500;
	s22 =	simm.s32 $0x3D00  }
0x71: {  	[tilespmem:s22], [sflag:$0x1] =	stream.indirect.gather [spmem:s4], $0x1, s21, s16, $0xb8;
	[tilespmem:$0x18970] =	vst v63  }
0x72: {  	s28 =	simm.s32 $0x180;
	s29 =	simm.s32 $0x2980  }
0x73: {  	[tilespmem:s29], [sflag:$0x1] =	stream.indirect.gather [spmem:s4], $0x1, s28, s16, $0xb8;
	[tilespmem:$0x18970] =	vst v63  }
0x74: {  	v6 =	vadd.f32 v8, v6;
	s30 =	simm.s32 $0x3D80;
	s31 =	simm.s32 $0x1580  }
0x75: {  	v0 =	vadd.f32 v9, v0;
	v8 =	vadd.f32 v10, v3;
	[tilespmem:s30], [sflag:$0x1] =	stream.indirect.gather [spmem:s4], $0x1, s31, s16, $0xb8;
	[tilespmem:$0x18970] =	vst v63  }
0x76: {  	v62 =	vadd.f32 v11, v1;
	v63 =	vadd.f32 v12, v4;
	_ =	swait.ge [sflag:s18], $0x80  }
0x77: {  	v2 =	vadd.f32 v13, v2;
	v3 =	vadd.f32 v14, v5;
	[sflag:s18] =	ssyncset.done $0x0  }
0x78: {  	v4 =	vadd.f32 v15, v7;
	v44 =	vadd.f32 v16, v6;
	[sflag:s18] =	ssyncadd.s32 $0xFFFFFF80  }
0x79: {  	v5 =	vadd.f32 v17, v0;
	v6 =	vadd.f32 v18, v8;
	_ =	swait.ge [sflag:s18], $0x80  }
0x7a: {  	s9 =	simm.s32 $0x200;
	v7 =	vadd.f32 v19, v62;
	v53 =	vadd.f32 v20, v63;
	s10 =	simm.s32 $0xA00;
	[sflag:s18] =	ssyncset.done $0x0  }
.LBB2_6:
0x7b: {  	s12 =	sadd.s32 $0x2800, s9  }
0x7c: {  	[sflag:s18] =	ssyncadd.s32 $0xFFFFFF80;
	s13 =	smov.u32 s10;
	s14 =	sadd.s32 $0x200, s10  }
0x7d: {  	[tilespmem:s12], [sflag:$0x1] =	stream.indirect.gather [spmem:s4], $0x1, s9, s16, $0xb8;
	[tilespmem:$0x18970] =	vst v63  }
0x7e: {  	p1 =	sne.s32 s10, $0x4E00;
	s10 =	sadd.s32 $0x3C00, s9;
	s9 =	sadd.s32 $0x1400, s9  }
0x7f: {  	[tilespmem:s10], [sflag:$0x1] =	stream.indirect.gather [spmem:s4], $0x1, s9, s16, $0xb8;
	[tilespmem:$0x18970] =	vst v63  }
.Ltmp2:
0x80: {  	_ =	swait.ge [sflag:s18], $0x80;
	(pc) =	sbr.rel @p1 .LBB2_6-.Ltmp2, $4  }
0x81: {  	[sflag:s18] =	ssyncset.done $0x0  }
0x82: {  	[sflag:s18] =	ssyncadd.s32 $0xFFFFFF80  }
0x83: {  	_ =	swait.ge [sflag:s18], $0x80  }
0x84: {  	s9 =	sshra.s32 s13, $0x2;
	s10 =	smov.u32 s14;
	[sflag:s18] =	ssyncset.done $0x0  }
0x85: {  	s10 =	sadd.s32 $0x2800, s9;
	[sflag:s18] =	ssyncadd.s32 $0xFFFFFF80  }
0x86: {  	[tilespmem:s10], [sflag:$0x1] =	stream.indirect.gather [spmem:s4], $0x1, s9, s16, $0xb8;
	[tilespmem:$0x18970] =	vst v63  }
0x87: {  	s28 =	sadd.s32 $0x3C00, s9;
	s29 =	sadd.s32 $0x1400, s9  }
0x88: {  	[tilespmem:s28], [sflag:$0x1] =	stream.indirect.gather [spmem:s4], $0x1, s29, s16, $0xb8;
	[tilespmem:$0x18970] =	vst v63  }
0x89: {  	_ =	swait.ge [sflag:s18], $0x80  }
0x8a: {  	[sflag:s18] =	ssyncset.done $0x0  }
0x8b: {  	[sflag:s18] =	ssyncadd.s32 $0xFFFFFF80  }
0x8c: {  	_ =	swait.ge [sflag:s18], $0x80  }
0x8d: {  	[sflag:s18] =	ssyncset.done $0x0  }
0x8e: {  	[sflag:s18] =	ssyncadd.s32 $0xFFFFFF80  }
0x8f: {  	_ =	swait.ge [sflag:s18], $0x80  }
0x90: {  	[sflag:s18] =	ssyncset.done $0x0  }
0x91: {  	[sflag:s18] =	ssyncadd.s32 $0xFFFFFF80  }
0x92: {  	_ =	swait.ge [sflag:s18], $0x80  }
0x93: {  	[sflag:s18] =	ssyncset.done $0x0  }
0x94: {  	[sflag:s18] =	ssyncadd.s32 $0xFFFFFF80  }
0x95: {  	_ =	swait.ge [sflag:s18], $0x80  }
0x96: {  	[sflag:s18] =	ssyncset.done $0x0  }
0x97: {  	[sflag:s18] =	ssyncadd.s32 $0xFFFFFF80  }
0x98: {  	_ =	swait.ge [sflag:s18], $0x80  }
0x99: {  	[sflag:s18] =	ssyncset.done $0x0  }
0x9a: {  	[sflag:s18] =	ssyncadd.s32 $0xFFFFFF80  }
0x9b: {  	_ =	swait.ge [sflag:s18], $0x80  }
0x9c: {  	[sflag:s18] =	ssyncset.done $0x0  }
0x9d: {  	[sflag:s18] =	ssyncadd.s32 $0xFFFFFF80  }
0x9e: {  	_ =	swait.ge [sflag:s18], $0x80  }
0x9f: {  	[sflag:s18] =	ssyncset.done $0x0  }
0xa0: {  	[sflag:s18] =	ssyncadd.s32 $0xFFFFFF80  }
0xa1: {  	[tilespmem:s17], [sflag:$0x2] =	stream.indirect.gather [hbm4b:s0+s16], $0x80, s15, s16, $0xb8;
	[tilespmem:$0x18970] =	vst v63  }
0xa2: {  	s30 =	simm.s32 $0xD000;
	s31 =	simm.s32 $0x0  }
0xa3: {  	[tilespmem:s30], [sflag:$0x2] =	stream.indirect.gather [hbm4b:s0+s16], $0x80, s19, s16, $0xb8;
	[tilespmem:$0x18970] =	vst v63  }
.LBB2_8:
0xa4: {  	s21 =	sshll.u32 s31, $0x8  }
0xa5: {  	s9 =	sadd.s32 $0x2880, s21  }
0xa6: {  	[tilespmem:s2], [sflag:$0x3] =	stream.indirect.gather [hbm4b:s0+s16], $0x80, s9, s16, $0xb8;
	[tilespmem:$0x18970] =	vst v63  }
0xa7: {  	s30 =	sadd.s32 $0x3C80, s21  }
0xa8: {  	[tilespmem:s1], [sflag:$0x3] =	stream.indirect.gather [hbm4b:s0+s16], $0x80, s30, s16, $0xb8;
	[tilespmem:$0x18970] =	vst v63  }
0xa9: {  	_ =	swait.ge [sflag:s3], $0x4000  }
0xaa: {  	[sflag:s3] =	ssyncset.done $0x0  }
0xab: {  	[sflag:s3] =	ssyncadd.s32 $0xFFFFC000  }
0xac: {  	_ =	swait.ge [sflag:s3], $0x4000  }
0xad: {  	p1 =	seq.s32 s31, $0x0;
	[sflag:s3] =	ssyncset.done $0x0  }
0xae: {  	s9 =	simm.s32 @!p1 $0x4;
	[sflag:s3] =	ssyncadd.s32 $0xFFFFC000  }
0xaf: {  	_ =	swait.ge @!p1 [sflag:s9], $0x800  }
0xb0: {  	[sflag:s9] =	ssyncset.done @!p1 $0x0  }
0xb1: {  	[sflag:s9] =	ssyncadd.s32 @!p1 $0xFFFFF800  }
0xb2: {  	_ =	swait.ge @!p1 [sflag:s9], $0x800  }
0xb3: {  	[sflag:s9] =	ssyncset.done @!p1 $0x0  }
0xb4: {  	s22 =	simm.s32 $0x0;
	s14 =	sor.u32 $0x80, s21;
	[sflag:s9] =	ssyncadd.s32 @!p1 $0xFFFFF800  }
.LBB2_9:
0xb5: {  	s10 =	sshll.u32 s22, $0x7  }
0xb6: {  	v24 =	vld [tilespmem:s10+$0xD180];
	_ =	sdelay $0x4  }
0xb7: {  	[tilespmem:$0x1FB50] =	vst v24;
	v24 =	vld [tilespmem:s10+$0xD290];
	_ =	sdelay $0x4  }
0xb8: {  	[tilespmem:$0x1FC70] =	vst v24;
	v24 =	vld [tilespmem:s10+$0x52A0];
	_ =	sdelay $0x4  }
0xb9: {  	[tilespmem:$0x1FC80] =	vst v24;
	v24 =	vld [tilespmem:s10+$0xD2A0];
	_ =	sdelay $0x4  }
0xba: {  	[tilespmem:$0x1FC90] =	vst v24;
	v24 =	vld [tilespmem:s10+$0x52B0];
	_ =	sdelay $0x4  }
0xbb: {  	[tilespmem:$0x1FCC0] =	vst v24;
	v24 =	vld [tilespmem:s10+$0xD2B0];
	_ =	sdelay $0x4  }
0xbc: {  	[tilespmem:$0x1FCD0] =	vst v24;
	v24 =	vld [tilespmem:s10+$0x52C0];
	_ =	sdelay $0x4  }
0xbd: {  	[tilespmem:$0x1FCE0] =	vst v24;
	v24 =	vld [tilespmem:s10+$0xD2C0];
	_ =	sdelay $0x2  }
0xbe: {  	v33 =	vld [tilespmem:s10+$0x5000]  }
0xbf: {  	v62 =	vld [tilespmem:s10+$0xD000]  }
0xc0: {  	[tilespmem:$0x1FCF0] =	vst v24;
	v24 =	vld [tilespmem:s10+$0x52D0]  }
0xc1: {  	v40 =	vld [tilespmem:s10+$0x5010]  }
0xc2: {  	v11 =	vld [tilespmem:s10+$0xD010]  }
0xc3: {  	v35 =	vld [tilespmem:s10+$0x5020]  }
0xc4: {  	v13 =	vld [tilespmem:s10+$0xD020]  }
0xc5: {  	[tilespmem:$0x1FD00] =	vst v24;
	v24 =	vld [tilespmem:s10+$0xD2D0]  }
0xc6: {  	v41 =	vld [tilespmem:s10+$0x5030]  }
0xc7: {  	v16 =	vld [tilespmem:s10+$0xD030]  }
0xc8: {  	v50 =	vld [tilespmem:s10+$0x5040]  }
0xc9: {  	v17 =	vld [tilespmem:s10+$0xD040]  }
0xca: {  	[tilespmem:$0x1FD10] =	vst v24;
	v24 =	vld [tilespmem:s10+$0x52E0]  }
0xcb: {  	v54 =	vld [tilespmem:s10+$0x5050]  }
0xcc: {  	v19 =	vld [tilespmem:s10+$0xD050]  }
0xcd: {  	v61 =	vld [tilespmem:s10+$0x5060]  }
0xce: {  	v22 =	vld [tilespmem:s10+$0xD060]  }
0xcf: {  	[tilespmem:$0x1FD20] =	vst v24;
	v24 =	vld [tilespmem:s10+$0xD2E0]  }
0xd0: {  	v47 =	vld [tilespmem:s10+$0x5070]  }
0xd1: {  	v45 =	vld [tilespmem:s10+$0xD070]  }
0xd2: {  	v63 =	vld [tilespmem:s10+$0x5080]  }
0xd3: {  	v21 =	vld [tilespmem:s10+$0xD080]  }
0xd4: {  	[tilespmem:$0x1FD30] =	vst v24;
	v24 =	vld [tilespmem:s10+$0x52F0]  }
0xd5: {  	v46 =	vld [tilespmem:s10+$0x5090]  }
0xd6: {  	v20 =	vld [tilespmem:s10+$0xD090]  }
0xd7: {  	v31 =	vld [tilespmem:s10+$0x50A0]  }
0xd8: {  	v27 =	vld [tilespmem:s10+$0xD0A0]  }
0xd9: {  	[tilespmem:$0x1FDA0] =	vst v24;
	v24 =	vld [tilespmem:s10+$0xD2F0]  }
0xda: {  	v60 =	vld [tilespmem:s10+$0x50B0]  }
0xdb: {  	v30 =	vld [tilespmem:s10+$0xD0B0]  }
0xdc: {  	v0 =	vld [tilespmem:s10+$0x50C0]  }
0xdd: {  	v34 =	vld [tilespmem:s10+$0xD0C0]  }
0xde: {  	[tilespmem:$0x1FDB0] =	vst v24;
	v24 =	vld [tilespmem:s10+$0x5300]  }
0xdf: {  	v1 =	vld [tilespmem:s10+$0x50D0]  }
0xe0: {  	v56 =	vld [tilespmem:s10+$0xD0D0]  }
0xe1: {  	v43 =	vld [tilespmem:s10+$0x50E0]  }
0xe2: {  	v8 =	vld [tilespmem:s10+$0xD0E0]  }
0xe3: {  	[tilespmem:$0x1FD40] =	vst v24;
	v24 =	vld [tilespmem:s10+$0xD300]  }
0xe4: {  	v38 =	vld [tilespmem:s10+$0x50F0]  }
0xe5: {  	v51 =	vld [tilespmem:s10+$0x5100]  }
0xe6: {  	v58 =	vld [tilespmem:s10+$0xD110]  }
0xe7: {  	v9 =	vld [tilespmem:s10+$0x5120]  }
0xe8: {  	[tilespmem:$0x1FD50] =	vst v24;
	v24 =	vld [tilespmem:s10+$0x5310]  }
0xe9: {  	v10 =	vld [tilespmem:s10+$0xD120]  }
0xea: {  	v12 =	vld [tilespmem:s10+$0xD130]  }
0xeb: {  	v14 =	vld [tilespmem:s10+$0xD140]  }
0xec: {  	v18 =	vld [tilespmem:s10+$0x5150]  }
0xed: {  	[tilespmem:$0x1FD60] =	vst v24;
	v24 =	vld [tilespmem:s10+$0xD310]  }
0xee: {  	v29 =	vld [tilespmem:s10+$0xD150]  }
0xef: {  	v15 =	vld [tilespmem:s10+$0xD160]  }
0xf0: {  	v23 =	vld [tilespmem:s10+$0x5170]  }
0xf1: {  	v32 =	vld [tilespmem:s10+$0xD170]  }
0xf2: {  	[tilespmem:$0x1FD70] =	vst v24;
	v24 =	vld [tilespmem:s10+$0x5320]  }
0xf3: {  	v57 =	vld [tilespmem:s10+$0x5190]  }
0xf4: {  	v36 =	vld [tilespmem:s10+$0xD190]  }
0xf5: {  	v52 =	vld [tilespmem:s10+$0x51A0]  }
0xf6: {  	v37 =	vld [tilespmem:s10+$0xD1A0]  }
0xf7: {  	[tilespmem:$0x1FD80] =	vst v24;
	v24 =	vld [tilespmem:s10+$0xD320]  }
0xf8: {  	v59 =	vld [tilespmem:s10+$0x51B0];
	v62 =	vmul.f32 v62, v33;
	v11 =	vmul.f32 v11, v40  }
0xf9: {  	v39 =	vld [tilespmem:s10+$0xD1B0]  }
0xfa: {  	v11 =	vadd.f32 v11, v62;
	v62 =	vld [tilespmem:s10+$0x5330]  }
0xfb: {  	v42 =	vld [tilespmem:s10+$0xD1C0]  }
0xfc: {  	v33 =	vmul.f32 v33, v3;
	v40 =	vmul.f32 v40, v4;
	[tilespmem:$0x1FD90] =	vst v24;
	v24 =	vld [tilespmem:s10+$0x5340]  }
0xfd: {  	v49 =	vld [tilespmem:s10+$0x51D0];
	v13 =	vmul.f32 v13, v35  }
0xfe: {  	v48 =	vld [tilespmem:s10+$0xD1D0];
	v35 =	vmul.f32 v35, v44;
	v33 =	vadd.f32 v40, v33  }
0xff: {  	v25 =	vld [tilespmem:s10+$0x51E0];
	v11 =	vadd.f32 v13, v11;
	[tilespmem:$0x1FDC0] =	vst v62;
	v62 =	vmul.f32 v16, v41  }
0x100: {  	v55 =	vld [tilespmem:s10+$0xD1E0];
	v16 =	vadd.f32 v35, v33  }
0x101: {  	v33 =	vmul.f32 v41, v5;
	v11 =	vadd.f32 v62, v11;
	v62 =	vmul.f32 v17, v50;
	[tilespmem:$0x1FDD0] =	vst v24;
	v24 =	vld [tilespmem:s10+$0x5350]  }
0x102: {  	v28 =	vld [tilespmem:s10+$0xD1F0];
	v35 =	vmul.f32 v50, v6  }
0x103: {  	[tilespmem:$0x1FAD0] =	vst v8;
	v8 =	vld [tilespmem:s10+$0xD0F0];
	v16 =	vadd.f32 v33, v16;
	v50 =	vmul.f32 v19, v54;
	v11 =	vadd.f32 v62, v11  }
0x104: {  	v26 =	vld [tilespmem:s10+$0x5210];
	[tilespmem:$0x1FAF0] =	vst v10;
	v20 =	vmul.f32 v20, v46;
	v33 =	vmul.f32 v22, v61  }
0x105: {  	v10 =	vld [tilespmem:s10+$0x5130];
	[tilespmem:$0x1FB10] =	vst v12;
	v16 =	vadd.f32 v35, v16;
	v35 =	vmul.f32 v21, v63;
	v11 =	vadd.f32 v50, v11  }
0x106: {  	v12 =	vld [tilespmem:s10+$0x5140];
	v22 =	vmul.f32 v61, v53;
	[tilespmem:$0x1FDF0] =	vst v24;
	v24 =	vmul.f32 v54, v7  }
0x107: {  	[tilespmem:$0x1FB20] =	vst v14;
	v14 =	vld [tilespmem:s10+$0x5160];
	v13 =	vadd.f32 v20, v35;
	v11 =	vadd.f32 v33, v11;
	v33 =	vmul.f32 v27, v31  }
0x108: {  	[tilespmem:$0x1FB00] =	vst v8;
	v8 =	vld [tilespmem:s10+$0xD100];
	v50 =	vmul.f32 v63, v3;
	v54 =	vmul.f32 v46, v4;
	v16 =	vadd.f32 v24, v16  }
0x109: {  	v13 =	vadd.f32 v33, v13;
	v33 =	vld [tilespmem:$0x1FAD0]  }
0x10a: {  	[tilespmem:$0x1FB40] =	vst v15;
	v15 =	vld [tilespmem:s10+$0x5180];
	v19 =	vadd.f32 v54, v50;
	v50 =	vmul.f32 v47, v2;
	v16 =	vadd.f32 v22, v16  }
0x10b: {  	[tilespmem:$0x1FB60] =	vst v36;
	v36 =	vld [tilespmem:s10+$0x51C0]  }
0x10c: {  	[tilespmem:$0x1FBA0] =	vst v42;
	v63 =	vld [tilespmem:s10+$0xD370];
	v16 =	vadd.f32 v50, v16  }
0x10d: {  	v42 =	vld [tilespmem:s10+$0x51F0];
	[tilespmem:$0x1FAE0] =	vst v8;
	v21 =	vmul.f32 v34, v0;
	v34 =	vmul.f32 v43, v53  }
0x10e: {  	v35 =	vmul.f32 v31, v44;
	[tilespmem:$0x1FF60] =	vst v16;
	v16 =	vmul.f32 v33, v43;
	v43 =	vld [tilespmem:$0x1FAE0]  }
0x10f: {  	[tilespmem:$0x1FB70] =	vst v37;
	v45 =	vmul.f32 v45, v47;
	v8 =	vld [tilespmem:s10+$0x5110];
	v46 =	vmul.f32 v30, v60  }
0x110: {  	[tilespmem:$0x1FC00] =	vst v28;
	v28 =	vld [tilespmem:s10+$0x5200];
	v54 =	vmul.f32 v60, v5;
	v19 =	vadd.f32 v35, v19  }
0x111: {  	v37 =	vld [tilespmem:s10+$0xD220];
	v11 =	vadd.f32 v45, v11;
	[tilespmem:$0x1FE50] =	vst v63;
	v63 =	vadd.f32 v46, v13  }
0x112: {  	v0 =	vmul.f32 v0, v6;
	v30 =	vmul.f32 v56, v1;
	v60 =	vld [tilespmem:s10+$0xD390];
	v22 =	vadd.f32 v54, v19  }
0x113: {  	[tilespmem:$0x1FF50] =	vst v11;
	v46 =	vmul.f32 v51, v3;
	v11 =	vadd.f32 v21, v63;
	v13 =	vmul.f32 v43, v51;
	v51 =	vld [tilespmem:$0x1FAF0]  }
0x114: {  	v31 =	vmul.f32 v1, v7;
	v45 =	vmul.f32 v58, v8;
	v58 =	vld [tilespmem:$0x1FB10];
	v0 =	vadd.f32 v0, v22  }
0x115: {  	v27 =	vld [tilespmem:s10+$0xD3A0];
	v8 =	vmul.f32 v8, v4;
	v11 =	vadd.f32 v30, v11  }
0x116: {  	v54 =	vld [tilespmem:s10+$0xD3D0];
	v0 =	vadd.f32 v31, v0  }
0x117: {  	v56 =	vld [tilespmem:$0x1FB00];
	v8 =	vadd.f32 v8, v46;
	[tilespmem:$0x1FE20] =	vst v60;
	v60 =	vmul.f32 v38, v2;
	v11 =	vadd.f32 v16, v11  }
0x118: {  	v22 =	vld [tilespmem:$0x1FB20];
	v0 =	vadd.f32 v34, v0;
	v16 =	vmul.f32 v51, v9;
	v9 =	vmul.f32 v9, v44  }
0x119: {  	[tilespmem:$0x1FB30] =	vst v29;
	v17 =	vmul.f32 v58, v10;
	v35 =	vld [tilespmem:s10+$0xD3B0];
	v13 =	vadd.f32 v45, v13  }
0x11a: {  	v10 =	vmul.f32 v10, v5;
	v30 =	vld [tilespmem:$0x1FB30];
	v0 =	vadd.f32 v60, v0;
	v8 =	vadd.f32 v9, v8  }
0x11b: {  	v46 =	vld [tilespmem:$0x1FB50];
	[tilespmem:$0x1FE80] =	vst v54;
	v13 =	vadd.f32 v16, v13  }
0x11c: {  	v54 =	vld [tilespmem:$0x1FB60];
	[tilespmem:$0x1FF80] =	vst v0;
	v0 =	vadd.f32 v10, v8;
	v8 =	vmul.f32 v12, v6  }
0x11d: {  	s9 =	sor.u32 $0x8, s22;
	[tilespmem:$0x1FB80] =	vst v32;
	v21 =	vadd.f32 v17, v13;
	v13 =	vmul.f32 v22, v12;
	v17 =	vld [tilespmem:$0x1FB70]  }
0x11e: {  	s12 =	sshll.u32 s9, $0x7;
	[tilespmem:$0x1FE30] =	vst v27;
	v0 =	vadd.f32 v8, v0;
	v8 =	vld [tilespmem:$0x1FB40]  }
0x11f: {  	[tilespmem:$0x1FE60] =	vst v35;
	v35 =	vld [tilespmem:s12+$0xD000];
	v10 =	vmul.f32 v30, v18;
	v27 =	vadd.f32 v13, v21  }
0x120: {  	v20 =	vld [tilespmem:$0x1FB80];
	v16 =	vmul.f32 v56, v38  }
0x121: {  	[tilespmem:$0x1FB90] =	vst v39;
	v29 =	vld [tilespmem:s10+$0xD200];
	v56 =	vmul.f32 v54, v57;
	v9 =	vadd.f32 v10, v27;
	v10 =	vmul.f32 v46, v15  }
0x122: {  	v11 =	vadd.f32 v16, v11;
	v21 =	vld [tilespmem:$0x1FB90]  }
0x123: {  	[tilespmem:$0x1FBB0] =	vst v48;
	v32 =	vld [tilespmem:s10+$0xD210];
	v16 =	vadd.f32 v56, v10;
	v10 =	vmul.f32 v17, v52;
	v8 =	vmul.f32 v8, v14  }
0x124: {  	v31 =	vmul.f32 v18, v7;
	[tilespmem:$0x1FEA0] =	vst v35;
	v35 =	vld [tilespmem:$0x1FBA0]  }
0x125: {  	[tilespmem:$0x1FBF0] =	vst v37;
	v37 =	vld [tilespmem:s10+$0xD260];
	v8 =	vadd.f32 v8, v9;
	v9 =	vadd.f32 v10, v16;
	v10 =	vmul.f32 v20, v23  }
0x126: {  	v58 =	vmul.f32 v15, v3;
	v60 =	vmul.f32 v57, v4;
	v54 =	vld [tilespmem:$0x1FBB0];
	v0 =	vadd.f32 v31, v0  }
0x127: {  	[tilespmem:$0x1FBC0] =	vst v55;
	v39 =	vld [tilespmem:s10+$0xD230];
	v14 =	vmul.f32 v14, v53;
	v22 =	vmul.f32 v21, v59;
	v8 =	vadd.f32 v10, v8  }
0x128: {  	v48 =	vld [tilespmem:s10+$0xD240];
	v18 =	vmul.f32 v52, v44;
	[tilespmem:$0x1FF70] =	vst v11;
	v11 =	vadd.f32 v60, v58;
	v27 =	vmul.f32 v23, v2  }
0x129: {  	v55 =	vld [tilespmem:s10+$0xD250];
	v0 =	vadd.f32 v14, v0;
	[tilespmem:$0x1FF90] =	vst v8;
	v8 =	vadd.f32 v22, v9;
	v9 =	vmul.f32 v35, v36  }
0x12a: {  	v41 =	vld [tilespmem:s10+$0xD340];
	v30 =	vmul.f32 v59, v5;
	v14 =	vadd.f32 v18, v11  }
0x12b: {  	[tilespmem:$0x1FC40] =	vst v37;
	v37 =	vld [tilespmem:s10+$0x5270];
	v56 =	vmul.f32 v54, v49;
	v0 =	vadd.f32 v27, v0;
	v8 =	vadd.f32 v9, v8  }
0x12c: {  	[tilespmem:$0x1FBD0] =	vst v29;
	v58 =	vld [tilespmem:$0x1FBC0]  }
0x12d: {  	[tilespmem:$0x1FFA0] =	vst v0;
	v0 =	vadd.f32 v30, v14;
	v14 =	vadd.f32 v56, v8;
	v8 =	vld [tilespmem:$0x1FBD0]  }
0x12e: {  	v40 =	vld [tilespmem:s10+$0xD330]  }
0x12f: {  	[tilespmem:$0x1FBE0] =	vst v32;
	v29 =	vld [tilespmem:s10+$0x5220]  }
0x130: {  	[tilespmem:$0x1FDE0] =	vst v41;
	v41 =	vld [tilespmem:s10+$0xD350]  }
0x131: {  	[tilespmem:$0x1FCA0] =	vst v37;
	v37 =	vld [tilespmem:s10+$0xD270];
	v60 =	vmul.f32 v25, v53  }
0x132: {  	v59 =	vmul.f32 v58, v25;
	v25 =	vmul.f32 v8, v28;
	v8 =	vld [tilespmem:$0x1FBE0]  }
0x133: {  	v32 =	vld [tilespmem:s10+$0x5230]  }
0x134: {  	[tilespmem:$0x1FC10] =	vst v39;
	v39 =	vld [tilespmem:s10+$0x5240]  }
0x135: {  	[tilespmem:$0x1FE00] =	vst v41;
	v41 =	vld [tilespmem:s10+$0x5370]  }
0x136: {  	[tilespmem:$0x1FCB0] =	vst v37;
	v37 =	vld [tilespmem:s10+$0x5280]  }
0x137: {  	v27 =	vmul.f32 v8, v26;
	v8 =	vld [tilespmem:s12+$0xD060]  }
0x138: {  	[tilespmem:$0x1FC20] =	vst v48;
	v48 =	vld [tilespmem:s10+$0x5250]  }
0x139: {  	[tilespmem:$0x1FC30] =	vst v55;
	v55 =	vld [tilespmem:s10+$0x5260]  }
0x13a: {  	[tilespmem:$0x1FE40] =	vst v41;
	v41 =	vld [tilespmem:s10+$0xD380]  }
0x13b: {  	[tilespmem:$0x1FC50] =	vst v37;
	v37 =	vld [tilespmem:s10+$0xD280]  }
0x13c: {  	[tilespmem:$0x1FF00] =	vst v8;
	v8 =	vld [tilespmem:$0x1FBF0]  }
0x13d: {  	v61 =	vld [tilespmem:s10+$0xD360]  }
0x13e: {  	v62 =	vld [tilespmem:s10+$0x5360]  }
0x13f: {  	[tilespmem:$0x1FE10] =	vst v41;
	v41 =	vld [tilespmem:s10+$0x5390]  }
0x140: {  	[tilespmem:$0x1FC60] =	vst v37;
	v37 =	vld [tilespmem:s10+$0x5290]  }
0x141: {  	v46 =	vmul.f32 v36, v6;
	v36 =	vmul.f32 v8, v29;
	v8 =	vld [tilespmem:s12+$0xD070]  }
0x142: {  	v1 =	vld [tilespmem:s10+$0x53B0]  }
0x143: {  	v50 =	vld [tilespmem:s10+$0xD3C0]  }
0x144: {  	v24 =	vld [tilespmem:s10+$0x5380]  }
0x145: {  	v47 =	vld [tilespmem:s10+$0x53A0]  }
0x146: {  	[tilespmem:$0x1FF20] =	vst v8;
	v8 =	vld [tilespmem:$0x1FC00]  }
0x147: {  	v63 =	vld [tilespmem:s10+$0xD3E0]  }
0x148: {  	[tilespmem:$0x1FE70] =	vst v50;
	v50 =	vld [tilespmem:s10+$0x53E0]  }
0x149: {  	v43 =	vld [tilespmem:s10+$0x53C0]  }
0x14a: {  	v52 =	vld [tilespmem:s12+$0xD040]  }
0x14b: {  	v57 =	vmul.f32 v49, v7;
	v49 =	vmul.f32 v8, v42;
	v8 =	vld [tilespmem:$0x1FC10]  }
0x14c: {  	v45 =	vld [tilespmem:s10+$0xD3F0]  }
0x14d: {  	v51 =	vld [tilespmem:s10+$0x53D0]  }
0x14e: {  	v38 =	vld [tilespmem:s10+$0x53F0];
	s10 =	sor.u32 $0x9, s22  }
0x14f: {  	s13 =	sshll.u32 s10, $0x7  }
0x150: {  	[tilespmem:$0x1FEE0] =	vst v52;
	v52 =	vmul.f32 v8, v32;
	v8 =	vld [tilespmem:s13+$0xD000];
	_ =	sdelay $0x2  }
0x151: {  	v10 =	vadd.f32 v59, v14;
	_ =	sdelay $0x1  }
0x152: {  	[tilespmem:$0x1FF10] =	vst v8;
	v8 =	vadd.f32 v49, v10  }
0x153: {  	v19 =	vld [tilespmem:s12+$0xD020]  }
0x154: {  	[tilespmem:$0x1FFB0] =	vst v8;
	v8 =	vld [tilespmem:$0x1FC20]  }
0x155: {  	v34 =	vld [tilespmem:s12+$0xD030];
	_ =	sdelay $0x1  }
0x156: {  	v33 =	vld [tilespmem:s12+$0x5000];
	v0 =	vadd.f32 v46, v0  }
0x157: {  	[tilespmem:$0x1FE90] =	vst v63;
	v63 =	vld [tilespmem:s12+$0xD010];
	v30 =	vmul.f32 v26, v4;
	v28 =	vmul.f32 v28, v3  }
0x158: {  	[tilespmem:$0x1FEC0] =	vst v19;
	v0 =	vadd.f32 v57, v0;
	v26 =	vmul.f32 v8, v39;
	v8 =	vld [tilespmem:$0x1FC30]  }
0x159: {  	v19 =	vld [tilespmem:s12+$0x5070];
	[tilespmem:$0x1FED0] =	vst v34;
	v46 =	vmul.f32 v29, v44;
	v15 =	vadd.f32 v30, v28;
	v34 =	vadd.f32 v27, v25  }
0x15a: {  	v54 =	vmul.f32 v42, v2;
	v0 =	vadd.f32 v60, v0;
	v59 =	vld [tilespmem:$0x1FC80]  }
0x15b: {  	v15 =	vadd.f32 v46, v15;
	v46 =	vld [tilespmem:$0x1FC50];
	v14 =	vadd.f32 v36, v34  }
0x15c: {  	v60 =	vmul.f32 v32, v5;
	v0 =	vadd.f32 v54, v0;
	v49 =	vld [tilespmem:$0x1FC70]  }
0x15d: {  	v29 =	vmul.f32 v48, v7;
	v25 =	vadd.f32 v52, v14;
	v28 =	vmul.f32 v8, v48;
	v48 =	vld [tilespmem:$0x1FC60]  }
0x15e: {  	[tilespmem:$0x1FFC0] =	vst v0;
	v30 =	vld [tilespmem:$0x1FC40];
	v0 =	vadd.f32 v60, v15;
	v27 =	vmul.f32 v39, v6  }
0x15f: {  	v10 =	vadd.f32 v26, v25;
	v25 =	vld [tilespmem:$0x1FC90]  }
0x160: {  	[tilespmem:$0x1FEB0] =	vst v63;
	v63 =	vld [tilespmem:s12+$0x5030];
	v0 =	vadd.f32 v27, v0  }
0x161: {  	v12 =	vld [tilespmem:s12+$0x5010];
	v56 =	vmul.f32 v37, v4;
	v34 =	vmul.f32 v55, v53  }
0x162: {  	v0 =	vadd.f32 v29, v0;
	v29 =	vld [tilespmem:$0x1FCA0];
	v54 =	vmul.f32 v49, v37;
	v14 =	vmul.f32 v48, v46  }
0x163: {  	v32 =	vmul.f32 v30, v55;
	v55 =	vmul.f32 v46, v3;
	v30 =	vld [tilespmem:$0x1FCB0]  }
0x164: {  	v0 =	vadd.f32 v34, v0;
	v34 =	vld [tilespmem:$0x1FCC0];
	v26 =	vmul.f32 v25, v59;
	v14 =	vadd.f32 v54, v14  }
0x165: {  	v36 =	vld [tilespmem:$0x1FCD0];
	v27 =	vadd.f32 v56, v55;
	v10 =	vadd.f32 v28, v10;
	v28 =	vmul.f32 v59, v44  }
0x166: {  	v14 =	vadd.f32 v26, v14;
	v26 =	vld [tilespmem:$0x1FCE0]  }
0x167: {  	v21 =	vadd.f32 v28, v27;
	v27 =	vld [tilespmem:$0x1FCF0];
	v46 =	vmul.f32 v29, v2  }
0x168: {  	v10 =	vadd.f32 v32, v10;
	v32 =	vmul.f32 v30, v29;
	v30 =	vld [tilespmem:$0x1FD10]  }
0x169: {  	v59 =	vmul.f32 v34, v5;
	v29 =	vld [tilespmem:$0x1FD00];
	v0 =	vadd.f32 v46, v0  }
0x16a: {  	v13 =	vld [tilespmem:s13+$0x5000];
	v39 =	vmul.f32 v36, v34  }
0x16b: {  	v49 =	vld [tilespmem:$0x1FD50];
	[tilespmem:$0x1FFE0] =	vst v0;
	v0 =	vadd.f32 v59, v21;
	v28 =	vmul.f32 v26, v6  }
0x16c: {  	v46 =	vld [tilespmem:$0x1FD40];
	v17 =	vadd.f32 v39, v14;
	v14 =	vmul.f32 v27, v26  }
0x16d: {  	v16 =	vadd.f32 v32, v10;
	v0 =	vadd.f32 v28, v0;
	v28 =	vld [tilespmem:$0x1FD60]  }
0x16e: {  	v32 =	vmul.f32 v29, v7;
	v10 =	vadd.f32 v14, v17;
	v14 =	vmul.f32 v30, v29;
	v29 =	vld [tilespmem:$0x1FD70]  }
0x16f: {  	v36 =	vld [tilespmem:$0x1FD30]  }
0x170: {  	v34 =	vld [tilespmem:$0x1FD20]  }
0x171: {  	v31 =	vld [tilespmem:s12+$0x5020]  }
0x172: {  	v58 =	vld [tilespmem:s13+$0x5010]  }
0x173: {  	v18 =	vld [tilespmem:s12+$0x5050];
	v56 =	vmul.f32 v49, v46;
	v30 =	vmul.f32 v29, v28  }
0x174: {  	v49 =	vld [tilespmem:$0x1FD80]  }
0x175: {  	v20 =	vmul.f32 v36, v34;
	v36 =	vadd.f32 v30, v56;
	v56 =	vld [tilespmem:$0x1FD90]  }
0x176: {  	v23 =	vld [tilespmem:s12+$0xD050]  }
0x177: {  	v11 =	vld [tilespmem:s12+$0x5060]  }
0x178: {  	v35 =	vld [tilespmem:s12+$0x5040];
	v22 =	vmul.f32 v34, v53  }
0x179: {  	v57 =	vld [tilespmem:s13+$0xD030];
	v0 =	vadd.f32 v32, v0;
	v32 =	vmul.f32 v46, v3;
	v34 =	vmul.f32 v28, v4  }
0x17a: {  	v9 =	vld [tilespmem:s13+$0x5070];
	v17 =	vmul.f32 v56, v49  }
0x17b: {  	v21 =	vadd.f32 v34, v32;
	v34 =	vld [tilespmem:$0x1FDA0]  }
0x17c: {  	v26 =	vadd.f32 v17, v36;
	v36 =	vld [tilespmem:$0x1FDB0]  }
0x17d: {  	v56 =	vld [tilespmem:$0x1FDC0]  }
0x17e: {  	[tilespmem:$0x1FF30] =	vst v57;
	v57 =	vld [tilespmem:s13+$0xD040];
	v10 =	vadd.f32 v14, v10  }
0x17f: {  	v60 =	vld [tilespmem:s13+$0xD020];
	s12 =	sor.u32 $0xA, s22;
	v32 =	vmul.f32 v49, v44  }
0x180: {  	v15 =	vld [tilespmem:$0x1FE30];
	s15 =	sshll.u32 s12, $0x7;
	v10 =	vadd.f32 v20, v10;
	v0 =	vadd.f32 v22, v0  }
0x181: {  	[tilespmem:$0x1FEF0] =	vst v23;
	v23 =	vld [tilespmem:s15+$0xD010];
	v30 =	vadd.f32 v32, v21;
	v32 =	vmul.f32 v34, v2;
	v49 =	vmul.f32 v36, v34  }
0x182: {  	v17 =	vmul.f32 v40, v56;
	v34 =	vmul.f32 v56, v5;
	v56 =	vld [tilespmem:$0x1FDE0]  }
0x183: {  	v0 =	vadd.f32 v32, v0;
	v22 =	vadd.f32 v49, v10;
	v49 =	vld [tilespmem:$0x1FDD0]  }
0x184: {  	v32 =	vld [tilespmem:$0x1FDF0]  }
0x185: {  	[tilespmem:$0x1FFF0] =	vst v0;
	v0 =	vadd.f32 v34, v30;
	v34 =	vld [tilespmem:$0x1FE00]  }
0x186: {  	v42 =	vld [tilespmem:s13+$0x5030]  }
0x187: {  	v52 =	vld [tilespmem:s13+$0xD010]  }
0x188: {  	v55 =	vld [tilespmem:s13+$0x5050];
	[tilespmem:$0x1FFD0] =	vst v16;
	v36 =	vadd.f32 v17, v26;
	v16 =	vmul.f32 v56, v49  }
0x189: {  	v56 =	vmul.f32 v61, v62;
	v61 =	vmul.f32 v62, v53;
	v62 =	vld [tilespmem:$0x1FE10]  }
0x18a: {  	v26 =	vadd.f32 v16, v36;
	v36 =	vmul.f32 v34, v32;
	v34 =	vld [tilespmem:$0x1FE20]  }
0x18b: {  	v37 =	vld [tilespmem:s13+$0x5040]  }
0x18c: {  	v8 =	vld [tilespmem:s13+$0x5020];
	v17 =	vmul.f32 v49, v6  }
0x18d: {  	v25 =	vld [tilespmem:s15+$0xD020]  }
0x18e: {  	v48 =	vld [tilespmem:s13+$0x5060];
	v49 =	vmul.f32 v32, v7;
	v0 =	vadd.f32 v17, v0  }
0x18f: {  	v54 =	vld [tilespmem:s13+$0xD050];
	v26 =	vadd.f32 v36, v26;
	v14 =	vmul.f32 v62, v24;
	v36 =	vmul.f32 v34, v41  }
0x190: {  	v39 =	vld [tilespmem:s13+$0xD070];
	v0 =	vadd.f32 v49, v0;
	v49 =	vmul.f32 v24, v3;
	v41 =	vmul.f32 v41, v4  }
0x191: {  	v14 =	vadd.f32 v36, v14;
	v36 =	vld [tilespmem:$0x1FE40]  }
0x192: {  	v34 =	vadd.f32 v41, v49;
	v49 =	vld [tilespmem:$0x1FE50]  }
0x193: {  	v0 =	vadd.f32 v61, v0;
	v61 =	vld [tilespmem:$0x1FE60]  }
0x194: {  	v59 =	vld [tilespmem:s13+$0xD060]  }
0x195: {  	v27 =	vld [tilespmem:s15+$0x5050]  }
0x196: {  	[tilespmem:$0x1FF40] =	vst v39;
	v39 =	vld [tilespmem:s15+$0x5000];
	v24 =	vmul.f32 v15, v47  }
0x197: {  	v46 =	vld [tilespmem:s15+$0xD000];
	v56 =	vadd.f32 v56, v26;
	v62 =	vmul.f32 v49, v36  }
0x198: {  	v20 =	vld [tilespmem:s15+$0x5020];
	v47 =	vmul.f32 v47, v44;
	v29 =	vadd.f32 v24, v14;
	v14 =	vmul.f32 v61, v1  }
0x199: {  	v15 =	vmul.f32 v36, v2;
	v36 =	vmul.f32 v1, v5;
	v1 =	vadd.f32 v62, v56;
	v62 =	vld [tilespmem:$0x1FE70]  }
0x19a: {  	v28 =	vld [tilespmem:s15+$0x5010];
	v34 =	vadd.f32 v47, v34  }
0x19b: {  	v47 =	vadd.f32 v15, v0;
	v0 =	vld [tilespmem:$0x1FE80]  }
0x19c: {  	v24 =	vadd.f32 v36, v34;
	v34 =	vld [tilespmem:$0x1FE90]  }
0x19d: {  	v36 =	vld [tilespmem:$0x1FEA0]  }
0x19e: {  	v29 =	vadd.f32 v14, v29;
	v14 =	vmul.f32 v43, v6;
	v10 =	vmul.f32 v62, v43;
	v43 =	vld [tilespmem:$0x1FEB0]  }
0x19f: {  	v21 =	vld [tilespmem:s15+$0x5030]  }
0x1a0: {  	v40 =	vld [tilespmem:s15+$0xD030]  }
0x1a1: {  	v30 =	vld [tilespmem:s15+$0x5040];
	v15 =	vmul.f32 v0, v51;
	v29 =	vadd.f32 v10, v29  }
0x1a2: {  	v16 =	vld [tilespmem:s15+$0xD040];
	v49 =	vmul.f32 v51, v7;
	v34 =	vmul.f32 v34, v50  }
0x1a3: {  	v17 =	vld [tilespmem:s15+$0xD050];
	v51 =	vmul.f32 v36, v33;
	v29 =	vadd.f32 v15, v29;
	v36 =	vmul.f32 v43, v12  }
0x1a4: {  	v32 =	vld [tilespmem:s15+$0x5060]  }
0x1a5: {  	v29 =	vadd.f32 v34, v29;
	v34 =	vadd.f32 v36, v51;
	v36 =	vld [tilespmem:$0x1FEC0]  }
0x1a6: {  	v26 =	vld [tilespmem:s15+$0x5070]  }
0x1a7: {  	v24 =	vadd.f32 v14, v24;
	v51 =	vld [tilespmem:$0x1FED0]  }
0x1a8: {  	s13 =	sor.u32 $0xB, s22;
	v41 =	vld [tilespmem:s15+$0xD060]  }
0x1a9: {  	s17 =	sshll.u32 s13, $0x7;
	v61 =	vld [tilespmem:s15+$0xD070];
	v24 =	vadd.f32 v49, v24;
	v50 =	vmul.f32 v50, v53  }
0x1aa: {  	v56 =	vld [tilespmem:s17+$0x5000];
	v36 =	vmul.f32 v36, v31  }
0x1ab: {  	v14 =	vld [tilespmem:s17+$0xD040];
	v24 =	vadd.f32 v50, v24  }
0x1ac: {  	v62 =	vld [tilespmem:s17+$0xD000];
	v50 =	vmul.f32 v51, v63;
	v36 =	vadd.f32 v36, v34;
	v34 =	vmul.f32 v45, v38  }
0x1ad: {  	v49 =	vmul.f32 v12, v4;
	v0 =	vld [tilespmem:s17+$0x5010];
	v33 =	vmul.f32 v33, v3  }
0x1ae: {  	v34 =	vadd.f32 v34, v29;
	v29 =	vadd.f32 v50, v36;
	v50 =	vld [tilespmem:$0x1FEE0]  }
0x1af: {  	v10 =	vld [tilespmem:s17+$0xD010];
	v33 =	vadd.f32 v49, v33;
	v31 =	vmul.f32 v31, v44  }
0x1b0: {  	v49 =	vld [tilespmem:s17+$0xD030];
	v45 =	vmul.f32 v38, v2  }
0x1b1: {  	v15 =	vld [tilespmem:s17+$0xD020];
	v63 =	vmul.f32 v63, v5;
	v31 =	vadd.f32 v31, v33  }
0x1b2: {  	v43 =	vld [tilespmem:s17+$0x5020];
	v24 =	vadd.f32 v45, v24  }
0x1b3: {  	v31 =	vadd.f32 v63, v31;
	v45 =	vmul.f32 v35, v6;
	v36 =	vmul.f32 v50, v35;
	v50 =	vld [tilespmem:$0x1FEF0]  }
0x1b4: {  	v63 =	vld [tilespmem:$0x1FF00]  }
0x1b5: {  	v31 =	vadd.f32 v45, v31;
	v45 =	vld [tilespmem:$0x1FF10]  }
0x1b6: {  	v12 =	vld [tilespmem:s17+$0x5030]  }
0x1b7: {  	v51 =	vld [tilespmem:s17+$0x5040]  }
0x1b8: {  	v38 =	vld [tilespmem:s17+$0x5050];
	v29 =	vadd.f32 v36, v29;
	v36 =	vmul.f32 v50, v18  }
0x1b9: {  	v35 =	vld [tilespmem:s17+$0xD050];
	v33 =	vmul.f32 v63, v11  }
0x1ba: {  	v63 =	vld [tilespmem:s17+$0xD060];
	v36 =	vadd.f32 v36, v29;
	v29 =	vmul.f32 v45, v13;
	v45 =	vmul.f32 v52, v58  }
0x1bb: {  	v50 =	vld [tilespmem:s17+$0x5060]  }
0x1bc: {  	v60 =	vmul.f32 v60, v8;
	v52 =	vld [tilespmem:s17+$0x5070];
	v29 =	vadd.f32 v45, v29  }
0x1bd: {  	v18 =	vmul.f32 v18, v7;
	v33 =	vadd.f32 v33, v36;
	v36 =	vld [tilespmem:$0x1FF20]  }
0x1be: {  	s19 =	sor.u32 $0xC, s22;
	v62 =	vmul.f32 v62, v56;
	v10 =	vmul.f32 v10, v0;
	v29 =	vadd.f32 v60, v29;
	v60 =	vld [tilespmem:$0x1FF30]  }
0x1bf: {  	s29 =	sshll.u32 s19, $0x7;
	v18 =	vadd.f32 v18, v31;
	v13 =	vmul.f32 v13, v3;
	v58 =	vmul.f32 v58, v4;
	v31 =	vld [tilespmem:s17+$0xD070]  }
0x1c0: {  	v10 =	vadd.f32 v10, v62;
	v15 =	vmul.f32 v15, v43;
	v11 =	vmul.f32 v11, v53;
	s17 =	sor.u32 $0xD, s22;
	v45 =	vld [tilespmem:s29+$0x5000]  }
0x1c1: {  	v8 =	vmul.f32 v8, v44;
	s30 =	sshll.u32 s17, $0x7;
	v13 =	vadd.f32 v58, v13;
	v58 =	vld [tilespmem:s29+$0xD000]  }
0x1c2: {  	v10 =	vadd.f32 v15, v10;
	v11 =	vadd.f32 v11, v18;
	v15 =	vld [tilespmem:s30+$0x5040];
	v18 =	vmul.f32 v36, v19  }
0x1c3: {  	v8 =	vadd.f32 v8, v13;
	v13 =	vmul.f32 v19, v2;
	v19 =	vld [tilespmem:s29+$0xD010];
	v36 =	vmul.f32 v60, v42  }
0x1c4: {  	v57 =	vmul.f32 v57, v37;
	v60 =	vld [tilespmem:s29+$0x5010];
	v42 =	vmul.f32 v42, v5;
	v18 =	vadd.f32 v18, v33  }
0x1c5: {  	v33 =	vmul.f32 v54, v55;
	v54 =	vmul.f32 v55, v7;
	v55 =	vld [tilespmem:s29+$0x5030];
	v29 =	vadd.f32 v36, v29  }
0x1c6: {  	v37 =	vmul.f32 v37, v6;
	v36 =	vld [tilespmem:s29+$0x5020];
	v8 =	vadd.f32 v42, v8  }
0x1c7: {  	v42 =	vld [tilespmem:s29+$0xD020];
	v29 =	vadd.f32 v57, v29  }
0x1c8: {  	v23 =	vmul.f32 v23, v28;
	v8 =	vadd.f32 v37, v8;
	v37 =	vld [tilespmem:s29+$0xD030]  }
0x1c9: {  	v57 =	vmul.f32 v59, v48;
	v59 =	vmul.f32 v46, v39;
	v46 =	vld [tilespmem:s29+$0x5040];
	v29 =	vadd.f32 v33, v29  }
0x1ca: {  	v28 =	vmul.f32 v28, v4;
	v48 =	vmul.f32 v48, v53;
	v8 =	vadd.f32 v54, v8;
	v54 =	vld [tilespmem:s29+$0xD040]  }
0x1cb: {  	v13 =	vadd.f32 v13, v11;
	v39 =	vmul.f32 v39, v3;
	v11 =	vadd.f32 v57, v29;
	v29 =	vld [tilespmem:s29+$0x5050]  }
0x1cc: {  	v25 =	vmul.f32 v25, v20;
	v23 =	vadd.f32 v23, v59;
	v33 =	vadd.f32 v48, v8;
	v48 =	vld [tilespmem:$0x1FF40]  }
0x1cd: {  	v8 =	vadd.f32 v28, v39;
	v28 =	vld [tilespmem:s29+$0xD050]  }
0x1ce: {  	v20 =	vmul.f32 v20, v44;
	v23 =	vadd.f32 v25, v23;
	v57 =	vmul.f32 v40, v21;
	v40 =	vld [tilespmem:s29+$0x5060]  }
0x1cf: {  	v21 =	vmul.f32 v21, v5;
	v25 =	vld [tilespmem:s29+$0xD070]  }
0x1d0: {  	v20 =	vadd.f32 v20, v8;
	v59 =	vadd.f32 v57, v23;
	v23 =	vld [tilespmem:s29+$0x5070];
	v57 =	vmul.f32 v41, v32  }
0x1d1: {  	v41 =	vld [tilespmem:s30+$0x5030];
	v39 =	vmul.f32 v48, v9;
	v9 =	vmul.f32 v9, v2  }
0x1d2: {  	v16 =	vmul.f32 v16, v30;
	v56 =	vmul.f32 v56, v3;
	v20 =	vadd.f32 v21, v20;
	v21 =	vld [tilespmem:s30+$0xD020]  }
0x1d3: {  	v48 =	vld [tilespmem:s29+$0xD060];
	v8 =	vadd.f32 v39, v11;
	v9 =	vadd.f32 v9, v33;
	v33 =	vmul.f32 v30, v6  }
0x1d4: {  	v11 =	vadd.f32 v16, v59;
	v16 =	vmul.f32 v17, v27;
	v39 =	vmul.f32 v27, v7;
	v27 =	vld [tilespmem:s30+$0x5000]  }
0x1d5: {  	v0 =	vmul.f32 v0, v4;
	v59 =	vmul.f32 v32, v53;
	v32 =	vld [tilespmem:s30+$0xD000];
	v20 =	vadd.f32 v33, v20  }
0x1d6: {  	v30 =	vld [tilespmem:s30+$0x5050];
	v11 =	vadd.f32 v16, v11  }
0x1d7: {  	v0 =	vadd.f32 v0, v56;
	v62 =	vmul.f32 v12, v5;
	v33 =	vld [tilespmem:s30+$0x5010];
	v17 =	vadd.f32 v39, v20  }
0x1d8: {  	v14 =	vmul.f32 v14, v51;
	v16 =	vld [tilespmem:s30+$0x5020];
	v11 =	vadd.f32 v57, v11;
	v57 =	vmul.f32 v43, v44  }
0x1d9: {  	v39 =	vld [tilespmem:s30+$0xD010];
	v17 =	vadd.f32 v59, v17;
	v59 =	vmul.f32 v61, v26;
	v61 =	vmul.f32 v49, v12  }
0x1da: {  	v56 =	vmul.f32 v38, v7;
	v19 =	vmul.f32 v19, v60;
	v43 =	vld [tilespmem:s30+$0xD030];
	v0 =	vadd.f32 v57, v0  }
0x1db: {  	v20 =	vld [tilespmem:s30+$0xD040];
	v49 =	vmul.f32 v51, v6;
	v51 =	vmul.f32 v35, v38;
	v10 =	vadd.f32 v61, v10  }
0x1dc: {  	v57 =	vmul.f32 v63, v50;
	v38 =	vld [tilespmem:s30+$0xD050];
	v12 =	vadd.f32 v59, v11;
	v0 =	vadd.f32 v62, v0  }
0x1dd: {  	v59 =	vmul.f32 v50, v53;
	v61 =	vmul.f32 v58, v45;
	v50 =	vld [tilespmem:s30+$0xD060];
	v10 =	vadd.f32 v14, v10  }
0x1de: {  	v31 =	vmul.f32 v31, v52;
	v0 =	vadd.f32 v49, v0;
	v49 =	vld [tilespmem:s30+$0x5060]  }
0x1df: {  	s28 =	sor.u32 $0xE, s22;
	v26 =	vmul.f32 v26, v2;
	v14 =	vadd.f32 v19, v61;
	v19 =	vld [tilespmem:s30+$0x5070];
	v10 =	vadd.f32 v51, v10  }
0x1e0: {  	v0 =	vadd.f32 v56, v0;
	v51 =	vmul.f32 v42, v36;
	v56 =	vmul.f32 v36, v44;
	v36 =	vld [tilespmem:s30+$0xD070];
	s30 =	sshll.u32 s28, $0x7  }
0x1e1: {  	v63 =	vmul.f32 v60, v4;
	v62 =	vmul.f32 v45, v3;
	v42 =	vld [tilespmem:s30+$0x5000]  }
0x1e2: {  	v60 =	vmul.f32 v54, v46;
	v11 =	vadd.f32 v26, v17;
	v58 =	vmul.f32 v52, v2;
	v52 =	vld [tilespmem:s30+$0x5010]  }
0x1e3: {  	v26 =	vadd.f32 v63, v62;
	v61 =	vmul.f32 v46, v6;
	v62 =	vmul.f32 v48, v40;
	v35 =	vld [tilespmem:s30+$0xD010]  }
0x1e4: {  	v63 =	vmul.f32 v32, v27;
	v46 =	vmul.f32 v39, v33;
	v45 =	vld [tilespmem:s30+$0xD020]  }
0x1e5: {  	v27 =	vmul.f32 v27, v3;
	v48 =	vmul.f32 v33, v4;
	v39 =	vld [tilespmem:s30+$0x5030]  }
0x1e6: {  	v33 =	vld [tilespmem:s30+$0xD030]  }
0x1e7: {  	v21 =	vmul.f32 v21, v16;
	v27 =	vadd.f32 v48, v27;
	v32 =	vld [tilespmem:s30+$0x5050]  }
0x1e8: {  	v16 =	vmul.f32 v16, v44;
	v10 =	vadd.f32 v57, v10;
	v14 =	vadd.f32 v51, v14;
	v51 =	vld [tilespmem:s30+$0xD000]  }
0x1e9: {  	v0 =	vadd.f32 v59, v0;
	v57 =	vmul.f32 v37, v55;
	v59 =	vmul.f32 v55, v5;
	v55 =	vld [tilespmem:$0x1FF50]  }
0x1ea: {  	v16 =	vadd.f32 v16, v27;
	v27 =	vld [tilespmem:s30+$0x5070]  }
0x1eb: {  	v26 =	vadd.f32 v56, v26;
	v56 =	vmul.f32 v43, v41;
	v43 =	vld [tilespmem:$0x1FFA0]  }
0x1ec: {  	v54 =	vadd.f32 v46, v63;
	v46 =	vmul.f32 v50, v49;
	v48 =	vmul.f32 v49, v53;
	v49 =	vld [tilespmem:$0x1FFB0]  }
0x1ed: {  	v10 =	vadd.f32 v31, v10;
	v31 =	vld [tilespmem:s30+$0x5020]  }
0x1ee: {  	v17 =	vadd.f32 v57, v14;
	v57 =	vld [tilespmem:$0x1FF60]  }
0x1ef: {  	v14 =	vadd.f32 v58, v0;
	v0 =	vadd.f32 v59, v26;
	v59 =	vld [tilespmem:$0x1FF70]  }
0x1f0: {  	v17 =	vadd.f32 v60, v17;
	v60 =	vld [tilespmem:$0x1FF80]  }
0x1f1: {  	v28 =	vmul.f32 v28, v29;
	v0 =	vadd.f32 v61, v0;
	v61 =	vld [tilespmem:$0x1FF90]  }
0x1f2: {  	v29 =	vmul.f32 v29, v7;
	v50 =	vmul.f32 v51, v42;
	v51 =	vld [tilespmem:$0x1FFC0]  }
0x1f3: {  	v17 =	vadd.f32 v28, v17;
	v28 =	vld [tilespmem:s30+$0x5040]  }
0x1f4: {  	s15 =	sshll.u32 s22, $0x4;
	v40 =	vmul.f32 v40, v53;
	v0 =	vadd.f32 v29, v0;
	v29 =	vld [tilespmem:s30+$0xD040]  }
0x1f5: {  	[tilespmem:s15+$0x16000] =	vst v57;
	v57 =	vld [tilespmem:$0x1FFD0]  }
0x1f6: {  	v25 =	vmul.f32 v25, v23;
	v0 =	vadd.f32 v40, v0;
	v40 =	vld [tilespmem:s30+$0xD050]  }
0x1f7: {  	[tilespmem:s15+$0x15050] =	vst v22;
	v21 =	vadd.f32 v21, v54;
	v17 =	vadd.f32 v62, v17;
	v62 =	vmul.f32 v38, v30;
	v38 =	vld [tilespmem:s30+$0xD070]  }
0x1f8: {  	v23 =	vmul.f32 v23, v2;
	v58 =	vmul.f32 v41, v5;
	[tilespmem:s15+$0x16010] =	vst v60;
	v60 =	vld [tilespmem:$0x1FFE0]  }
0x1f9: {  	[tilespmem:s15+$0x15060] =	vst v1;
	s29 =	sor.u32 $0xF, s22;
	v20 =	vmul.f32 v20, v15;
	v21 =	vadd.f32 v56, v21;
	v17 =	vadd.f32 v25, v17;
	v25 =	vld [tilespmem:s30+$0x5060]  }
0x1fa: {  	[tilespmem:s15+$0x16060] =	vst v47;
	v15 =	vmul.f32 v15, v6;
	v16 =	vadd.f32 v58, v16;
	v0 =	vadd.f32 v23, v0;
	v23 =	vld [tilespmem:s30+$0xD060];
	s30 =	sshll.u32 s29, $0x7  }
0x1fb: {  	[tilespmem:s15+$0x15070] =	vst v34;
	v63 =	vmul.f32 v30, v7;
	v35 =	vmul.f32 v35, v52;
	v41 =	vld [tilespmem:s30+$0x5000]  }
0x1fc: {  	[tilespmem:s15+$0x16070] =	vst v24;
	v20 =	vadd.f32 v20, v21;
	v54 =	vmul.f32 v42, v3;
	v15 =	vadd.f32 v15, v16;
	v56 =	vld [tilespmem:s30+$0xD000]  }
0x1fd: {  	v37 =	vmul.f32 v32, v7;
	[tilespmem:s15+$0x15000] =	vst v55;
	v55 =	vmul.f32 v52, v4;
	v58 =	vadd.f32 v35, v50;
	v35 =	vld [tilespmem:s30+$0x5010]  }
0x1fe: {  	v42 =	vmul.f32 v33, v39;
	[tilespmem:s15+$0x15010] =	vst v59;
	v15 =	vadd.f32 v63, v15;
	v20 =	vadd.f32 v62, v20;
	v62 =	vld [tilespmem:s30+$0xD010]  }
0x1ff: {  	v59 =	vmul.f32 v45, v31;
	v26 =	vadd.f32 v55, v54;
	[tilespmem:s15+$0x15020] =	vst v61;
	v61 =	vmul.f32 v31, v44;
	v45 =	vld [tilespmem:s30+$0x5020]  }
0x200: {  	[tilespmem:s15+$0x15030] =	vst v49;
	v63 =	vmul.f32 v36, v19;
	v19 =	vmul.f32 v19, v2;
	v15 =	vadd.f32 v48, v15;
	v49 =	vld [tilespmem:s30+$0xD020]  }
0x201: {  	s9 =	sshll.u32 s9, $0x4;
	[tilespmem:s15+$0x16030] =	vst v51;
	v48 =	vmul.f32 v39, v5;
	v26 =	vadd.f32 v61, v26;
	v51 =	vld [tilespmem:s30+$0x5030];
	v16 =	vadd.f32 v46, v20  }
0x202: {  	[tilespmem:s9+$0x16000] =	vst v13;
	v50 =	vmul.f32 v29, v28;
	v55 =	vld [tilespmem:s30+$0xD030];
	v20 =	vadd.f32 v59, v58;
	v15 =	vadd.f32 v19, v15  }
0x203: {  	[tilespmem:s9+$0x15000] =	vst v18;
	v54 =	vmul.f32 v28, v6;
	v61 =	vld [tilespmem:s30+$0xD040];
	v52 =	vadd.f32 v48, v26;
	v16 =	vadd.f32 v63, v16  }
0x204: {  	[tilespmem:s15+$0x15040] =	vst v57;
	v46 =	vld [tilespmem:$0x1FFF0];
	v20 =	vadd.f32 v42, v20;
	v56 =	vmul.f32 v56, v41;
	v57 =	vmul.f32 v62, v35  }
0x205: {  	s10 =	sshll.u32 s10, $0x4;
	v58 =	vld [tilespmem:s30+$0x5040];
	[tilespmem:s15+$0x16040] =	vst v60;
	v19 =	vadd.f32 v54, v52;
	v59 =	vmul.f32 v41, v3;
	v60 =	vmul.f32 v35, v4  }
0x206: {  	[tilespmem:s10+$0x15000] =	vst v8;
	v36 =	vld [tilespmem:s30+$0x5050];
	v54 =	vmul.f32 v25, v53;
	v63 =	vmul.f32 v49, v45;
	v21 =	vadd.f32 v57, v56  }
0x207: {  	[tilespmem:s10+$0x16000] =	vst v9;
	v62 =	vmul.f32 v40, v32;
	v39 =	vmul.f32 v45, v44;
	v40 =	vld [tilespmem:s30+$0xD050];
	v24 =	vadd.f32 v60, v59  }
0x208: {  	[tilespmem:s15+$0x16020] =	vst v43;
	v43 =	vld [tilespmem:s30+$0x5060];
	v20 =	vadd.f32 v50, v20;
	v42 =	vmul.f32 v55, v51;
	v41 =	vadd.f32 v63, v21  }
0x209: {  	s12 =	sshll.u32 s12, $0x4;
	v48 =	vld [tilespmem:s30+$0xD060];
	v47 =	vmul.f32 v51, v5;
	v49 =	vmul.f32 v23, v25;
	[tilespmem:s15+$0x16050] =	vst v46;
	v46 =	vadd.f32 v39, v24  }
0x20a: {  	[tilespmem:s12+$0x15000] =	vst v12;
	v52 =	vld [tilespmem:s30+$0xD070];
	v45 =	vadd.f32 v37, v19;
	v50 =	vmul.f32 v61, v58;
	v18 =	vadd.f32 v42, v41  }
0x20b: {  	s13 =	sshll.u32 s13, $0x4;
	[tilespmem:s12+$0x16000] =	vst v11;
	v51 =	vld [tilespmem:s30+$0x5070];
	v55 =	vmul.f32 v58, v6;
	v58 =	vmul.f32 v36, v7;
	v13 =	vadd.f32 v47, v46  }
0x20c: {  	[tilespmem:s13+$0x15000] =	vst v10;
	v8 =	vadd.f32 v62, v20;
	v57 =	vmul.f32 v40, v36;
	v56 =	vadd.f32 v50, v18  }
0x20d: {  	[tilespmem:s13+$0x16000] =	vst v14;
	s15 =	sshll.u32 s19, $0x4;
	v61 =	vmul.f32 v27, v2;
	v59 =	vmul.f32 v38, v27;
	v13 =	vadd.f32 v55, v13  }
0x20e: {  	[tilespmem:s15+$0x15000] =	vst v17;
	v60 =	vmul.f32 v48, v43;
	v8 =	vadd.f32 v49, v8;
	v10 =	vadd.f32 v57, v56  }
0x20f: {  	s19 =	sshll.u32 s17, $0x4;
	[tilespmem:s15+$0x16000] =	vst v0;
	v62 =	vmul.f32 v43, v53;
	v9 =	vadd.f32 v54, v45;
	v0 =	vadd.f32 v58, v13  }
0x210: {  	p2 =	slt.u32 s22, $0x70;
	[tilespmem:s19+$0x15000] =	vst v16;
	v11 =	vmul.f32 v52, v51;
	v8 =	vadd.f32 v59, v8;
	v10 =	vadd.f32 v60, v10  }
.Ltmp3:
0x211: {  	s28 =	sshll.u32 s28, $0x4;
	[tilespmem:s19+$0x16000] =	vst v15;
	v9 =	vadd.f32 v61, v9;
	v63 =	vmul.f32 v51, v2;
	v0 =	vadd.f32 v62, v0;
	(pc) =	sbr.rel @p2 .LBB2_9-.Ltmp3, $4  }
0x212: {  	[tilespmem:s28+$0x15000] =	vst v8;
	v8 =	vadd.f32 v11, v10  }
0x213: {  	s29 =	sshll.u32 s29, $0x4;
	[tilespmem:s28+$0x16000] =	vst v9;
	v0 =	vadd.f32 v63, v0  }
0x214: {  	s30 =	sadd.s32 $0x10, s22;
	[tilespmem:s29+$0x15000] =	vst v8  }
0x215: {  	s22 =	smov.u32 s30;
	[tilespmem:s29+$0x16000] =	vst v0  }
0x216: {  	s9 =	sshll.u32 s31, $0xC  }
0x217: {  	s9 =	sadd.s32 s11, s9  }
0x218: {  	s9 =	sshrl.u32 s9, $0x3  }
0x219: {  	s10 =	sadd.s32 s6, s9  }
0x21a: {  	[hbm4b:s10+s5] =	stream.linear.scatter [tilespmem:s20], [sflag:$0x4], $0x800, $0x38;
	[tilespmem:$0x18970] =	vst v63  }
0x21b: {  	p2 =	seq.s32 s31, $0x13;
	s9 =	sadd.s32 s7, s9  }
0x21c: {  	[hbm4b:s9+s5] =	stream.linear.scatter [tilespmem:s23], [sflag:$0x4], $0x800, $0x38;
	[tilespmem:$0x18970] =	vst v63  }
0x21d: {  	s12 =	simm.s32 @!p2 $0x5000;
	s10 =	simm.s32 @!p2 $0x80;
	s9 =	sadd.s32 @!p2 $0x2900, s21  }
0x21e: {  	[tilespmem:s12], [sflag:$0x2] =	stream.indirect.gather @!p2 [hbm4b:s0+s10], $0x80, s9, s10, $0xb8;
	[tilespmem:$0x18970] =	vst v63  }
0x21f: {  	s9 =	sadd.s32 @!p2 $0x3D00, s21;
	s12 =	simm.s32 @!p2 $0xD000  }
0x220: {  	[tilespmem:s12], [sflag:$0x2] =	stream.indirect.gather @!p2 [hbm4b:s0+s10], $0x80, s9, s10, $0xb8;
	[tilespmem:$0x18970] =	vst v63  }
0x221: {  	_ =	swait.ge [sflag:s24], $0x4000  }
0x222: {  	[sflag:s24] =	ssyncset.done $0x0  }
0x223: {  	[sflag:s24] =	ssyncadd.s32 $0xFFFFC000  }
0x224: {  	_ =	swait.ge [sflag:s24], $0x4000  }
0x225: {  	[sflag:s24] =	ssyncset.done $0x0  }
0x226: {  	s9 =	simm.s32 @!p1 $0x5;
	[sflag:s24] =	ssyncadd.s32 $0xFFFFC000  }
0x227: {  	_ =	swait.ge @!p1 [sflag:s9], $0x800  }
0x228: {  	[sflag:s9] =	ssyncset.done @!p1 $0x0  }
0x229: {  	[sflag:s9] =	ssyncadd.s32 @!p1 $0xFFFFF800  }
0x22a: {  	_ =	swait.ge @!p1 [sflag:s9], $0x800  }
0x22b: {  	[sflag:s9] =	ssyncset.done @!p1 $0x0  }
0x22c: {  	v58 =	vmov v2;
	v63 =	vmov v3;
	v61 =	vmov v4;
	s21 =	simm.s32 $0x0;
	[sflag:s9] =	ssyncadd.s32 @!p1 $0xFFFFF800  }
.LBB2_11:
0x22d: {  	s10 =	sshll.u32 s21, $0x7  }
0x22e: {  	v55 =	vld [tilespmem:s10+$0x9270];
	_ =	sdelay $0x4  }
0x22f: {  	[tilespmem:$0x1F770] =	vst v55;
	v55 =	vld [tilespmem:s10+$0x11280];
	_ =	sdelay $0x4  }
0x230: {  	[tilespmem:$0x1F730] =	vst v55;
	v55 =	vld [tilespmem:s10+$0x11290];
	_ =	sdelay $0x4  }
0x231: {  	[tilespmem:$0x1F740] =	vst v55;
	v55 =	vld [tilespmem:s10+$0x92A0];
	_ =	sdelay $0x4  }
0x232: {  	[tilespmem:$0x1F750] =	vst v55;
	v55 =	vld [tilespmem:s10+$0x112A0];
	_ =	sdelay $0x4  }
0x233: {  	[tilespmem:$0x1F760] =	vst v55;
	v55 =	vld [tilespmem:s10+$0x92B0];
	_ =	sdelay $0x4  }
0x234: {  	[tilespmem:$0x1F790] =	vst v55;
	v55 =	vld [tilespmem:s10+$0x112B0];
	_ =	sdelay $0x4  }
0x235: {  	[tilespmem:$0x1F7A0] =	vst v55;
	v55 =	vld [tilespmem:s10+$0x92C0];
	_ =	sdelay $0x4  }
0x236: {  	[tilespmem:$0x1F7B0] =	vst v55;
	v55 =	vld [tilespmem:s10+$0x112C0];
	_ =	sdelay $0x4  }
0x237: {  	[tilespmem:$0x1F7C0] =	vst v55;
	v55 =	vld [tilespmem:s10+$0x92D0];
	_ =	sdelay $0x4  }
0x238: {  	[tilespmem:$0x1F7D0] =	vst v55;
	v55 =	vld [tilespmem:s10+$0x112D0];
	_ =	sdelay $0x4  }
0x239: {  	[tilespmem:$0x1F7E0] =	vst v55;
	v55 =	vld [tilespmem:s10+$0x92E0];
	_ =	sdelay $0x4  }
0x23a: {  	[tilespmem:$0x1F7F0] =	vst v55;
	v55 =	vld [tilespmem:s10+$0x112E0];
	_ =	sdelay $0x3  }
0x23b: {  	v41 =	vld [tilespmem:s10+$0x9000]  }
0x23c: {  	[tilespmem:$0x1F800] =	vst v55;
	v55 =	vld [tilespmem:s10+$0x92F0]  }
0x23d: {  	v62 =	vld [tilespmem:s10+$0x11000]  }
0x23e: {  	v37 =	vld [tilespmem:s10+$0x9010]  }
0x23f: {  	v12 =	vld [tilespmem:s10+$0x11010]  }
0x240: {  	v57 =	vld [tilespmem:s10+$0x9020]  }
0x241: {  	[tilespmem:$0x1F870] =	vst v55;
	v55 =	vld [tilespmem:s10+$0x112F0]  }
0x242: {  	v14 =	vld [tilespmem:s10+$0x11020]  }
0x243: {  	v59 =	vld [tilespmem:s10+$0x9030]  }
0x244: {  	v19 =	vld [tilespmem:s10+$0x11030]  }
0x245: {  	v60 =	vmov v53;
	v53 =	vld [tilespmem:s10+$0x9040]  }
0x246: {  	[tilespmem:$0x1F880] =	vst v55;
	v55 =	vld [tilespmem:s10+$0x9300]  }
0x247: {  	v20 =	vld [tilespmem:s10+$0x11040]  }
0x248: {  	v1 =	vld [tilespmem:s10+$0x9050]  }
0x249: {  	v22 =	vld [tilespmem:s10+$0x11050]  }
0x24a: {  	v2 =	vld [tilespmem:s10+$0x9060]  }
0x24b: {  	[tilespmem:$0x1F810] =	vst v55;
	v55 =	vld [tilespmem:s10+$0x11300]  }
0x24c: {  	v24 =	vld [tilespmem:s10+$0x11060]  }
0x24d: {  	v47 =	vld [tilespmem:s10+$0x9070]  }
0x24e: {  	v39 =	vld [tilespmem:s10+$0x11070]  }
0x24f: {  	v3 =	vld [tilespmem:s10+$0x9080]  }
0x250: {  	[tilespmem:$0x1F820] =	vst v55;
	v55 =	vld [tilespmem:s10+$0x9310]  }
0x251: {  	v25 =	vld [tilespmem:s10+$0x11080]  }
0x252: {  	v4 =	vld [tilespmem:s10+$0x9090]  }
0x253: {  	v23 =	vld [tilespmem:s10+$0x11090]  }
0x254: {  	v54 =	vmovc v7;
	v7 =	vmov v6;
	v6 =	vmov v5;
	v5 =	vmov v44;
	v44 =	vld [tilespmem:s10+$0x90A0]  }
0x255: {  	[tilespmem:$0x1F830] =	vst v55;
	v55 =	vld [tilespmem:s10+$0x11310]  }
0x256: {  	v29 =	vld [tilespmem:s10+$0x110A0]  }
0x257: {  	v33 =	vld [tilespmem:s10+$0x90B0]  }
0x258: {  	v32 =	vld [tilespmem:s10+$0x110B0]  }
0x259: {  	v0 =	vld [tilespmem:s10+$0x90C0]  }
0x25a: {  	v62 =	vmul.f32 v62, v41;
	v12 =	vmul.f32 v12, v37;
	[tilespmem:$0x1F840] =	vst v55;
	v55 =	vld [tilespmem:s10+$0x9320]  }
0x25b: {  	v34 =	vld [tilespmem:s10+$0x110C0]  }
0x25c: {  	v41 =	vmul.f32 v41, v63;
	v37 =	vmul.f32 v37, v61;
	v12 =	vadd.f32 v12, v62;
	v62 =	vld [tilespmem:s10+$0x9330]  }
0x25d: {  	v8 =	vld [tilespmem:s10+$0x90D0]  }
0x25e: {  	v14 =	vmul.f32 v14, v57;
	v37 =	vadd.f32 v37, v41;
	v41 =	vmul.f32 v57, v5;
	v57 =	vld [tilespmem:s10+$0x11330]  }
0x25f: {  	[tilespmem:$0x1F850] =	vst v55;
	v55 =	vld [tilespmem:s10+$0x11320]  }
0x260: {  	v48 =	vld [tilespmem:s10+$0x110D0]  }
0x261: {  	[tilespmem:$0x1F890] =	vst v62;
	v62 =	vld [tilespmem:s10+$0x9340]  }
0x262: {  	v43 =	vld [tilespmem:s10+$0x90E0]  }
0x263: {  	v9 =	vld [tilespmem:s10+$0x110E0];
	[tilespmem:$0x1F8A0] =	vst v57  }
0x264: {  	v38 =	vld [tilespmem:s10+$0x90F0];
	v57 =	vmul.f32 v59, v6;
	[tilespmem:$0x1F860] =	vst v55;
	v55 =	vadd.f32 v41, v37  }
0x265: {  	v31 =	vld [tilespmem:s10+$0x110F0];
	v12 =	vadd.f32 v14, v12;
	v14 =	vmul.f32 v19, v59  }
0x266: {  	v59 =	vld [tilespmem:s10+$0x11340];
	[tilespmem:$0x1F8B0] =	vst v62;
	v62 =	vmul.f32 v20, v53;
	v19 =	vadd.f32 v57, v55;
	v55 =	vmul.f32 v53, v7  }
0x267: {  	v51 =	vld [tilespmem:s10+$0x9100];
	v53 =	vmul.f32 v25, v3;
	v3 =	vmul.f32 v3, v63  }
0x268: {  	v35 =	vld [tilespmem:s10+$0x11100];
	v19 =	vadd.f32 v55, v19;
	v55 =	vmul.f32 v23, v4;
	v4 =	vmul.f32 v4, v61  }
0x269: {  	v12 =	vadd.f32 v14, v12;
	v57 =	vld [tilespmem:s10+$0x11350]  }
0x26a: {  	v23 =	vadd.f32 v4, v3;
	v4 =	vld [tilespmem:s10+$0x11380]  }
0x26b: {  	v10 =	vld [tilespmem:s10+$0x11110];
	[tilespmem:$0x1F8C0] =	vst v59;
	v59 =	vmul.f32 v22, v1;
	v12 =	vadd.f32 v62, v12  }
0x26c: {  	v11 =	vld [tilespmem:s10+$0x11120];
	v1 =	vmul.f32 v1, v54  }
0x26d: {  	v13 =	vld [tilespmem:s10+$0x11130];
	v22 =	vmul.f32 v29, v44;
	v12 =	vadd.f32 v59, v12;
	v14 =	vadd.f32 v55, v53  }
0x26e: {  	v15 =	vld [tilespmem:s10+$0x11140];
	v37 =	vmul.f32 v24, v2;
	v2 =	vmul.f32 v2, v60;
	v1 =	vadd.f32 v1, v19;
	[tilespmem:$0x1F8E0] =	vst v57  }
0x26f: {  	v25 =	vmul.f32 v32, v33;
	v3 =	vmul.f32 v44, v5;
	v57 =	vld [tilespmem:s10+$0x9370];
	[tilespmem:$0x1F900] =	vst v4;
	v4 =	vadd.f32 v22, v14  }
0x270: {  	v18 =	vld [tilespmem:s10+$0x9150];
	v12 =	vadd.f32 v37, v12;
	v37 =	vmul.f32 v34, v0;
	v1 =	vadd.f32 v2, v1  }
0x271: {  	v36 =	vld [tilespmem:s10+$0x11150];
	[tilespmem:$0x1F5A0] =	vst v9;
	v2 =	vadd.f32 v3, v23;
	v3 =	vmul.f32 v47, v58;
	v4 =	vadd.f32 v25, v4  }
0x272: {  	v9 =	vld [tilespmem:s10+$0x9110];
	[tilespmem:$0x1F5C0] =	vst v10  }
0x273: {  	[tilespmem:$0x1F5B0] =	vst v35;
	v20 =	vld [tilespmem:$0x1F5C0];
	v1 =	vadd.f32 v3, v1;
	v3 =	vadd.f32 v37, v4;
	v4 =	vmul.f32 v48, v8  }
0x274: {  	[tilespmem:$0x1F920] =	vst v57;
	v57 =	vld [tilespmem:$0x1F5A0]  }
0x275: {  	v3 =	vadd.f32 v4, v3;
	v4 =	vld [tilespmem:$0x1F5B0]  }
0x276: {  	v16 =	vld [tilespmem:s10+$0x11160]  }
0x277: {  	v26 =	vld [tilespmem:s10+$0x9170]  }
0x278: {  	v40 =	vld [tilespmem:s10+$0x11170];
	v29 =	vmul.f32 v33, v6  }
0x279: {  	v17 =	vld [tilespmem:s10+$0x9180];
	v24 =	vmul.f32 v39, v47;
	v14 =	vmul.f32 v20, v9  }
0x27a: {  	v42 =	vld [tilespmem:s10+$0x11180];
	v39 =	vadd.f32 v29, v2;
	v2 =	vmul.f32 v57, v43;
	v4 =	vmul.f32 v4, v51  }
0x27b: {  	v10 =	vld [tilespmem:s10+$0x9120];
	[tilespmem:$0x1F5D0] =	vst v11  }
0x27c: {  	v2 =	vadd.f32 v2, v3;
	v3 =	vadd.f32 v14, v4;
	v4 =	vld [tilespmem:$0x1F5D0]  }
0x27d: {  	v11 =	vld [tilespmem:s10+$0x9130];
	[tilespmem:$0x1F5F0] =	vst v13  }
0x27e: {  	v25 =	vld [tilespmem:$0x1F5F0]  }
0x27f: {  	v21 =	vld [tilespmem:s10+$0x11190]  }
0x280: {  	v52 =	vld [tilespmem:s10+$0x91A0]  }
0x281: {  	v45 =	vld [tilespmem:s10+$0x111A0];
	v4 =	vmul.f32 v4, v10  }
0x282: {  	[tilespmem:$0x1F5E0] =	vst v31;
	v13 =	vld [tilespmem:s10+$0x9140]  }
0x283: {  	v23 =	vmul.f32 v10, v5;
	v10 =	vmul.f32 v25, v11;
	v3 =	vadd.f32 v4, v3;
	v4 =	vld [tilespmem:$0x1F5E0]  }
0x284: {  	[tilespmem:$0x1F600] =	vst v15;
	v59 =	vld [tilespmem:s10+$0x11370];
	v44 =	vmul.f32 v0, v7  }
0x285: {  	v34 =	vadd.f32 v10, v3;
	v3 =	vld [tilespmem:$0x1F600]  }
0x286: {  	v27 =	vld [tilespmem:s10+$0x111B0];
	[tilespmem:$0x1FA10] =	vst v1;
	v1 =	vadd.f32 v44, v39;
	v8 =	vmul.f32 v8, v54  }
0x287: {  	v46 =	vld [tilespmem:s10+$0x111C0];
	v9 =	vmul.f32 v9, v61  }
0x288: {  	v28 =	vld [tilespmem:s10+$0x111D0];
	v1 =	vadd.f32 v8, v1;
	v8 =	vmul.f32 v51, v63;
	v4 =	vmul.f32 v4, v38  }
0x289: {  	v30 =	vld [tilespmem:s10+$0x111E0];
	[tilespmem:$0x1F930] =	vst v59;
	v59 =	vmul.f32 v43, v60  }
0x28a: {  	v49 =	vld [tilespmem:s10+$0x111F0];
	v8 =	vadd.f32 v9, v8;
	v2 =	vadd.f32 v4, v2;
	v3 =	vmul.f32 v3, v13  }
0x28b: {  	v50 =	vld [tilespmem:s10+$0x11220];
	[tilespmem:$0x1F610] =	vst v36;
	v29 =	vmul.f32 v38, v58;
	v1 =	vadd.f32 v59, v1  }
0x28c: {  	v8 =	vadd.f32 v23, v8;
	v11 =	vmul.f32 v11, v6;
	[tilespmem:$0x1FA20] =	vst v2;
	v2 =	vadd.f32 v3, v34;
	v3 =	vld [tilespmem:$0x1F610]  }
0x28d: {  	v56 =	vld [tilespmem:s10+$0x11270]  }
0x28e: {  	v15 =	vld [tilespmem:s10+$0x9160];
	v1 =	vadd.f32 v29, v1;
	v37 =	vadd.f32 v11, v8;
	v4 =	vmul.f32 v13, v7  }
0x28f: {  	[tilespmem:$0x1F620] =	vst v16;
	v16 =	vld [tilespmem:s10+$0x9190]  }
0x290: {  	[tilespmem:$0x1FA30] =	vst v1;
	v1 =	vadd.f32 v4, v37;
	v4 =	vld [tilespmem:$0x1F620]  }
0x291: {  	[tilespmem:$0x1F640] =	vst v21;
	v55 =	vld [tilespmem:s10+$0x113A0];
	v3 =	vmul.f32 v3, v18  }
0x292: {  	[tilespmem:$0x1F630] =	vst v42;
	v48 =	vld [tilespmem:$0x1F640]  }
0x293: {  	v2 =	vadd.f32 v3, v2;
	v3 =	vld [tilespmem:$0x1F630]  }
0x294: {  	[tilespmem:$0x1F660] =	vst v40;
	v8 =	vld [tilespmem:s10+$0x113F0]  }
0x295: {  	[tilespmem:$0x1F650] =	vst v45;
	v39 =	vmul.f32 v15, v60;
	v4 =	vmul.f32 v4, v15;
	v15 =	vld [tilespmem:$0x1F660]  }
0x296: {  	v21 =	vld [tilespmem:s10+$0x91B0];
	[tilespmem:$0x1F670] =	vst v27  }
0x297: {  	v36 =	vld [tilespmem:s10+$0x91C0];
	[tilespmem:$0x1F690] =	vst v28  }
0x298: {  	v27 =	vld [tilespmem:s10+$0x91D0];
	[tilespmem:$0x1F910] =	vst v55;
	v10 =	vmul.f32 v48, v16;
	v3 =	vmul.f32 v3, v17  }
0x299: {  	v28 =	vld [tilespmem:s10+$0x91E0];
	v55 =	vmul.f32 v16, v61;
	[tilespmem:$0x1F990] =	vst v8;
	v8 =	vmul.f32 v18, v54  }
0x29a: {  	v4 =	vadd.f32 v4, v2;
	v16 =	vmul.f32 v15, v26;
	v59 =	vadd.f32 v10, v3;
	v3 =	vld [tilespmem:$0x1F650]  }
0x29b: {  	v19 =	vld [tilespmem:s10+$0x113B0]  }
0x29c: {  	v1 =	vadd.f32 v8, v1;
	v8 =	vmul.f32 v17, v63;
	v17 =	vld [tilespmem:$0x1F670];
	v4 =	vadd.f32 v16, v4  }
0x29d: {  	[tilespmem:$0x1F680] =	vst v46;
	v22 =	vld [tilespmem:s10+$0x113C0]  }
0x29e: {  	[tilespmem:$0x1FA40] =	vst v4;
	v4 =	vld [tilespmem:$0x1F680]  }
0x29f: {  	v42 =	vld [tilespmem:s10+$0x91F0];
	v3 =	vmul.f32 v3, v52  }
0x2a0: {  	[tilespmem:$0x1F6A0] =	vst v30;
	v30 =	vld [tilespmem:s10+$0x9200];
	v14 =	vmul.f32 v52, v5;
	v8 =	vadd.f32 v55, v8  }
0x2a1: {  	v31 =	vld [tilespmem:s10+$0x11200];
	[tilespmem:$0x1F940] =	vst v19;
	v20 =	vmul.f32 v26, v58;
	v19 =	vmul.f32 v17, v21;
	v3 =	vadd.f32 v3, v59  }
0x2a2: {  	v35 =	vld [tilespmem:s10+$0x11210];
	[tilespmem:$0x1F950] =	vst v22;
	v22 =	vmul.f32 v21, v6;
	v1 =	vadd.f32 v39, v1;
	v8 =	vadd.f32 v14, v8  }
0x2a3: {  	v46 =	vld [tilespmem:s10+$0x9220];
	v4 =	vmul.f32 v4, v36;
	v3 =	vadd.f32 v19, v3  }
0x2a4: {  	v40 =	vld [tilespmem:s10+$0x11230];
	v1 =	vadd.f32 v20, v1;
	v23 =	vadd.f32 v22, v8;
	v8 =	vmul.f32 v36, v7  }
0x2a5: {  	v3 =	vadd.f32 v4, v3;
	v4 =	vld [tilespmem:$0x1F690]  }
0x2a6: {  	[tilespmem:$0x1FA50] =	vst v1;
	v1 =	vadd.f32 v8, v23;
	v8 =	vld [tilespmem:$0x1F6A0]  }
0x2a7: {  	s9 =	sor.u32 $0x8, s21;
	v45 =	vld [tilespmem:s10+$0x11240]  }
0x2a8: {  	s12 =	sshll.u32 s9, $0x7;
	[tilespmem:$0x1F6B0] =	vst v31;
	v31 =	vld [tilespmem:s10+$0x9210]  }
0x2a9: {  	v44 =	vld [tilespmem:s12+$0x11000]  }
0x2aa: {  	[tilespmem:$0x1F6C0] =	vst v35;
	v33 =	vld [tilespmem:s10+$0x113E0];
	v4 =	vmul.f32 v4, v27  }
0x2ab: {  	v26 =	vmul.f32 v27, v54;
	v27 =	vmul.f32 v8, v28;
	v8 =	vld [tilespmem:$0x1F6C0]  }
0x2ac: {  	[tilespmem:$0x1F6E0] =	vst v49;
	v3 =	vadd.f32 v4, v3;
	v4 =	vld [tilespmem:$0x1F6B0]  }
0x2ad: {  	[tilespmem:$0x1F6D0] =	vst v50;
	v49 =	vld [tilespmem:s10+$0x11250]  }
0x2ae: {  	[tilespmem:$0x1F980] =	vst v44;
	v44 =	vld [tilespmem:$0x1F6D0]  }
0x2af: {  	v50 =	vld [tilespmem:s10+$0x11260]  }
0x2b0: {  	[tilespmem:$0x1F6F0] =	vst v40;
	v20 =	vld [tilespmem:$0x1F6E0]  }
0x2b1: {  	v35 =	vld [tilespmem:s10+$0x9230];
	[tilespmem:$0x1F970] =	vst v33;
	v33 =	vmul.f32 v8, v31;
	v4 =	vmul.f32 v4, v30  }
0x2b2: {  	v21 =	vld [tilespmem:$0x1F6F0]  }
0x2b3: {  	[tilespmem:$0x1F780] =	vst v56;
	v56 =	vld [tilespmem:s10+$0x9280];
	v14 =	vmul.f32 v44, v46;
	v4 =	vadd.f32 v33, v4  }
0x2b4: {  	v40 =	vld [tilespmem:s10+$0x9240]  }
0x2b5: {  	[tilespmem:$0x1F700] =	vst v45;
	v45 =	vld [tilespmem:s10+$0x9250];
	v3 =	vadd.f32 v27, v3;
	v4 =	vadd.f32 v14, v4;
	v14 =	vmul.f32 v20, v42  }
0x2b6: {  	[tilespmem:$0x1F710] =	vst v49;
	v49 =	vld [tilespmem:s10+$0x9260]  }
0x2b7: {  	[tilespmem:$0x1F720] =	vst v50;
	v50 =	vld [tilespmem:s10+$0x9290];
	v16 =	vmul.f32 v21, v35;
	v3 =	vadd.f32 v14, v3  }
0x2b8: {  	v41 =	vld [tilespmem:s10+$0x9350]  }
0x2b9: {  	[tilespmem:$0x1FA60] =	vst v3;
	v3 =	vadd.f32 v16, v4;
	v4 =	vld [tilespmem:$0x1F700]  }
0x2ba: {  	v62 =	vld [tilespmem:s10+$0x9360]  }
0x2bb: {  	v32 =	vld [tilespmem:s10+$0x11390]  }
0x2bc: {  	v12 =	vadd.f32 v24, v12;
	v24 =	vld [tilespmem:s10+$0x113D0]  }
0x2bd: {  	[tilespmem:$0x1F8D0] =	vst v41;
	v41 =	vld [tilespmem:s10+$0x11360]  }
0x2be: {  	v53 =	vld [tilespmem:s10+$0x9390];
	v4 =	vmul.f32 v4, v40  }
0x2bf: {  	v0 =	vld [tilespmem:s10+$0x93B0]  }
0x2c0: {  	v3 =	vadd.f32 v4, v3;
	v4 =	vld [tilespmem:$0x1F710]  }
0x2c1: {  	[tilespmem:$0x1FA00] =	vst v12;
	v12 =	vld [tilespmem:s12+$0x9010]  }
0x2c2: {  	v47 =	vld [tilespmem:s10+$0x93A0]  }
0x2c3: {  	[tilespmem:$0x1F960] =	vst v24;
	v24 =	vld [tilespmem:s12+$0x11040]  }
0x2c4: {  	[tilespmem:$0x1F8F0] =	vst v41;
	v41 =	vld [tilespmem:s10+$0x9380];
	v29 =	vmul.f32 v28, v60;
	v34 =	vmul.f32 v30, v63  }
0x2c5: {  	v37 =	vmul.f32 v31, v61;
	v28 =	vld [tilespmem:$0x1F720];
	v4 =	vmul.f32 v4, v45  }
0x2c6: {  	v30 =	vld [tilespmem:$0x1F740]  }
0x2c7: {  	v48 =	vmul.f32 v46, v5;
	v10 =	vadd.f32 v37, v34;
	v3 =	vadd.f32 v4, v3;
	v4 =	vld [tilespmem:$0x1F730]  }
0x2c8: {  	v44 =	vld [tilespmem:$0x1F760];
	v1 =	vadd.f32 v26, v1  }
0x2c9: {  	v23 =	vmul.f32 v35, v6;
	v26 =	vmul.f32 v40, v7;
	v10 =	vadd.f32 v48, v10;
	v40 =	vld [tilespmem:$0x1F750]  }
0x2ca: {  	v1 =	vadd.f32 v29, v1;
	v29 =	vmul.f32 v49, v60;
	v48 =	vld [tilespmem:$0x1F770]  }
0x2cb: {  	[tilespmem:$0x1F9A0] =	vst v24;
	v24 =	vadd.f32 v23, v10;
	v35 =	vmul.f32 v50, v61;
	v10 =	vmul.f32 v28, v49;
	v49 =	vld [tilespmem:$0x1F780]  }
0x2cc: {  	v20 =	vmul.f32 v30, v50;
	v50 =	vld [tilespmem:$0x1F790];
	v4 =	vmul.f32 v4, v56  }
0x2cd: {  	v33 =	vmul.f32 v56, v63;
	v56 =	vld [tilespmem:$0x1F7A0]  }
0x2ce: {  	v43 =	vld [tilespmem:s10+$0x93C0];
	v3 =	vadd.f32 v10, v3;
	v10 =	vmul.f32 v44, v40;
	v4 =	vadd.f32 v20, v4  }
0x2cf: {  	v57 =	vld [tilespmem:s12+$0x11010]  }
0x2d0: {  	v9 =	vld [tilespmem:s12+$0x9050];
	v4 =	vadd.f32 v10, v4;
	v10 =	vmul.f32 v49, v48  }
0x2d1: {  	v51 =	vld [tilespmem:s10+$0x93D0]  }
0x2d2: {  	v39 =	vld [tilespmem:s12+$0x11060];
	v21 =	vmul.f32 v56, v50;
	v3 =	vadd.f32 v10, v3  }
0x2d3: {  	v28 =	vld [tilespmem:$0x1F7B0]  }
0x2d4: {  	[tilespmem:$0x1FA80] =	vst v3;
	v3 =	vadd.f32 v21, v4;
	v4 =	vld [tilespmem:$0x1F7C0]  }
0x2d5: {  	v25 =	vld [tilespmem:s10+$0x93E0]  }
0x2d6: {  	v38 =	vld [tilespmem:s10+$0x93F0];
	s10 =	sor.u32 $0x9, s21  }
0x2d7: {  	v11 =	vld [tilespmem:s12+$0x9040];
	s13 =	sshll.u32 s10, $0x7  }
0x2d8: {  	[tilespmem:$0x1F9B0] =	vst v39;
	v39 =	vld [tilespmem:s13+$0x11030]  }
0x2d9: {  	v13 =	vld [tilespmem:s12+$0x9020];
	v4 =	vmul.f32 v4, v28  }
0x2da: {  	v22 =	vmul.f32 v42, v58;
	v30 =	vld [tilespmem:$0x1F7D0]  }
0x2db: {  	v3 =	vadd.f32 v4, v3;
	v4 =	vld [tilespmem:$0x1F7E0]  }
0x2dc: {  	v55 =	vld [tilespmem:s12+$0x11070];
	v1 =	vadd.f32 v22, v1  }
0x2dd: {  	[tilespmem:$0x1F9D0] =	vst v39;
	v39 =	vld [tilespmem:$0x1F800]  }
0x2de: {  	[tilespmem:$0x1FA70] =	vst v1;
	v1 =	vadd.f32 v26, v24;
	v27 =	vmul.f32 v45, v54;
	v14 =	vadd.f32 v35, v33;
	v33 =	vld [tilespmem:$0x1F7F0]  }
0x2df: {  	v44 =	vld [tilespmem:$0x1F810]  }
0x2e0: {  	v1 =	vadd.f32 v27, v1;
	v20 =	vmul.f32 v40, v5;
	v40 =	vld [tilespmem:s13+$0x11070];
	v4 =	vmul.f32 v4, v30  }
0x2e1: {  	v49 =	vld [tilespmem:$0x1F830]  }
0x2e2: {  	v24 =	vmul.f32 v48, v58;
	v1 =	vadd.f32 v29, v1;
	v3 =	vadd.f32 v4, v3;
	v4 =	vld [tilespmem:$0x1F820]  }
0x2e3: {  	v26 =	vmul.f32 v50, v6;
	v14 =	vadd.f32 v20, v14;
	v50 =	vld [tilespmem:$0x1F840]  }
0x2e4: {  	v1 =	vadd.f32 v24, v1;
	v56 =	vld [tilespmem:$0x1F850]  }
0x2e5: {  	v29 =	vadd.f32 v26, v14;
	v10 =	vmul.f32 v28, v7;
	v14 =	vmul.f32 v30, v54;
	v30 =	vld [tilespmem:$0x1F860]  }
0x2e6: {  	v22 =	vmul.f32 v44, v63;
	[tilespmem:$0x1F9F0] =	vst v40;
	v40 =	vld [tilespmem:$0x1F870]  }
0x2e7: {  	[tilespmem:$0x1FA90] =	vst v1;
	v1 =	vadd.f32 v10, v29;
	v10 =	vmul.f32 v39, v33;
	v4 =	vmul.f32 v4, v44;
	v44 =	vld [tilespmem:$0x1F880]  }
0x2e8: {  	v23 =	vmul.f32 v49, v61;
	v21 =	vmul.f32 v50, v49;
	v49 =	vld [tilespmem:$0x1F890]  }
0x2e9: {  	v50 =	vld [tilespmem:$0x1F8A0]  }
0x2ea: {  	v18 =	vld [tilespmem:s12+$0x9000];
	v3 =	vadd.f32 v10, v3;
	v10 =	vmul.f32 v30, v56;
	v4 =	vadd.f32 v21, v4  }
0x2eb: {  	v46 =	vld [tilespmem:s13+$0x11020]  }
0x2ec: {  	v2 =	vld [tilespmem:s12+$0x9030];
	v4 =	vadd.f32 v10, v4;
	v10 =	vmul.f32 v44, v40  }
0x2ed: {  	[tilespmem:$0x1F9C0] =	vst v55;
	v55 =	vld [tilespmem:s13+$0x9050];
	v20 =	vmul.f32 v33, v60  }
0x2ee: {  	v15 =	vld [tilespmem:s13+$0x11010];
	v33 =	vmul.f32 v56, v5;
	v56 =	vmul.f32 v50, v49;
	v3 =	vadd.f32 v10, v3  }
0x2ef: {  	v29 =	vmul.f32 v40, v58;
	v40 =	vld [tilespmem:$0x1F8B0]  }
0x2f0: {  	[tilespmem:$0x1FAA0] =	vst v3;
	v3 =	vadd.f32 v56, v4;
	v4 =	vld [tilespmem:$0x1F8C0]  }
0x2f1: {  	v34 =	vld [tilespmem:s13+$0x9000]  }
0x2f2: {  	v37 =	vld [tilespmem:s13+$0x9040]  }
0x2f3: {  	v17 =	vld [tilespmem:s13+$0x11040]  }
0x2f4: {  	v52 =	vld [tilespmem:s12+$0x11020]  }
0x2f5: {  	v36 =	vld [tilespmem:s12+$0x11050];
	v4 =	vmul.f32 v4, v40  }
0x2f6: {  	v30 =	vmul.f32 v49, v6;
	v49 =	vld [tilespmem:$0x1F8D0]  }
0x2f7: {  	v1 =	vadd.f32 v14, v1;
	v3 =	vadd.f32 v4, v3;
	v4 =	vld [tilespmem:$0x1F8E0]  }
0x2f8: {  	v59 =	vld [tilespmem:s12+$0x11030];
	v21 =	vadd.f32 v23, v22  }
0x2f9: {  	v1 =	vadd.f32 v20, v1;
	v50 =	vld [tilespmem:$0x1F8F0]  }
0x2fa: {  	v19 =	vld [tilespmem:s12+$0x9070];
	v33 =	vadd.f32 v33, v21  }
0x2fb: {  	v8 =	vld [tilespmem:s12+$0x9060];
	v1 =	vadd.f32 v29, v1  }
0x2fc: {  	v31 =	vld [tilespmem:s13+$0x11000];
	v44 =	vadd.f32 v30, v33;
	v10 =	vmul.f32 v40, v7;
	v4 =	vmul.f32 v4, v49  }
0x2fd: {  	v32 =	vmul.f32 v32, v53;
	v27 =	vld [tilespmem:s13+$0x11050];
	v26 =	vmul.f32 v49, v54  }
0x2fe: {  	[tilespmem:$0x1FAB0] =	vst v1;
	v56 =	vmul.f32 v50, v62;
	v1 =	vadd.f32 v10, v44;
	v3 =	vadd.f32 v4, v3;
	v4 =	vld [tilespmem:$0x1F900]  }
0x2ff: {  	v53 =	vmul.f32 v53, v61;
	v24 =	vld [tilespmem:s13+$0x9070];
	v50 =	vmul.f32 v41, v63  }
0x300: {  	v1 =	vadd.f32 v26, v1;
	v49 =	vmul.f32 v62, v60;
	v3 =	vadd.f32 v56, v3;
	v56 =	vld [tilespmem:$0x1F910]  }
0x301: {  	v62 =	vadd.f32 v53, v50;
	v50 =	vld [tilespmem:$0x1F930]  }
0x302: {  	v44 =	vadd.f32 v49, v1;
	v49 =	vld [tilespmem:$0x1F920]  }
0x303: {  	s12 =	sor.u32 $0xA, s21;
	v42 =	vld [tilespmem:s13+$0x9030];
	v4 =	vmul.f32 v4, v41  }
0x304: {  	s15 =	sshll.u32 s12, $0x7;
	v53 =	vld [tilespmem:$0x1F940]  }
0x305: {  	[tilespmem:$0x1F9E0] =	vst v27;
	v27 =	vld [tilespmem:s15+$0x9050];
	v4 =	vadd.f32 v32, v4;
	v29 =	vmul.f32 v56, v47  }
0x306: {  	v35 =	vld [tilespmem:s13+$0x11060]  }
0x307: {  	v4 =	vadd.f32 v29, v4;
	v29 =	vmul.f32 v50, v49;
	v50 =	vld [tilespmem:$0x1F950]  }
0x308: {  	v16 =	vld [tilespmem:s13+$0x9010];
	v47 =	vmul.f32 v47, v5  }
0x309: {  	v45 =	vld [tilespmem:s13+$0x9020];
	v56 =	vmul.f32 v53, v0  }
0x30a: {  	v48 =	vld [tilespmem:s13+$0x9060];
	v0 =	vmul.f32 v0, v6;
	v62 =	vadd.f32 v47, v62  }
0x30b: {  	v39 =	vld [tilespmem:s15+$0x9000];
	v29 =	vadd.f32 v29, v3;
	v3 =	vadd.f32 v56, v4  }
0x30c: {  	v53 =	vadd.f32 v0, v62;
	v4 =	vmul.f32 v50, v43;
	v43 =	vmul.f32 v43, v7;
	v50 =	vld [tilespmem:$0x1F960]  }
0x30d: {  	v14 =	vld [tilespmem:s15+$0x11000]  }
0x30e: {  	[tilespmem:$0x1FAC0] =	vst v29;
	v29 =	vadd.f32 v43, v53;
	v43 =	vld [tilespmem:$0x1F980]  }
0x30f: {  	v20 =	vld [tilespmem:s15+$0x9020]  }
0x310: {  	v28 =	vld [tilespmem:s15+$0x9010]  }
0x311: {  	v23 =	vld [tilespmem:s15+$0x11010];
	v3 =	vadd.f32 v4, v3;
	v4 =	vmul.f32 v50, v51  }
0x312: {  	v22 =	vld [tilespmem:s15+$0x11020];
	v47 =	vmul.f32 v49, v58  }
0x313: {  	v57 =	vmul.f32 v57, v12;
	v53 =	vld [tilespmem:$0x1F970];
	v3 =	vadd.f32 v4, v3;
	v4 =	vmul.f32 v43, v18  }
0x314: {  	v21 =	vld [tilespmem:s15+$0x9030];
	v47 =	vadd.f32 v47, v44;
	v44 =	vmul.f32 v51, v54  }
0x315: {  	v4 =	vadd.f32 v57, v4;
	v57 =	vld [tilespmem:$0x1F990]  }
0x316: {  	v30 =	vld [tilespmem:s15+$0x9040];
	v29 =	vadd.f32 v44, v29;
	v50 =	vmul.f32 v25, v60  }
0x317: {  	v33 =	vld [tilespmem:s15+$0x11050];
	v44 =	vmul.f32 v12, v61;
	v18 =	vmul.f32 v18, v63  }
0x318: {  	v10 =	vld [tilespmem:s15+$0x11040];
	v51 =	vmul.f32 v53, v25;
	v25 =	vmul.f32 v52, v13;
	v29 =	vadd.f32 v50, v29  }
0x319: {  	s13 =	sor.u32 $0xB, s21;
	v40 =	vld [tilespmem:s15+$0x11030];
	v13 =	vmul.f32 v13, v5;
	v52 =	vmul.f32 v59, v2;
	v18 =	vadd.f32 v44, v18  }
0x31a: {  	s17 =	sshll.u32 s13, $0x7;
	v26 =	vld [tilespmem:s15+$0x9070];
	v3 =	vadd.f32 v51, v3;
	v4 =	vadd.f32 v25, v4;
	v50 =	vmul.f32 v57, v38  }
0x31b: {  	v1 =	vld [tilespmem:s17+$0x11020];
	v57 =	vadd.f32 v13, v18  }
0x31c: {  	v18 =	vadd.f32 v50, v3;
	v3 =	vadd.f32 v52, v4;
	v4 =	vld [tilespmem:$0x1F9A0]  }
0x31d: {  	v41 =	vld [tilespmem:s15+$0x11060]  }
0x31e: {  	v32 =	vld [tilespmem:s15+$0x9060]  }
0x31f: {  	v49 =	vld [tilespmem:s15+$0x11070]  }
0x320: {  	v56 =	vld [tilespmem:s17+$0x9000];
	v2 =	vmul.f32 v2, v6  }
0x321: {  	v52 =	vld [tilespmem:$0x1F9B0];
	v4 =	vmul.f32 v4, v11  }
0x322: {  	v15 =	vmul.f32 v15, v16;
	v62 =	vld [tilespmem:s17+$0x11000];
	v2 =	vadd.f32 v2, v57;
	v11 =	vmul.f32 v11, v7  }
0x323: {  	v16 =	vmul.f32 v16, v61;
	v0 =	vld [tilespmem:s17+$0x9010];
	v3 =	vadd.f32 v4, v3;
	v4 =	vmul.f32 v36, v9  }
0x324: {  	v12 =	vld [tilespmem:s17+$0x9030];
	v25 =	vmul.f32 v38, v58;
	v9 =	vmul.f32 v9, v54;
	v2 =	vadd.f32 v11, v2  }
0x325: {  	v53 =	vld [tilespmem:s17+$0x11010];
	v57 =	vmul.f32 v34, v63;
	v3 =	vadd.f32 v4, v3;
	v4 =	vmul.f32 v31, v34  }
0x326: {  	v43 =	vld [tilespmem:s17+$0x9020];
	v11 =	vmul.f32 v52, v8;
	v8 =	vmul.f32 v8, v60;
	v2 =	vadd.f32 v9, v2  }
0x327: {  	v59 =	vld [tilespmem:s17+$0x11040];
	v13 =	vadd.f32 v25, v29;
	v25 =	vmul.f32 v46, v45;
	v4 =	vadd.f32 v15, v4  }
0x328: {  	v2 =	vadd.f32 v8, v2;
	v8 =	vadd.f32 v16, v57;
	v57 =	vmul.f32 v45, v5;
	v45 =	vld [tilespmem:$0x1F9D0]  }
0x329: {  	v4 =	vadd.f32 v25, v4;
	v25 =	vld [tilespmem:$0x1F9C0]  }
0x32a: {  	v44 =	vld [tilespmem:s17+$0x11030]  }
0x32b: {  	v51 =	vld [tilespmem:s17+$0x9040]  }
0x32c: {  	s19 =	sor.u32 $0xC, s21;
	v38 =	vld [tilespmem:s17+$0x9050]  }
0x32d: {  	s28 =	sshll.u32 s19, $0x7;
	v29 =	vld [tilespmem:s17+$0x9070]  }
0x32e: {  	v46 =	vld [tilespmem:s28+$0x9000];
	v3 =	vadd.f32 v11, v3;
	v16 =	vmul.f32 v45, v42;
	v11 =	vmul.f32 v25, v19  }
0x32f: {  	v50 =	vld [tilespmem:s17+$0x11050]  }
0x330: {  	v36 =	vld [tilespmem:s17+$0x9060];
	v15 =	vadd.f32 v11, v3;
	v3 =	vadd.f32 v16, v4;
	v4 =	vmul.f32 v17, v37  }
0x331: {  	v52 =	vld [tilespmem:s17+$0x11060]  }
0x332: {  	v3 =	vadd.f32 v4, v3;
	v4 =	vld [tilespmem:$0x1F9E0]  }
0x333: {  	v31 =	vld [tilespmem:s17+$0x11070]  }
0x334: {  	v34 =	vld [tilespmem:s28+$0x11000]  }
0x335: {  	v8 =	vadd.f32 v57, v8;
	v57 =	vmul.f32 v19, v58;
	v45 =	vld [tilespmem:s28+$0x9010]  }
0x336: {  	v25 =	vmul.f32 v42, v6;
	v42 =	vld [tilespmem:s28+$0x11010]  }
0x337: {  	v19 =	vld [tilespmem:s28+$0x11020];
	v16 =	vadd.f32 v57, v2;
	v4 =	vmul.f32 v4, v55  }
0x338: {  	v17 =	vld [tilespmem:s28+$0x9020];
	v57 =	vadd.f32 v25, v8;
	v8 =	vmul.f32 v37, v7;
	v25 =	vmul.f32 v55, v54  }
0x339: {  	v37 =	vld [tilespmem:s28+$0x9030];
	v55 =	vmul.f32 v23, v28;
	v3 =	vadd.f32 v4, v3;
	v4 =	vmul.f32 v14, v39  }
0x33a: {  	v2 =	vadd.f32 v8, v57;
	v8 =	vmul.f32 v35, v48;
	v35 =	vld [tilespmem:s28+$0x11030]  }
0x33b: {  	v4 =	vadd.f32 v55, v4;
	v55 =	vld [tilespmem:$0x1F9F0]  }
0x33c: {  	v52 =	vmul.f32 v52, v36;
	v48 =	vmul.f32 v48, v60;
	v2 =	vadd.f32 v25, v2;
	v25 =	vld [tilespmem:s28+$0x9050]  }
0x33d: {  	v57 =	vmul.f32 v39, v63;
	v23 =	vld [tilespmem:s28+$0x9040];
	v28 =	vmul.f32 v28, v61  }
0x33e: {  	v2 =	vadd.f32 v48, v2;
	v39 =	vld [tilespmem:s28+$0x11040];
	v3 =	vadd.f32 v8, v3;
	v8 =	vmul.f32 v22, v20  }
0x33f: {  	v48 =	vmul.f32 v20, v5;
	v9 =	vadd.f32 v28, v57;
	v57 =	vmul.f32 v40, v21;
	v40 =	vld [tilespmem:s28+$0x9060]  }
0x340: {  	v21 =	vmul.f32 v21, v6;
	v28 =	vld [tilespmem:s28+$0x9070];
	v4 =	vadd.f32 v8, v4;
	v14 =	vmul.f32 v55, v24  }
0x341: {  	v20 =	vld [tilespmem:s28+$0x11050];
	v11 =	vadd.f32 v48, v9;
	v22 =	vmul.f32 v32, v60;
	v24 =	vmul.f32 v24, v58  }
0x342: {  	s17 =	sor.u32 $0xD, s21;
	v48 =	vld [tilespmem:s28+$0x11060];
	v8 =	vadd.f32 v14, v3;
	v3 =	vadd.f32 v57, v4;
	v4 =	vmul.f32 v10, v30  }
0x343: {  	s29 =	sshll.u32 s17, $0x7;
	v55 =	vmul.f32 v27, v54;
	v14 =	vadd.f32 v21, v11;
	v30 =	vmul.f32 v30, v7;
	v21 =	vld [tilespmem:s28+$0x11070]  }
0x344: {  	v9 =	vadd.f32 v24, v2;
	v24 =	vld [tilespmem:s29+$0x9000];
	v3 =	vadd.f32 v4, v3;
	v4 =	vmul.f32 v33, v27  }
0x345: {  	v57 =	vmul.f32 v41, v32;
	v41 =	vmul.f32 v53, v0;
	v32 =	vld [tilespmem:s29+$0x9010];
	v2 =	vadd.f32 v30, v14  }
0x346: {  	v53 =	vmul.f32 v56, v63;
	v0 =	vmul.f32 v0, v61;
	v27 =	vld [tilespmem:s29+$0x11000];
	v3 =	vadd.f32 v4, v3  }
0x347: {  	v33 =	vld [tilespmem:s29+$0x11010];
	v4 =	vmul.f32 v62, v56;
	v2 =	vadd.f32 v55, v2;
	v55 =	vmul.f32 v1, v43  }
0x348: {  	v30 =	vld [tilespmem:s29+$0x9020];
	v0 =	vadd.f32 v0, v53;
	v56 =	vmul.f32 v43, v5;
	v62 =	vmul.f32 v44, v12  }
0x349: {  	v53 =	vld [tilespmem:s29+$0x9040];
	v44 =	vmul.f32 v51, v7;
	v3 =	vadd.f32 v57, v3;
	v4 =	vadd.f32 v41, v4  }
0x34a: {  	v43 =	vld [tilespmem:s29+$0x9030];
	v2 =	vadd.f32 v22, v2;
	v57 =	vmul.f32 v49, v26;
	v26 =	vmul.f32 v26, v58  }
0x34b: {  	v41 =	vld [tilespmem:s29+$0x11020];
	v0 =	vadd.f32 v56, v0;
	v22 =	vmul.f32 v12, v6;
	v4 =	vadd.f32 v55, v4  }
0x34c: {  	v49 =	vld [tilespmem:s29+$0x11030];
	v56 =	vmul.f32 v42, v45;
	v12 =	vadd.f32 v57, v3;
	v11 =	vadd.f32 v26, v2  }
0x34d: {  	v42 =	vld [tilespmem:s29+$0x9060];
	v55 =	vmul.f32 v36, v60;
	v3 =	vadd.f32 v62, v4;
	v4 =	vmul.f32 v59, v51  }
0x34e: {  	v0 =	vadd.f32 v22, v0;
	v26 =	vld [tilespmem:s29+$0x11040];
	v57 =	vmul.f32 v46, v63;
	v59 =	vmul.f32 v45, v61  }
0x34f: {  	v36 =	vld [tilespmem:s29+$0x11050];
	v51 =	vmul.f32 v38, v54;
	v3 =	vadd.f32 v4, v3;
	v4 =	vmul.f32 v50, v38  }
0x350: {  	v0 =	vadd.f32 v44, v0;
	v45 =	vld [tilespmem:s29+$0x11060];
	v62 =	vmul.f32 v17, v5;
	v10 =	vadd.f32 v59, v57  }
0x351: {  	v38 =	vld [tilespmem:s29+$0x9050];
	v3 =	vadd.f32 v4, v3;
	v4 =	vmul.f32 v34, v46  }
0x352: {  	v0 =	vadd.f32 v51, v0;
	v22 =	vadd.f32 v62, v10;
	v62 =	vmul.f32 v41, v30;
	v41 =	vld [tilespmem:$0x1FA10]  }
0x353: {  	v2 =	vadd.f32 v52, v3;
	v3 =	vadd.f32 v56, v4;
	v4 =	vmul.f32 v19, v17;
	v19 =	vld [tilespmem:s29+$0x9070]  }
0x354: {  	s22 =	sor.u32 $0xE, s21;
	v0 =	vadd.f32 v55, v0;
	v55 =	vmul.f32 v40, v60;
	v17 =	vld [tilespmem:s29+$0x11070]  }
0x355: {  	s29 =	sshll.u32 s22, $0x7;
	v52 =	vmul.f32 v48, v40;
	v40 =	vmul.f32 v49, v43;
	v49 =	vld [tilespmem:$0x1FA30]  }
0x356: {  	v31 =	vmul.f32 v31, v29;
	v29 =	vmul.f32 v29, v58;
	v34 =	vld [tilespmem:s29+$0x9000]  }
0x357: {  	v44 =	vld [tilespmem:s29+$0x11000]  }
0x358: {  	v14 =	vadd.f32 v29, v0;
	v29 =	vld [tilespmem:s29+$0x11010]  }
0x359: {  	v56 =	vmul.f32 v33, v32;
	v33 =	vld [tilespmem:s29+$0x9030]  }
0x35a: {  	v59 =	vmul.f32 v32, v61;
	v32 =	vld [tilespmem:s29+$0x11030]  }
0x35b: {  	v48 =	vmul.f32 v26, v53;
	v26 =	vld [tilespmem:s29+$0x11060]  }
0x35c: {  	v3 =	vadd.f32 v4, v3;
	v4 =	vmul.f32 v35, v37;
	v35 =	vld [tilespmem:s29+$0x11020]  }
0x35d: {  	s15 =	sshll.u32 s21, $0x4;
	v10 =	vadd.f32 v31, v2;
	v31 =	vld [tilespmem:s29+$0x9050]  }
0x35e: {  	v37 =	vmul.f32 v37, v6;
	[tilespmem:s15+$0x16800] =	vst v41;
	v41 =	vld [tilespmem:$0x1FAB0]  }
0x35f: {  	v46 =	vadd.f32 v4, v3;
	v4 =	vld [tilespmem:s29+$0x9010]  }
0x360: {  	v50 =	vadd.f32 v37, v22;
	v37 =	vmul.f32 v30, v5;
	v30 =	vld [tilespmem:s29+$0x11040]  }
0x361: {  	v3 =	vmul.f32 v39, v23;
	v39 =	vld [tilespmem:$0x1FA00]  }
0x362: {  	v51 =	vmul.f32 v25, v54;
	[tilespmem:s15+$0x16810] =	vst v49;
	v49 =	vld [tilespmem:$0x1FA70]  }
0x363: {  	v23 =	vmul.f32 v23, v7;
	v2 =	vadd.f32 v3, v46;
	v3 =	vmul.f32 v20, v25;
	v25 =	vld [tilespmem:s29+$0x9020]  }
0x364: {  	v57 =	vmul.f32 v24, v63;
	v46 =	vld [tilespmem:$0x1FA20]  }
0x365: {  	v0 =	vadd.f32 v23, v50;
	v23 =	vld [tilespmem:s29+$0x9060]  }
0x366: {  	v20 =	vadd.f32 v59, v57;
	v57 =	vld [tilespmem:$0x1FA50]  }
0x367: {  	v59 =	vmul.f32 v45, v42;
	v45 =	vld [tilespmem:$0x1FAC0]  }
0x368: {  	[tilespmem:s15+$0x16860] =	vst v47;
	s28 =	sor.u32 $0xF, s21;
	v2 =	vadd.f32 v3, v2;
	v3 =	vmul.f32 v27, v24;
	v27 =	vld [tilespmem:s29+$0x9040]  }
0x369: {  	[tilespmem:s15+$0x16870] =	vst v13;
	s30 =	sshll.u32 s28, $0x7;
	v20 =	vadd.f32 v37, v20;
	v37 =	vld [tilespmem:s29+$0x11050]  }
0x36a: {  	[tilespmem:s15+$0x15870] =	vst v18;
	v21 =	vmul.f32 v21, v28;
	v43 =	vmul.f32 v43, v6;
	v0 =	vadd.f32 v51, v0;
	v51 =	vld [tilespmem:s30+$0x11000]  }
0x36b: {  	s9 =	sshll.u32 s9, $0x4;
	v28 =	vmul.f32 v28, v58;
	[tilespmem:s15+$0x15800] =	vst v39;
	v39 =	vld [tilespmem:s29+$0x11070];
	v2 =	vadd.f32 v52, v2;
	v3 =	vadd.f32 v56, v3  }
0x36c: {  	[tilespmem:s9+$0x15800] =	vst v15;
	v50 =	vmul.f32 v53, v7;
	v0 =	vadd.f32 v55, v0;
	v20 =	vadd.f32 v43, v20;
	v52 =	vld [tilespmem:$0x1FA40]  }
0x36d: {  	[tilespmem:s9+$0x16800] =	vst v16;
	v55 =	vmul.f32 v36, v38;
	v56 =	vmul.f32 v38, v54;
	v38 =	vld [tilespmem:s30+$0x9020];
	v3 =	vadd.f32 v62, v3  }
0x36e: {  	v17 =	vmul.f32 v17, v19;
	v19 =	vmul.f32 v19, v58;
	[tilespmem:s15+$0x15810] =	vst v46;
	v46 =	vld [tilespmem:$0x1FA60]  }
0x36f: {  	v29 =	vmul.f32 v29, v4;
	v43 =	vld [tilespmem:s30+$0x11020];
	[tilespmem:s15+$0x16820] =	vst v57;
	v20 =	vadd.f32 v50, v20;
	v3 =	vadd.f32 v40, v3  }
0x370: {  	s10 =	sshll.u32 s10, $0x4;
	v4 =	vmul.f32 v4, v61;
	v57 =	vld [tilespmem:s30+$0x11010];
	[tilespmem:s15+$0x15860] =	vst v45;
	v45 =	vmul.f32 v26, v23  }
0x371: {  	[tilespmem:s10+$0x15800] =	vst v8;
	v62 =	vmul.f32 v42, v60;
	v40 =	vld [tilespmem:s30+$0x9000];
	v20 =	vadd.f32 v56, v20;
	v3 =	vadd.f32 v48, v3  }
0x372: {  	v2 =	vadd.f32 v21, v2;
	v0 =	vadd.f32 v28, v0;
	v56 =	vld [tilespmem:$0x1FA90];
	[tilespmem:s15+$0x15820] =	vst v52;
	v48 =	vmul.f32 v44, v34  }
0x373: {  	v50 =	vmul.f32 v34, v63;
	v52 =	vld [tilespmem:$0x1FA80];
	[tilespmem:s15+$0x15830] =	vst v46;
	v20 =	vadd.f32 v62, v20;
	v3 =	vadd.f32 v55, v3  }
0x374: {  	v44 =	vmovc v5;
	v62 =	vmul.f32 v32, v33;
	v46 =	vmul.f32 v30, v27;
	v21 =	vadd.f32 v29, v48;
	v29 =	vld [tilespmem:s30+$0x9010]  }
0x375: {  	v5 =	vmovc v6;
	v32 =	vmul.f32 v43, v38;
	v34 =	vmul.f32 v31, v54;
	v3 =	vadd.f32 v59, v3;
	v59 =	vld [tilespmem:$0x1FAA0]  }
0x376: {  	v4 =	vadd.f32 v4, v50;
	v50 =	vld [tilespmem:s30+$0x11030];
	v6 =	vmovc v7;
	v42 =	vmul.f32 v33, v5;
	v55 =	vmul.f32 v35, v25  }
0x377: {  	[tilespmem:s15+$0x16830] =	vst v49;
	v49 =	vmul.f32 v27, v6;
	v25 =	vmul.f32 v25, v44;
	v48 =	vld [tilespmem:s30+$0x9030];
	v19 =	vadd.f32 v19, v20  }
0x378: {  	v36 =	vld [tilespmem:s29+$0x9070];
	v35 =	vmul.f32 v38, v44;
	[tilespmem:s15+$0x16840] =	vst v56;
	v51 =	vmul.f32 v51, v40;
	v21 =	vadd.f32 v55, v21  }
0x379: {  	v56 =	vmul.f32 v40, v63;
	[tilespmem:s15+$0x15840] =	vst v52;
	v4 =	vadd.f32 v25, v4;
	v55 =	vld [tilespmem:s30+$0x9040];
	v52 =	vmul.f32 v57, v29  }
0x37a: {  	v1 =	vadd.f32 v17, v3;
	v3 =	vadd.f32 v62, v21;
	v57 =	vmul.f32 v29, v61;
	[tilespmem:s15+$0x15850] =	vst v59;
	v59 =	vld [tilespmem:s30+$0x11040]  }
0x37b: {  	s12 =	sshll.u32 s12, $0x4;
	[tilespmem:s10+$0x16800] =	vst v9;
	v33 =	vld [tilespmem:s30+$0x9050];
	v4 =	vadd.f32 v42, v4;
	v62 =	vmul.f32 v37, v31;
	v17 =	vadd.f32 v52, v51  }
0x37c: {  	[tilespmem:s12+$0x15800] =	vst v12;
	v37 =	vld [tilespmem:s30+$0x11050];
	v38 =	vmul.f32 v50, v48;
	v3 =	vadd.f32 v46, v3;
	v13 =	vadd.f32 v57, v56  }
0x37d: {  	[tilespmem:s12+$0x16800] =	vst v11;
	v43 =	vld [tilespmem:s30+$0x11060];
	v42 =	vmul.f32 v48, v5;
	v4 =	vadd.f32 v49, v4;
	v8 =	vadd.f32 v32, v17  }
0x37e: {  	s13 =	sshll.u32 s13, $0x4;
	[tilespmem:s15+$0x16850] =	vst v41;
	v40 =	vld [tilespmem:s30+$0x9060];
	v49 =	vmul.f32 v23, v60;
	v50 =	vmul.f32 v55, v6;
	v41 =	vadd.f32 v35, v13  }
0x37f: {  	v47 =	vld [tilespmem:s30+$0x9070];
	[tilespmem:s13+$0x16800] =	vst v14;
	v3 =	vadd.f32 v62, v3;
	v8 =	vadd.f32 v38, v8;
	v46 =	vmul.f32 v59, v55  }
0x380: {  	[tilespmem:s13+$0x15800] =	vst v10;
	v48 =	vld [tilespmem:s30+$0x11070];
	v52 =	vmul.f32 v33, v54;
	v4 =	vadd.f32 v34, v4;
	v9 =	vadd.f32 v42, v41  }
0x381: {  	v53 =	vmovc v60;
	v51 =	vmul.f32 v37, v33;
	v3 =	vadd.f32 v45, v3;
	v8 =	vadd.f32 v46, v8  }
0x382: {  	v7 =	vmovc v54;
	s15 =	sshll.u32 s19, $0x4;
	v57 =	vmul.f32 v36, v58;
	v4 =	vadd.f32 v49, v4;
	v9 =	vadd.f32 v50, v9  }
0x383: {  	[tilespmem:s15+$0x15800] =	vst v2;
	v55 =	vmul.f32 v43, v40;
	v54 =	vadd.f32 v51, v8;
	v8 =	vmul.f32 v39, v36  }
0x384: {  	s19 =	sshll.u32 s17, $0x4;
	[tilespmem:s15+$0x16800] =	vst v0;
	v59 =	vmul.f32 v40, v60;
	v4 =	vadd.f32 v57, v4;
	v56 =	vadd.f32 v52, v9  }
0x385: {  	p1 =	slt.u32 s21, $0x70;
	[tilespmem:s19+$0x15800] =	vst v1;
	v60 =	vadd.f32 v8, v3;
	v2 =	vadd.f32 v55, v54;
	v3 =	vmul.f32 v48, v47  }
.Ltmp4:
0x386: {  	s22 =	sshll.u32 s22, $0x4;
	[tilespmem:s19+$0x16800] =	vst v19;
	v0 =	vadd.f32 v59, v56;
	v8 =	vmul.f32 v47, v58;
	(pc) =	sbr.rel @p1 .LBB2_11-.Ltmp4, $4  }
0x387: {  	[tilespmem:s22+$0x16800] =	vst v4;
	v62 =	vadd.f32 v3, v2  }
0x388: {  	s29 =	sshll.u32 s28, $0x4;
	[tilespmem:s22+$0x15800] =	vst v60;
	v0 =	vadd.f32 v8, v0  }
0x389: {  	s30 =	sadd.s32 $0x10, s21;
	[tilespmem:s29+$0x15800] =	vst v62  }
0x38a: {  	s21 =	smov.u32 s30;
	[tilespmem:s29+$0x16800] =	vst v0  }
0x38b: {  	s9 =	sadd.s32 s8, s14;
	s31 =	sadd.s32 $0x1, s31  }
0x38c: {  	s9 =	sshll.u32 s9, $0x1;
	p1 =	sne.s32 s31, $0x14  }
.Ltmp5:
0x38d: {  	s9 =	sand.u32 $0x1FFFFF00, s9;
	(pc) =	sbr.rel @p1 .LBB2_8-.Ltmp5, $4  }
0x38e: {  	s10 =	sadd.s32 s6, s9  }
0x38f: {  	[hbm4b:s10+s5] =	stream.linear.scatter [tilespmem:s25], [sflag:$0x5], $0x800, $0x38;
	[tilespmem:$0x18970] =	vst v63  }
0x390: {  	s9 =	sadd.s32 s7, s9  }
0x391: {  	v2 =	vmov v58;
	v3 =	vmov v63;
	v4 =	vmov v61;
	[hbm4b:s9+s5] =	stream.linear.scatter [tilespmem:s26], [sflag:$0x5], $0x800, $0x38;
	[tilespmem:$0x18970] =	vst v63  }
0x392: {  	s9 =	simm.s32 $0x4  }
0x393: {  	_ =	swait.ge [sflag:s9], $0x800  }
0x394: {  	[sflag:s9] =	ssyncset.done $0x0  }
0x395: {  	[sflag:s9] =	ssyncadd.s32 $0xFFFFF800  }
0x396: {  	_ =	swait.ge [sflag:s9], $0x800  }
0x397: {  	[sflag:s9] =	ssyncset.done $0x0  }
0x398: {  	s10 =	simm.s32 $0x5;
	[sflag:s9] =	ssyncadd.s32 $0xFFFFF800  }
0x399: {  	_ =	swait.ge [sflag:s10], $0x800  }
0x39a: {  	[sflag:s10] =	ssyncset.done $0x0  }
0x39b: {  	[sflag:s10] =	ssyncadd.s32 $0xFFFFF800  }
0x39c: {  	_ =	swait.ge [sflag:s10], $0x800  }
0x39d: {  	s12 =	rddreg [dreg:$0xc]  }
0x39e: {  	s31 =	rddreg [dreg:$0xa];
	s12 =	sadd.s32 $0x1, s12  }
0x39f: {  	p1 =	sne.s32 s12, s31  }
.Ltmp6:
0x3a0: {  	_ = 	snop;
	(pc) =	sbr.rel @p1 .LBB2_1-.Ltmp6, $3  }
0x3a1: {  	_ =	sdelay $0x1  }
0x3a2: {  	s13 =	simm.s32 $0x6;
	s15 =	simm.s32 $0x2800;
	[sflag:s10] =	ssyncset.done $0x0  }
0x3a3: {  	s17 =	simm.s32 $0x5000;
	s19 =	simm.s32 $0x3C00;
	[sflag:s10] =	ssyncadd.s32 $0xFFFFF800  }
0x3a4: {  	_ =	sfence.sel $0x180000  }
0x3a5: {  	[bflag:$0x0] =	sbarrier.arrive $0xFFFF  }
0x3a6: {  	_ =	strace $0x90000047  }
0x3a7: {  	[bflag:$0x2] =	sbarrier.arrive $0xFFFF  }
0x3a8: {  	s0 =	rddreg [dreg:$0x7]  }
0x3a9: {  	s0 =	sadd.s32 @!p0 $0x100000, s0  }
0x3aa: {  	[sflag:s0] =	ssyncadd.tile.s32 @!p0 $0x1;
	_ =	shalt  }
.Lfunc_end2:
_tile_overlayer_lowered:
.L_overlay_start_2:
0x3ab: {  	(tag) =	ssettag $0x2  }
0x3ac: {  	s0 =	rddreg [dreg:$0x0];
	s2 =	stileid.u32  }
0x3ad: {  	s1 =	rddreg [dreg:$0x1];
	p0 =	sne.s32 s2, $0x0  }
0x3ae: {  	s3 =	rddreg [dreg:$0x2];
	[bflag:$0x3] =	sbarrier.arrive $0xFFFF;
	s2 =	simm.s32 @!p0 $0x1C06  }
0x3af: {  	[timem:s3], [sflag:s2] =	dma.local @!p0 [hbm:s0], s1  }
0x3b0: {  	s0 =	simm.s32 @!p0 $0x6  }
0x3b1: {  	_ =	swait.ge @!p0 [sflag:s0], s1  }
0x3b2: {  	s1 =	ssub.s32 @!p0 $0x0, s1;
	[sflag:s0] =	ssyncset.done @!p0 $0x0  }
0x3b3: {  	[sflag:s0] =	ssyncadd.s32 @!p0 s1  }
0x3b4: {  	[bflag:$0x3] =	sbarrier.arrive $0xFFFF  }
0x3b5: {  	_ =	shalt  }

</sc_bundles>
